<compile_context>
chip_gen: v7x
topology: tpu7x:2x2x1
jax: 0.10.2.dev20260603
libtpu: 0.0.44.dev20260713+nightly
codegen_flags: <defaults>
</compile_context>

<pallas_src>
import functools

import jax
import jax.numpy as jnp
from jax import lax
from jax.experimental import pallas as pl
from jax.experimental.pallas import tpu as pltpu
from jax.experimental.pallas import tpu_sc as plsc

NUM_CORES = 2
NUM_SUBCORES = 16
LANES = 16
NW = NUM_CORES * NUM_SUBCORES



def _weights_body(eft_ref, w_ref, b_ref, o_ref):
    o_ref[...] = (
        lax.dot_general(
            eft_ref[...],
            w_ref[...],
            (((0,), (0,)), ((), ())),
            preferred_element_type=jnp.float32,
        )
        + b_ref[...]
    )


def _combine_body(c_channel, p_ref, o_ref):
    s = p_ref[0] + p_ref[1]
    cnt = s[:, c_channel : c_channel + 1]
    o_ref[...] = s[:, :c_channel] / jnp.maximum(cnt, 1.0)


def _make_sc_kernel(N, E, C, CW, EPW, K, NCH):
    RPS = N // NUM_SUBCORES
    RZ = 25
    NCH2 = NCH // 2
    mesh = plsc.VectorSubcoreMesh(
        core_axis_name="c",
        subcore_axis_name="s",
        num_cores=NUM_CORES,
        num_subcores=NUM_SUBCORES,
    )

    @functools.partial(
        pl.kernel,
        out_type=jax.ShapeDtypeStruct((NUM_CORES, N, CW), jnp.float32),
        mesh=mesh,
        compiler_params=pltpu.CompilerParams(use_tc_tiling_on_sc=False),
        scratch_types=[
            pltpu.VMEM_SHARED((N, CW), jnp.float32),
            pltpu.VMEM((2, K), jnp.int32),
            pltpu.VMEM((2, K), jnp.int32),
            pltpu.VMEM((2, K, C), jnp.float32),
            pltpu.VMEM((2, K, C), jnp.float32),
            pltpu.VMEM((2, K, CW), jnp.float32),
            pltpu.VMEM((RZ, CW), jnp.float32),
            pltpu.SemaphoreType.DMA,
            pltpu.SemaphoreType.DMA,
            pltpu.SemaphoreType.DMA,
            pltpu.SemaphoreType.DMA,
            pltpu.SemaphoreType.DMA,
            pltpu.SemaphoreType.DMA,
            pltpu.SemaphoreType.DMA,
            pltpu.SemaphoreType.DMA,
        ],
    )
    def sc_kernel(
        x_hbm,
        idx_hbm,
        seg_hbm,
        w_hbm,
        out_hbm,
        acc_sh,
        idx_v,
        seg_v,
        w_v,
        xr_v,
        prod_v,
        zbuf,
        sem_i0,
        sem_i1,
        sem_s0,
        sem_s1,
        sem_w0,
        sem_w1,
        sem_g0,
        sem_g1,
    ):
        cid = lax.axis_index("c")
        sid = lax.axis_index("s")
        wid = cid * NUM_SUBCORES + sid
        wbase = wid * EPW
        sem_i = (sem_i0, sem_i1)
        sem_s = (sem_s0, sem_s1)
        sem_w = (sem_w0, sem_w1)
        sem_g = (sem_g0, sem_g1)

        zero16 = jnp.zeros((LANES,), jnp.float32)

        def zrow(j, _):
            for cc in range(CW // LANES):
                zbuf[j, pl.ds(cc * LANES, LANES)] = zero16
            return 0

        lax.fori_loop(0, RZ, zrow, 0)

        def zcp(t, _):
            pltpu.sync_copy(zbuf, acc_sh.at[pl.ds(sid * RPS + t * RZ, RZ)])
            return 0

        lax.fori_loop(0, RPS // RZ, zcp, 0)

        unit16 = jnp.where(
            lax.iota(jnp.int32, LANES) == 0,
            jnp.full((LANES,), 1.0, jnp.float32),
            zero16,
        )

        def tinit(j, _):
            prod_v[0, j, pl.ds(C, LANES)] = unit16
            prod_v[1, j, pl.ds(C, LANES)] = unit16
            return 0

        lax.fori_loop(0, K, tinit, 0)
        plsc.subcore_barrier()

        def loads_issue(c, b):
            base = wbase + c * K
            pltpu.async_copy(idx_hbm.at[pl.ds(base, K)], idx_v.at[b], sem_i[b])
            pltpu.async_copy(seg_hbm.at[pl.ds(base, K)], seg_v.at[b], sem_s[b])
            pltpu.async_copy(w_hbm.at[pl.ds(base, K)], w_v.at[b], sem_w[b])

        def wait_idx(b):
            pltpu.make_async_copy(
                idx_hbm.at[pl.ds(0, K)], idx_v.at[b], sem_i[b]
            ).wait()

        def wait_seg(b):
            pltpu.make_async_copy(
                seg_hbm.at[pl.ds(0, K)], seg_v.at[b], sem_s[b]
            ).wait()

        def wait_w(b):
            pltpu.make_async_copy(
                w_hbm.at[pl.ds(0, K)], w_v.at[b], sem_w[b]
            ).wait()

        def gather_issue(b):
            pltpu.async_copy(x_hbm.at[idx_v.at[b]], xr_v.at[b], sem_g[b])

        def wait_gather(b):
            pltpu.make_async_copy(
                x_hbm.at[idx_v.at[b]], xr_v.at[b], sem_g[b]
            ).wait()

        def compute(b):
            @plsc.parallel_loop(0, K, 1, unroll=8)
            def _mul(j):
                for cc in range(C // LANES):
                    sl = pl.ds(cc * LANES, LANES)
                    prod_v[b, j, sl] = xr_v[b, j, sl] * w_v[b, j, sl]

        def scatter(b):
            pltpu.sync_copy(prod_v.at[b], acc_sh.at[seg_v.at[b]], add=True)

        loads_issue(0, 0)
        loads_issue(1, 1)
        wait_idx(0)
        gather_issue(0)

        def pipe(ii, _):
            c0 = 2 * ii
            wait_idx(1)
            gather_issue(1)
            wait_gather(0)
            wait_w(0)
            compute(0)
            wait_seg(0)
            scatter(0)
            loads_issue(c0 + 2, 0)
            wait_idx(0)
            gather_issue(0)
            wait_gather(1)
            wait_w(1)
            compute(1)
            wait_seg(1)
            scatter(1)
            loads_issue(c0 + 3, 1)
            return 0

        lax.fori_loop(0, NCH2 - 1, pipe, 0)

        wait_idx(1)
        gather_issue(1)
        wait_gather(0)
        wait_w(0)
        compute(0)
        wait_seg(0)
        scatter(0)
        wait_gather(1)
        wait_w(1)
        compute(1)
        wait_seg(1)
        scatter(1)

        plsc.subcore_barrier()
        pltpu.sync_copy(
            acc_sh.at[pl.ds(sid * RPS, RPS)],
            out_hbm.at[cid, pl.ds(sid * RPS, RPS)],
        )

    return sc_kernel


def kernel(x, idxn, segment_ids, edgefeats, fnet_w, fnet_b):
    N, C = x.shape
    E, DE = edgefeats.shape
    CW = C + LANES

    BE = 2560
    weights = pl.pallas_call(
        _weights_body,
        grid=(E // BE,),
        in_specs=[
            pl.BlockSpec((DE, BE), lambda i: (0, i)),
            pl.BlockSpec((DE, C), lambda i: (0, 0)),
            pl.BlockSpec((1, C), lambda i: (0, 0)),
        ],
        out_specs=pl.BlockSpec((BE, C), lambda i: (i, 0)),
        out_shape=jax.ShapeDtypeStruct((E, C), jnp.float32),
    )(edgefeats.T, fnet_w, fnet_b.reshape(1, C))

    EPW = E // NW
    K = 40
    NCH = EPW // K
    sc_kernel = _make_sc_kernel(N, E, C, CW, EPW, K, NCH)
    partial = sc_kernel(x, idxn, segment_ids, weights)

    BN = 2000
    out = pl.pallas_call(
        functools.partial(_combine_body, C),
        grid=(N // BN,),
        in_specs=[pl.BlockSpec((NUM_CORES, BN, CW), lambda i: (0, i, 0))],
        out_specs=pl.BlockSpec((BN, C), lambda i: (i, 0)),
        out_shape=jax.ShapeDtypeStruct((N, C), jnp.float32),
    )(partial)
    return out

# --- scband reference (transcript-rebuilt; emitter-appended) ---
"""Pipeline reference for scband-graph-conv-module-39642548142690 (READ-ONLY COPY).

The authoritative reference and input builder live on the scoring server;
editing this copy changes nothing except your own understanding.
"""

import jax, jax.numpy as jnp
import numpy as np

N = 10000
E = 320000
C = 128
DE = 16


def setup_inputs(seed: int = 0) -> dict:
    key = jax.random.key(seed)
    ks = jax.random.split(key, 6)
    x = jax.random.normal(ks[0], (N, C), dtype=jnp.float32)
    idxn = jax.random.randint(ks[1], (E,), 0, N, dtype=jnp.int32)
    segment_ids = jnp.sort(jax.random.randint(ks[2], (E,), 0, N, dtype=jnp.int32))
    edgefeats = jax.random.normal(ks[3], (E, DE), dtype=jnp.float32)
    fnet_w = jax.random.normal(ks[4], (DE, C), dtype=jnp.float32) * (1.0 / np.sqrt(DE))
    fnet_b = jnp.zeros((C,), dtype=jnp.float32)
    return {"x": x, "idxn": idxn, "segment_ids": segment_ids, "edgefeats": edgefeats, "fnet_w": fnet_w, "fnet_b": fnet_b}


def reference(x, idxn, segment_ids, edgefeats, fnet_w, fnet_b):
    # filter_net: per-edge weights from edge features (diagonal weight case,
    # weights.dim()==2 with in_channels == out_channels)
    weights = edgefeats @ fnet_w + fnet_b                     # [E, C]
    # gather source-node signal per edge (torch.index_select(input, 0, idxn))
    sel = jnp.take(x, idxn, axis=0)                           # [E, C]
    # elementwise multiply (torch.mul(a, b.expand_as(a)))
    products = sel * weights                                  # [E, C]
    # mean-aggregate per destination node (edges are grouped/sorted by dst,
    # matching degs-based contiguous aggregation in the original)
    n = x.shape[0]
    sums = jax.ops.segment_sum(products, segment_ids, num_segments=n)
    counts = jax.ops.segment_sum(jnp.ones((idxn.shape[0],), jnp.float32), segment_ids, num_segments=n)
    # nodes with degree 0 produce 0 output (sums are already 0)
    out = sums / jnp.maximum(counts, 1.0)[:, None]
    return out

if __name__ == "__main__":
    import jax
    _d = setup_inputs()
    print(jax.jit(kernel)(*tuple(_d.values())))

</pallas_src>

<mosaic_0001>
#map = affine_map<(d0, d1) -> (0, 0)>
#map1 = affine_map<(d0, d1) -> (0)>
#map2 = affine_map<(d0, d1) -> (0, 0, 0)>
module attributes {stable_mosaic.version = 14 : i64} {
  func.func @sc_kernel(%arg0: i32, %arg1: i32, %arg2: memref<10000x128xf32, #tpu.memory_space<hbm>>, %arg3: memref<320000xi32, #tpu.memory_space<hbm>>, %arg4: memref<320000xi32, #tpu.memory_space<hbm>>, %arg5: memref<320000x128xf32, #tpu.memory_space<hbm>>, %arg6: memref<2x10000x144xf32, #tpu.memory_space<hbm>>, %arg7: memref<10000x144xf32, #tpu.memory_space<vmem_shared>>, %arg8: memref<2x40xi32, #tpu.memory_space<vmem>>, %arg9: memref<2x40xi32, #tpu.memory_space<vmem>>, %arg10: memref<2x40x128xf32, #tpu.memory_space<vmem>>, %arg11: memref<2x40x128xf32, #tpu.memory_space<vmem>>, %arg12: memref<2x40x144xf32, #tpu.memory_space<vmem>>, %arg13: memref<25x144xf32, #tpu.memory_space<vmem>>, %arg14: memref<!tpu.dma_semaphore, #tpu.memory_space<semaphore_mem>>, %arg15: memref<!tpu.dma_semaphore, #tpu.memory_space<semaphore_mem>>, %arg16: memref<!tpu.dma_semaphore, #tpu.memory_space<semaphore_mem>>, %arg17: memref<!tpu.dma_semaphore, #tpu.memory_space<semaphore_mem>>, %arg18: memref<!tpu.dma_semaphore, #tpu.memory_space<semaphore_mem>>, %arg19: memref<!tpu.dma_semaphore, #tpu.memory_space<semaphore_mem>>, %arg20: memref<!tpu.dma_semaphore, #tpu.memory_space<semaphore_mem>>, %arg21: memref<!tpu.dma_semaphore, #tpu.memory_space<semaphore_mem>>) attributes {dimension_semantics = [#tpu.dimension_semantics<core_parallel>, #tpu.dimension_semantics<subcore_parallel>], iteration_bounds = array<i64: 2, 16>, scalar_prefetch = 0 : i64, scratch_operands = 15 : i64, tpu.core_type = #tpu.core_type<sc_vector_subcore>, window_params = [{transform_indices = #map}, {transform_indices = #map1}, {transform_indices = #map1}, {transform_indices = #map}, {transform_indices = #map2}]} {
    %mul3A = arith.constant 16 : i32
    %mul3A_0 = arith.muli %arg0, %mul3A : i32
    %add3A = arith.addi %mul3A_0, %arg1 : i32
    %mul3A_1 = arith.constant 10000 : i32
    %mul3A_2 = arith.muli %add3A, %mul3A_1 : i32
    %broadcast_in_dim3A = arith.constant 0.000000e+00 : f32
    %broadcast_in_dim3A_3 = vector.broadcast %broadcast_in_dim3A : f32 to vector<16xf32>
    %scan3A = arith.constant 0 : i32
    %scan3A_4 = arith.constant 0 : i32
    %scan3A_5 = arith.constant 25 : i32
    %scan3A_6 = arith.addi %scan3A_4, %scan3A_5 : i32
    %scan3A_7 = arith.constant 1 : i32
    %scan3A_8 = scf.for %scan3A_234 = %scan3A_4 to %scan3A_6 step %scan3A_7 iter_args(%scan3A_235 = %scan3A) -> (i32)  : i32 {
      %swap3A = arith.index_cast %scan3A_234 : i32 to index
      %swap3A_236 = arith.constant 0 : index
      %swap3A_237 = tpu.vector_load %arg13[%swap3A, %swap3A_236] {strides = array<i32>} : memref<25x144xf32, #tpu.memory_space<vmem>>, vector<1x16xf32>,
      %swap3A_238 = vector.shape_cast %swap3A_237 : vector<1x16xf32> to vector<16xf32>
      %swap3A_239 = vector.shape_cast %broadcast_in_dim3A_3 : vector<16xf32> to vector<1x16xf32>
      tpu.vector_store %arg13[%swap3A, %swap3A_236], %swap3A_239 {strides = array<i32>} : memref<25x144xf32, #tpu.memory_space<vmem>>, vector<1x16xf32>,
      %swap3A_240 = arith.index_cast %scan3A_234 : i32 to index
      %swap3A_241 = arith.constant 16 : index
      %swap3A_242 = tpu.vector_load %arg13[%swap3A_240, %swap3A_241] {strides = array<i32>} : memref<25x144xf32, #tpu.memory_space<vmem>>, vector<1x16xf32>,
      %swap3A_243 = vector.shape_cast %swap3A_242 : vector<1x16xf32> to vector<16xf32>
      %swap3A_244 = vector.shape_cast %broadcast_in_dim3A_3 : vector<16xf32> to vector<1x16xf32>
      tpu.vector_store %arg13[%swap3A_240, %swap3A_241], %swap3A_244 {strides = array<i32>} : memref<25x144xf32, #tpu.memory_space<vmem>>, vector<1x16xf32>,
      %swap3A_245 = arith.index_cast %scan3A_234 : i32 to index
      %swap3A_246 = arith.constant 32 : index
      %swap3A_247 = tpu.vector_load %arg13[%swap3A_245, %swap3A_246] {strides = array<i32>} : memref<25x144xf32, #tpu.memory_space<vmem>>, vector<1x16xf32>,
      %swap3A_248 = vector.shape_cast %swap3A_247 : vector<1x16xf32> to vector<16xf32>
      %swap3A_249 = vector.shape_cast %broadcast_in_dim3A_3 : vector<16xf32> to vector<1x16xf32>
      tpu.vector_store %arg13[%swap3A_245, %swap3A_246], %swap3A_249 {strides = array<i32>} : memref<25x144xf32, #tpu.memory_space<vmem>>, vector<1x16xf32>,
      %swap3A_250 = arith.index_cast %scan3A_234 : i32 to index
      %swap3A_251 = arith.constant 48 : index
      %swap3A_252 = tpu.vector_load %arg13[%swap3A_250, %swap3A_251] {strides = array<i32>} : memref<25x144xf32, #tpu.memory_space<vmem>>, vector<1x16xf32>,
      %swap3A_253 = vector.shape_cast %swap3A_252 : vector<1x16xf32> to vector<16xf32>
      %swap3A_254 = vector.shape_cast %broadcast_in_dim3A_3 : vector<16xf32> to vector<1x16xf32>
      tpu.vector_store %arg13[%swap3A_250, %swap3A_251], %swap3A_254 {strides = array<i32>} : memref<25x144xf32, #tpu.memory_space<vmem>>, vector<1x16xf32>,
      %swap3A_255 = arith.index_cast %scan3A_234 : i32 to index
      %swap3A_256 = arith.constant 64 : index
      %swap3A_257 = tpu.vector_load %arg13[%swap3A_255, %swap3A_256] {strides = array<i32>} : memref<25x144xf32, #tpu.memory_space<vmem>>, vector<1x16xf32>,
      %swap3A_258 = vector.shape_cast %swap3A_257 : vector<1x16xf32> to vector<16xf32>
      %swap3A_259 = vector.shape_cast %broadcast_in_dim3A_3 : vector<16xf32> to vector<1x16xf32>
      tpu.vector_store %arg13[%swap3A_255, %swap3A_256], %swap3A_259 {strides = array<i32>} : memref<25x144xf32, #tpu.memory_space<vmem>>, vector<1x16xf32>,
      %swap3A_260 = arith.index_cast %scan3A_234 : i32 to index
      %swap3A_261 = arith.constant 80 : index
      %swap3A_262 = tpu.vector_load %arg13[%swap3A_260, %swap3A_261] {strides = array<i32>} : memref<25x144xf32, #tpu.memory_space<vmem>>, vector<1x16xf32>,
      %swap3A_263 = vector.shape_cast %swap3A_262 : vector<1x16xf32> to vector<16xf32>
      %swap3A_264 = vector.shape_cast %broadcast_in_dim3A_3 : vector<16xf32> to vector<1x16xf32>
      tpu.vector_store %arg13[%swap3A_260, %swap3A_261], %swap3A_264 {strides = array<i32>} : memref<25x144xf32, #tpu.memory_space<vmem>>, vector<1x16xf32>,
      %swap3A_265 = arith.index_cast %scan3A_234 : i32 to index
      %swap3A_266 = arith.constant 96 : index
      %swap3A_267 = tpu.vector_load %arg13[%swap3A_265, %swap3A_266] {strides = array<i32>} : memref<25x144xf32, #tpu.memory_space<vmem>>, vector<1x16xf32>,
      %swap3A_268 = vector.shape_cast %swap3A_267 : vector<1x16xf32> to vector<16xf32>
      %swap3A_269 = vector.shape_cast %broadcast_in_dim3A_3 : vector<16xf32> to vector<1x16xf32>
      tpu.vector_store %arg13[%swap3A_265, %swap3A_266], %swap3A_269 {strides = array<i32>} : memref<25x144xf32, #tpu.memory_space<vmem>>, vector<1x16xf32>,
      %swap3A_270 = arith.index_cast %scan3A_234 : i32 to index
      %swap3A_271 = arith.constant 112 : index
      %swap3A_272 = tpu.vector_load %arg13[%swap3A_270, %swap3A_271] {strides = array<i32>} : memref<25x144xf32, #tpu.memory_space<vmem>>, vector<1x16xf32>,
      %swap3A_273 = vector.shape_cast %swap3A_272 : vector<1x16xf32> to vector<16xf32>
      %swap3A_274 = vector.shape_cast %broadcast_in_dim3A_3 : vector<16xf32> to vector<1x16xf32>
      tpu.vector_store %arg13[%swap3A_270, %swap3A_271], %swap3A_274 {strides = array<i32>} : memref<25x144xf32, #tpu.memory_space<vmem>>, vector<1x16xf32>,
      %swap3A_275 = arith.index_cast %scan3A_234 : i32 to index
      %swap3A_276 = arith.constant 128 : index
      %swap3A_277 = tpu.vector_load %arg13[%swap3A_275, %swap3A_276] {strides = array<i32>} : memref<25x144xf32, #tpu.memory_space<vmem>>, vector<1x16xf32>,
      %swap3A_278 = vector.shape_cast %swap3A_277 : vector<1x16xf32> to vector<16xf32>
      %swap3A_279 = vector.shape_cast %broadcast_in_dim3A_3 : vector<16xf32> to vector<1x16xf32>
      tpu.vector_store %arg13[%swap3A_275, %swap3A_276], %swap3A_279 {strides = array<i32>} : memref<25x144xf32, #tpu.memory_space<vmem>>, vector<1x16xf32>,
      %scan3A_280 = arith.constant 0 : i32
      scf.yield %scan3A_280 : i32
    }
    %scan3A_9 = arith.constant 25 : i32
    %scan3A_10 = arith.constant 0 : i32
    %scan3A_11 = arith.constant 0 : i32
    %scan3A_12 = arith.constant 25 : i32
    %scan3A_13 = arith.addi %scan3A_11, %scan3A_12 : i32
    %scan3A_14 = arith.constant 1 : i32
    %scan3A_15 = scf.for %scan3A_234 = %scan3A_11 to %scan3A_13 step %scan3A_14 iter_args(%scan3A_235 = %scan3A_10) -> (i32)  : i32 {
      %mul3A_236 = arith.constant 625 : i32
      %mul3A_237 = arith.muli %arg1, %mul3A_236 : i32
      %mul3A_238 = arith.constant 25 : i32
      %mul3A_239 = arith.muli %scan3A_234, %mul3A_238 : i32
      %add3A_240 = arith.addi %mul3A_237, %mul3A_239 : i32
      "tpu.region"() ({
        %run_scoped3A_242 = tpu.sem_alloc : memref<!tpu.dma_semaphore, #tpu.memory_space<semaphore_mem>>
        %dma_start3A_243 = arith.constant 0 : i32
        %dma_start3A_244 = tpu.memref_slice %arg7[%add3A_240, %dma_start3A_243] : memref<10000x144xf32, #tpu.memory_space<vmem_shared>> -> memref<25x144xf32, #tpu.memory_space<vmem_shared>>
        %dma_start3A_245 = arith.constant 0 : i32
        %dma_start3A_246 = tpu.memref_slice %arg7[%add3A_240, %dma_start3A_245] : memref<10000x144xf32, #tpu.memory_space<vmem_shared>> -> memref<25x144xf32, #tpu.memory_space<vmem_shared>>
        tpu.enqueue_dma source(%arg13 : memref<25x144xf32, #tpu.memory_space<vmem>>) target(%dma_start3A_246 : memref<25x144xf32, #tpu.memory_space<vmem_shared>>) target_semaphore(%run_scoped3A_242 : memref<!tpu.dma_semaphore, #tpu.memory_space<semaphore_mem>>)
        %dma_wait3A_247 = arith.constant 0 : i32
        %dma_wait3A_248 = tpu.memref_slice %arg7[%add3A_240, %dma_wait3A_247] : memref<10000x144xf32, #tpu.memory_space<vmem_shared>> -> memref<25x144xf32, #tpu.memory_space<vmem_shared>>
        %dma_wait3A_249 = arith.constant 0 : i32
        %dma_wait3A_250 = tpu.memref_slice %arg7[%add3A_240, %dma_wait3A_249] : memref<10000x144xf32, #tpu.memory_space<vmem_shared>> -> memref<25x144xf32, #tpu.memory_space<vmem_shared>>
        tpu.wait_dma2 semaphore(%run_scoped3A_242 : memref<!tpu.dma_semaphore, #tpu.memory_space<semaphore_mem>>) src(%arg13 : memref<25x144xf32, #tpu.memory_space<vmem>>) dst(%dma_wait3A_250 : memref<25x144xf32, #tpu.memory_space<vmem_shared>>)
        tpu.yield
      }) : () -> ()
      %scan3A_241 = arith.constant 0 : i32
      scf.yield %scan3A_241 : i32
    }
    %scan3A_16 = arith.constant 25 : i32
    %iota3A = tpu.iota {dimensions = array<i32: 0>} : vector<16xi32>
    %eq3A = arith.constant 0 : i32
    %eq3A_17 = vector.broadcast %eq3A : i32 to vector<16xi32>
    %eq3A_18 = arith.cmpi eq, %iota3A, %eq3A_17 : vector<16xi32>
    %broadcast_in_dim3A_19 = arith.constant 1.000000e+00 : f32
    %broadcast_in_dim3A_20 = vector.broadcast %broadcast_in_dim3A_19 : f32 to vector<16xf32>
    %select_n3A = arith.select %eq3A_18, %broadcast_in_dim3A_20, %broadcast_in_dim3A_3 : vector<16xi1>, vector<16xf32>
    %scan3A_21 = arith.constant 0 : i32
    %scan3A_22 = arith.constant 0 : i32
    %scan3A_23 = arith.constant 40 : i32
    %scan3A_24 = arith.addi %scan3A_22, %scan3A_23 : i32
    %scan3A_25 = arith.constant 1 : i32
    %scan3A_26 = scf.for %scan3A_234 = %scan3A_22 to %scan3A_24 step %scan3A_25 iter_args(%scan3A_235 = %scan3A_21) -> (i32)  : i32 {
      %swap3A = arith.constant 0 : i32
      %swap3A_236 = arith.index_cast %swap3A : i32 to index
      %swap3A_237 = arith.index_cast %scan3A_234 : i32 to index
      %swap3A_238 = arith.constant 128 : index
      %swap3A_239 = tpu.vector_load %arg12[%swap3A_236, %swap3A_237, %swap3A_238] {strides = array<i32>} : memref<2x40x144xf32, #tpu.memory_space<vmem>>, vector<1x1x16xf32>,
      %swap3A_240 = vector.shape_cast %swap3A_239 : vector<1x1x16xf32> to vector<16xf32>
      %swap3A_241 = vector.shape_cast %select_n3A : vector<16xf32> to vector<1x1x16xf32>
      tpu.vector_store %arg12[%swap3A_236, %swap3A_237, %swap3A_238], %swap3A_241 {strides = array<i32>} : memref<2x40x144xf32, #tpu.memory_space<vmem>>, vector<1x1x16xf32>,
      %swap3A_242 = arith.constant 1 : i32
      %swap3A_243 = arith.index_cast %swap3A_242 : i32 to index
      %swap3A_244 = arith.index_cast %scan3A_234 : i32 to index
      %swap3A_245 = arith.constant 128 : index
      %swap3A_246 = tpu.vector_load %arg12[%swap3A_243, %swap3A_244, %swap3A_245] {strides = array<i32>} : memref<2x40x144xf32, #tpu.memory_space<vmem>>, vector<1x1x16xf32>,
      %swap3A_247 = vector.shape_cast %swap3A_246 : vector<1x1x16xf32> to vector<16xf32>
      %swap3A_248 = vector.shape_cast %select_n3A : vector<16xf32> to vector<1x1x16xf32>
      tpu.vector_store %arg12[%swap3A_243, %swap3A_244, %swap3A_245], %swap3A_248 {strides = array<i32>} : memref<2x40x144xf32, #tpu.memory_space<vmem>>, vector<1x1x16xf32>,
      %scan3A_249 = arith.constant 0 : i32
      scf.yield %scan3A_249 : i32
    }
    %scan3A_27 = arith.constant 40 : i32
    %barrier3A = arith.constant 0 : index
    tpu.barrier barrier_id(%barrier3A)
    %add3A_28 = arith.constant 0 : i32
    %add3A_29 = arith.addi %mul3A_2, %add3A_28 : i32
    %dma_start3A = arith.constant 0 : i32
    %dma_start3A_30 = arith.constant 0 : i32
    %dma_start3A_31 = tpu.memref_slice %arg8[%dma_start3A, %dma_start3A_30] : memref<2x40xi32, #tpu.memory_space<vmem>> -> memref<1x40xi32, #tpu.memory_space<vmem>>
    %dma_start3A_32 = tpu.memref_squeeze %dma_start3A_31 : memref<1x40xi32, #tpu.memory_space<vmem>> -> memref<40xi32, #tpu.memory_space<vmem>>
    %dma_start3A_33 = tpu.memref_slice %arg3[%add3A_29] : memref<320000xi32, #tpu.memory_space<hbm>> -> memref<40xi32, #tpu.memory_space<hbm>>
    %dma_start3A_34 = arith.constant 0 : i32
    %dma_start3A_35 = tpu.memref_slice %arg8[%dma_start3A, %dma_start3A_34] : memref<2x40xi32, #tpu.memory_space<vmem>> -> memref<1x40xi32, #tpu.memory_space<vmem>>
    %dma_start3A_36 = tpu.memref_squeeze %dma_start3A_35 : memref<1x40xi32, #tpu.memory_space<vmem>> -> memref<40xi32, #tpu.memory_space<vmem>>
    %dma_start3A_37 = tpu.memref_slice %arg3[%add3A_29] : memref<320000xi32, #tpu.memory_space<hbm>> -> memref<40xi32, #tpu.memory_space<hbm>>
    tpu.enqueue_dma source(%dma_start3A_37 : memref<40xi32, #tpu.memory_space<hbm>>) target(%dma_start3A_36 : memref<40xi32, #tpu.memory_space<vmem>>) target_semaphore(%arg14 : memref<!tpu.dma_semaphore, #tpu.memory_space<semaphore_mem>>)
    %dma_start3A_38 = arith.constant 0 : i32
    %dma_start3A_39 = arith.constant 0 : i32
    %dma_start3A_40 = tpu.memref_slice %arg9[%dma_start3A_38, %dma_start3A_39] : memref<2x40xi32, #tpu.memory_space<vmem>> -> memref<1x40xi32, #tpu.memory_space<vmem>>
    %dma_start3A_41 = tpu.memref_squeeze %dma_start3A_40 : memref<1x40xi32, #tpu.memory_space<vmem>> -> memref<40xi32, #tpu.memory_space<vmem>>
    %dma_start3A_42 = tpu.memref_slice %arg4[%add3A_29] : memref<320000xi32, #tpu.memory_space<hbm>> -> memref<40xi32, #tpu.memory_space<hbm>>
    %dma_start3A_43 = arith.constant 0 : i32
    %dma_start3A_44 = tpu.memref_slice %arg9[%dma_start3A_38, %dma_start3A_43] : memref<2x40xi32, #tpu.memory_space<vmem>> -> memref<1x40xi32, #tpu.memory_space<vmem>>
    %dma_start3A_45 = tpu.memref_squeeze %dma_start3A_44 : memref<1x40xi32, #tpu.memory_space<vmem>> -> memref<40xi32, #tpu.memory_space<vmem>>
    %dma_start3A_46 = tpu.memref_slice %arg4[%add3A_29] : memref<320000xi32, #tpu.memory_space<hbm>> -> memref<40xi32, #tpu.memory_space<hbm>>
    tpu.enqueue_dma source(%dma_start3A_46 : memref<40xi32, #tpu.memory_space<hbm>>) target(%dma_start3A_45 : memref<40xi32, #tpu.memory_space<vmem>>) target_semaphore(%arg16 : memref<!tpu.dma_semaphore, #tpu.memory_space<semaphore_mem>>)
    %dma_start3A_47 = arith.constant 0 : i32
    %dma_start3A_48 = arith.constant 0 : i32
    %dma_start3A_49 = arith.constant 0 : i32
    %dma_start3A_50 = tpu.memref_slice %arg10[%dma_start3A_47, %dma_start3A_48, %dma_start3A_49] : memref<2x40x128xf32, #tpu.memory_space<vmem>> -> memref<1x40x128xf32, #tpu.memory_space<vmem>>
    %dma_start3A_51 = tpu.memref_squeeze %dma_start3A_50 : memref<1x40x128xf32, #tpu.memory_space<vmem>> -> memref<40x128xf32, #tpu.memory_space<vmem>>
    %dma_start3A_52 = arith.constant 0 : i32
    %dma_start3A_53 = tpu.memref_slice %arg5[%add3A_29, %dma_start3A_52] : memref<320000x128xf32, #tpu.memory_space<hbm>> -> memref<40x128xf32, #tpu.memory_space<hbm>>
    %dma_start3A_54 = arith.constant 0 : i32
    %dma_start3A_55 = arith.constant 0 : i32
    %dma_start3A_56 = tpu.memref_slice %arg10[%dma_start3A_47, %dma_start3A_54, %dma_start3A_55] : memref<2x40x128xf32, #tpu.memory_space<vmem>> -> memref<1x40x128xf32, #tpu.memory_space<vmem>>
    %dma_start3A_57 = tpu.memref_squeeze %dma_start3A_56 : memref<1x40x128xf32, #tpu.memory_space<vmem>> -> memref<40x128xf32, #tpu.memory_space<vmem>>
    %dma_start3A_58 = arith.constant 0 : i32
    %dma_start3A_59 = tpu.memref_slice %arg5[%add3A_29, %dma_start3A_58] : memref<320000x128xf32, #tpu.memory_space<hbm>> -> memref<40x128xf32, #tpu.memory_space<hbm>>
    tpu.enqueue_dma source(%dma_start3A_59 : memref<40x128xf32, #tpu.memory_space<hbm>>) target(%dma_start3A_57 : memref<40x128xf32, #tpu.memory_space<vmem>>) target_semaphore(%arg18 : memref<!tpu.dma_semaphore, #tpu.memory_space<semaphore_mem>>)
    %add3A_60 = arith.constant 40 : i32
    %add3A_61 = arith.addi %mul3A_2, %add3A_60 : i32
    %dma_start3A_62 = arith.constant 1 : i32
    %dma_start3A_63 = arith.constant 0 : i32
    %dma_start3A_64 = tpu.memref_slice %arg8[%dma_start3A_62, %dma_start3A_63] : memref<2x40xi32, #tpu.memory_space<vmem>> -> memref<1x40xi32, #tpu.memory_space<vmem>>
    %dma_start3A_65 = tpu.memref_squeeze %dma_start3A_64 : memref<1x40xi32, #tpu.memory_space<vmem>> -> memref<40xi32, #tpu.memory_space<vmem>>
    %dma_start3A_66 = tpu.memref_slice %arg3[%add3A_61] : memref<320000xi32, #tpu.memory_space<hbm>> -> memref<40xi32, #tpu.memory_space<hbm>>
    %dma_start3A_67 = arith.constant 0 : i32
    %dma_start3A_68 = tpu.memref_slice %arg8[%dma_start3A_62, %dma_start3A_67] : memref<2x40xi32, #tpu.memory_space<vmem>> -> memref<1x40xi32, #tpu.memory_space<vmem>>
    %dma_start3A_69 = tpu.memref_squeeze %dma_start3A_68 : memref<1x40xi32, #tpu.memory_space<vmem>> -> memref<40xi32, #tpu.memory_space<vmem>>
    %dma_start3A_70 = tpu.memref_slice %arg3[%add3A_61] : memref<320000xi32, #tpu.memory_space<hbm>> -> memref<40xi32, #tpu.memory_space<hbm>>
    tpu.enqueue_dma source(%dma_start3A_70 : memref<40xi32, #tpu.memory_space<hbm>>) target(%dma_start3A_69 : memref<40xi32, #tpu.memory_space<vmem>>) target_semaphore(%arg15 : memref<!tpu.dma_semaphore, #tpu.memory_space<semaphore_mem>>)
    %dma_start3A_71 = arith.constant 1 : i32
    %dma_start3A_72 = arith.constant 0 : i32
    %dma_start3A_73 = tpu.memref_slice %arg9[%dma_start3A_71, %dma_start3A_72] : memref<2x40xi32, #tpu.memory_space<vmem>> -> memref<1x40xi32, #tpu.memory_space<vmem>>
    %dma_start3A_74 = tpu.memref_squeeze %dma_start3A_73 : memref<1x40xi32, #tpu.memory_space<vmem>> -> memref<40xi32, #tpu.memory_space<vmem>>
    %dma_start3A_75 = tpu.memref_slice %arg4[%add3A_61] : memref<320000xi32, #tpu.memory_space<hbm>> -> memref<40xi32, #tpu.memory_space<hbm>>
    %dma_start3A_76 = arith.constant 0 : i32
    %dma_start3A_77 = tpu.memref_slice %arg9[%dma_start3A_71, %dma_start3A_76] : memref<2x40xi32, #tpu.memory_space<vmem>> -> memref<1x40xi32, #tpu.memory_space<vmem>>
    %dma_start3A_78 = tpu.memref_squeeze %dma_start3A_77 : memref<1x40xi32, #tpu.memory_space<vmem>> -> memref<40xi32, #tpu.memory_space<vmem>>
    %dma_start3A_79 = tpu.memref_slice %arg4[%add3A_61] : memref<320000xi32, #tpu.memory_space<hbm>> -> memref<40xi32, #tpu.memory_space<hbm>>
    tpu.enqueue_dma source(%dma_start3A_79 : memref<40xi32, #tpu.memory_space<hbm>>) target(%dma_start3A_78 : memref<40xi32, #tpu.memory_space<vmem>>) target_semaphore(%arg17 : memref<!tpu.dma_semaphore, #tpu.memory_space<semaphore_mem>>)
    %dma_start3A_80 = arith.constant 1 : i32
    %dma_start3A_81 = arith.constant 0 : i32
    %dma_start3A_82 = arith.constant 0 : i32
    %dma_start3A_83 = tpu.memref_slice %arg10[%dma_start3A_80, %dma_start3A_81, %dma_start3A_82] : memref<2x40x128xf32, #tpu.memory_space<vmem>> -> memref<1x40x128xf32, #tpu.memory_space<vmem>>
    %dma_start3A_84 = tpu.memref_squeeze %dma_start3A_83 : memref<1x40x128xf32, #tpu.memory_space<vmem>> -> memref<40x128xf32, #tpu.memory_space<vmem>>
    %dma_start3A_85 = arith.constant 0 : i32
    %dma_start3A_86 = tpu.memref_slice %arg5[%add3A_61, %dma_start3A_85] : memref<320000x128xf32, #tpu.memory_space<hbm>> -> memref<40x128xf32, #tpu.memory_space<hbm>>
    %dma_start3A_87 = arith.constant 0 : i32
    %dma_start3A_88 = arith.constant 0 : i32
    %dma_start3A_89 = tpu.memref_slice %arg10[%dma_start3A_80, %dma_start3A_87, %dma_start3A_88] : memref<2x40x128xf32, #tpu.memory_space<vmem>> -> memref<1x40x128xf32, #tpu.memory_space<vmem>>
    %dma_start3A_90 = tpu.memref_squeeze %dma_start3A_89 : memref<1x40x128xf32, #tpu.memory_space<vmem>> -> memref<40x128xf32, #tpu.memory_space<vmem>>
    %dma_start3A_91 = arith.constant 0 : i32
    %dma_start3A_92 = tpu.memref_slice %arg5[%add3A_61, %dma_start3A_91] : memref<320000x128xf32, #tpu.memory_space<hbm>> -> memref<40x128xf32, #tpu.memory_space<hbm>>
    tpu.enqueue_dma source(%dma_start3A_92 : memref<40x128xf32, #tpu.memory_space<hbm>>) target(%dma_start3A_90 : memref<40x128xf32, #tpu.memory_space<vmem>>) target_semaphore(%arg19 : memref<!tpu.dma_semaphore, #tpu.memory_space<semaphore_mem>>)
    %dma_wait3A = arith.constant 0 : i32
    %dma_wait3A_93 = arith.constant 0 : i32
    %dma_wait3A_94 = tpu.memref_slice %arg8[%dma_wait3A, %dma_wait3A_93] : memref<2x40xi32, #tpu.memory_space<vmem>> -> memref<1x40xi32, #tpu.memory_space<vmem>>
    %dma_wait3A_95 = tpu.memref_squeeze %dma_wait3A_94 : memref<1x40xi32, #tpu.memory_space<vmem>> -> memref<40xi32, #tpu.memory_space<vmem>>
    %dma_wait3A_96 = arith.constant 0 : i32
    %dma_wait3A_97 = tpu.memref_slice %arg3[%dma_wait3A_96] : memref<320000xi32, #tpu.memory_space<hbm>> -> memref<40xi32, #tpu.memory_space<hbm>>
    %dma_wait3A_98 = arith.constant 0 : i32
    %dma_wait3A_99 = tpu.memref_slice %arg8[%dma_wait3A, %dma_wait3A_98] : memref<2x40xi32, #tpu.memory_space<vmem>> -> memref<1x40xi32, #tpu.memory_space<vmem>>
    %dma_wait3A_100 = tpu.memref_squeeze %dma_wait3A_99 : memref<1x40xi32, #tpu.memory_space<vmem>> -> memref<40xi32, #tpu.memory_space<vmem>>
    %dma_wait3A_101 = arith.constant 0 : i32
    %dma_wait3A_102 = tpu.memref_slice %arg3[%dma_wait3A_101] : memref<320000xi32, #tpu.memory_space<hbm>> -> memref<40xi32, #tpu.memory_space<hbm>>
    tpu.wait_dma2 semaphore(%arg14 : memref<!tpu.dma_semaphore, #tpu.memory_space<semaphore_mem>>) src(%dma_wait3A_102 : memref<40xi32, #tpu.memory_space<hbm>>) dst(%dma_wait3A_100 : memref<40xi32, #tpu.memory_space<vmem>>)
    %dma_start3A_103 = arith.constant 0 : i32
    %dma_start3A_104 = arith.constant 0 : i32
    %dma_start3A_105 = arith.constant 0 : i32
    %dma_start3A_106 = arith.constant 0 : i32
    %dma_start3A_107 = tpu.memref_slice %arg11[%dma_start3A_104, %dma_start3A_105, %dma_start3A_106] : memref<2x40x128xf32, #tpu.memory_space<vmem>> -> memref<1x40x128xf32, #tpu.memory_space<vmem>>
    %dma_start3A_108 = tpu.memref_squeeze %dma_start3A_107 : memref<1x40x128xf32, #tpu.memory_space<vmem>> -> memref<40x128xf32, #tpu.memory_space<vmem>>
    %dma_start3A_109 = arith.constant 0 : i32
    %dma_start3A_110 = tpu.memref_slice %arg8[%dma_start3A_103, %dma_start3A_109] : memref<2x40xi32, #tpu.memory_space<vmem>> -> memref<1x40xi32, #tpu.memory_space<vmem>>
    %dma_start3A_111 = tpu.memref_squeeze %dma_start3A_110 : memref<1x40xi32, #tpu.memory_space<vmem>> -> memref<40xi32, #tpu.memory_space<vmem>>
    %dma_start3A_112 = arith.constant 0 : i32
    %dma_start3A_113 = arith.constant 0 : i32
    %dma_start3A_114 = tpu.memref_slice %arg2[%dma_start3A_112, %dma_start3A_113] : memref<10000x128xf32, #tpu.memory_space<hbm>> -> memref<10000x128xf32, #tpu.memory_space<hbm>>
    tpu.enqueue_indirect_dma source(%dma_start3A_114 : memref<10000x128xf32, #tpu.memory_space<hbm>>) target(%dma_start3A_108 : memref<40x128xf32, #tpu.memory_space<vmem>>) offsets(%dma_start3A_111 : memref<40xi32, #tpu.memory_space<vmem>>) semaphore(%arg20 : memref<!tpu.dma_semaphore, #tpu.memory_space<semaphore_mem>>)
    %scan3A_115 = arith.constant 0 : i32
    %scan3A_116 = arith.constant 0 : i32
    %scan3A_117 = arith.constant 124 : i32
    %scan3A_118 = arith.addi %scan3A_116, %scan3A_117 : i32
    %scan3A_119 = arith.constant 1 : i32
    %scan3A_120 = scf.for %scan3A_234 = %scan3A_116 to %scan3A_118 step %scan3A_119 iter_args(%scan3A_235 = %scan3A_115) -> (i32)  : i32 {
      %mul3A_236 = arith.constant 2 : i32
      %mul3A_237 = arith.muli %mul3A_236, %scan3A_234 : i32
      %dma_wait3A_238 = arith.constant 1 : i32
      %dma_wait3A_239 = arith.constant 0 : i32
      %dma_wait3A_240 = tpu.memref_slice %arg8[%dma_wait3A_238, %dma_wait3A_239] : memref<2x40xi32, #tpu.memory_space<vmem>> -> memref<1x40xi32, #tpu.memory_space<vmem>>
      %dma_wait3A_241 = tpu.memref_squeeze %dma_wait3A_240 : memref<1x40xi32, #tpu.memory_space<vmem>> -> memref<40xi32, #tpu.memory_space<vmem>>
      %dma_wait3A_242 = arith.constant 0 : i32
      %dma_wait3A_243 = tpu.memref_slice %arg3[%dma_wait3A_242] : memref<320000xi32, #tpu.memory_space<hbm>> -> memref<40xi32, #tpu.memory_space<hbm>>
      %dma_wait3A_244 = arith.constant 0 : i32
      %dma_wait3A_245 = tpu.memref_slice %arg8[%dma_wait3A_238, %dma_wait3A_244] : memref<2x40xi32, #tpu.memory_space<vmem>> -> memref<1x40xi32, #tpu.memory_space<vmem>>
      %dma_wait3A_246 = tpu.memref_squeeze %dma_wait3A_245 : memref<1x40xi32, #tpu.memory_space<vmem>> -> memref<40xi32, #tpu.memory_space<vmem>>
      %dma_wait3A_247 = arith.constant 0 : i32
      %dma_wait3A_248 = tpu.memref_slice %arg3[%dma_wait3A_247] : memref<320000xi32, #tpu.memory_space<hbm>> -> memref<40xi32, #tpu.memory_space<hbm>>
      tpu.wait_dma2 semaphore(%arg15 : memref<!tpu.dma_semaphore, #tpu.memory_space<semaphore_mem>>) src(%dma_wait3A_248 : memref<40xi32, #tpu.memory_space<hbm>>) dst(%dma_wait3A_246 : memref<40xi32, #tpu.memory_space<vmem>>)
      %dma_start3A_249 = arith.constant 1 : i32
      %dma_start3A_250 = arith.constant 1 : i32
      %dma_start3A_251 = arith.constant 0 : i32
      %dma_start3A_252 = arith.constant 0 : i32
      %dma_start3A_253 = tpu.memref_slice %arg11[%dma_start3A_250, %dma_start3A_251, %dma_start3A_252] : memref<2x40x128xf32, #tpu.memory_space<vmem>> -> memref<1x40x128xf32, #tpu.memory_space<vmem>>
      %dma_start3A_254 = tpu.memref_squeeze %dma_start3A_253 : memref<1x40x128xf32, #tpu.memory_space<vmem>> -> memref<40x128xf32, #tpu.memory_space<vmem>>
      %dma_start3A_255 = arith.constant 0 : i32
      %dma_start3A_256 = tpu.memref_slice %arg8[%dma_start3A_249, %dma_start3A_255] : memref<2x40xi32, #tpu.memory_space<vmem>> -> memref<1x40xi32, #tpu.memory_space<vmem>>
      %dma_start3A_257 = tpu.memref_squeeze %dma_start3A_256 : memref<1x40xi32, #tpu.memory_space<vmem>> -> memref<40xi32, #tpu.memory_space<vmem>>
      %dma_start3A_258 = arith.constant 0 : i32
      %dma_start3A_259 = arith.constant 0 : i32
      %dma_start3A_260 = tpu.memref_slice %arg2[%dma_start3A_258, %dma_start3A_259] : memref<10000x128xf32, #tpu.memory_space<hbm>> -> memref<10000x128xf32, #tpu.memory_space<hbm>>
      tpu.enqueue_indirect_dma source(%dma_start3A_260 : memref<10000x128xf32, #tpu.memory_space<hbm>>) target(%dma_start3A_254 : memref<40x128xf32, #tpu.memory_space<vmem>>) offsets(%dma_start3A_257 : memref<40xi32, #tpu.memory_space<vmem>>) semaphore(%arg21 : memref<!tpu.dma_semaphore, #tpu.memory_space<semaphore_mem>>)
      %dma_wait3A_261 = arith.constant 0 : i32
      %dma_wait3A_262 = arith.constant 0 : i32
      %dma_wait3A_263 = arith.constant 0 : i32
      %dma_wait3A_264 = arith.constant 0 : i32
      %dma_wait3A_265 = tpu.memref_slice %arg11[%dma_wait3A_262, %dma_wait3A_263, %dma_wait3A_264] : memref<2x40x128xf32, #tpu.memory_space<vmem>> -> memref<1x40x128xf32, #tpu.memory_space<vmem>>
      %dma_wait3A_266 = tpu.memref_squeeze %dma_wait3A_265 : memref<1x40x128xf32, #tpu.memory_space<vmem>> -> memref<40x128xf32, #tpu.memory_space<vmem>>
      %dma_wait3A_267 = arith.constant 0 : i32
      %dma_wait3A_268 = tpu.memref_slice %arg8[%dma_wait3A_261, %dma_wait3A_267] : memref<2x40xi32, #tpu.memory_space<vmem>> -> memref<1x40xi32, #tpu.memory_space<vmem>>
      %dma_wait3A_269 = tpu.memref_squeeze %dma_wait3A_268 : memref<1x40xi32, #tpu.memory_space<vmem>> -> memref<40xi32, #tpu.memory_space<vmem>>
      %dma_wait3A_270 = arith.constant 0 : i32
      %dma_wait3A_271 = arith.constant 0 : i32
      %dma_wait3A_272 = tpu.memref_slice %arg2[%dma_wait3A_270, %dma_wait3A_271] : memref<10000x128xf32, #tpu.memory_space<hbm>> -> memref<10000x128xf32, #tpu.memory_space<hbm>>
      tpu.wait_indirect_dma semaphore(%arg20 : memref<!tpu.dma_semaphore, #tpu.memory_space<semaphore_mem>>) src(%dma_wait3A_272 : memref<10000x128xf32, #tpu.memory_space<hbm>>) dst(%dma_wait3A_266 : memref<40x128xf32, #tpu.memory_space<vmem>>)
      %dma_wait3A_273 = arith.constant 0 : i32
      %dma_wait3A_274 = arith.constant 0 : i32
      %dma_wait3A_275 = arith.constant 0 : i32
      %dma_wait3A_276 = tpu.memref_slice %arg10[%dma_wait3A_273, %dma_wait3A_274, %dma_wait3A_275] : memref<2x40x128xf32, #tpu.memory_space<vmem>> -> memref<1x40x128xf32, #tpu.memory_space<vmem>>
      %dma_wait3A_277 = tpu.memref_squeeze %dma_wait3A_276 : memref<1x40x128xf32, #tpu.memory_space<vmem>> -> memref<40x128xf32, #tpu.memory_space<vmem>>
      %dma_wait3A_278 = arith.constant 0 : i32
      %dma_wait3A_279 = arith.constant 0 : i32
      %dma_wait3A_280 = tpu.memref_slice %arg5[%dma_wait3A_278, %dma_wait3A_279] : memref<320000x128xf32, #tpu.memory_space<hbm>> -> memref<40x128xf32, #tpu.memory_space<hbm>>
      %dma_wait3A_281 = arith.constant 0 : i32
      %dma_wait3A_282 = arith.constant 0 : i32
      %dma_wait3A_283 = tpu.memref_slice %arg10[%dma_wait3A_273, %dma_wait3A_281, %dma_wait3A_282] : memref<2x40x128xf32, #tpu.memory_space<vmem>> -> memref<1x40x128xf32, #tpu.memory_space<vmem>>
      %dma_wait3A_284 = tpu.memref_squeeze %dma_wait3A_283 : memref<1x40x128xf32, #tpu.memory_space<vmem>> -> memref<40x128xf32, #tpu.memory_space<vmem>>
      %dma_wait3A_285 = arith.constant 0 : i32
      %dma_wait3A_286 = arith.constant 0 : i32
      %dma_wait3A_287 = tpu.memref_slice %arg5[%dma_wait3A_285, %dma_wait3A_286] : memref<320000x128xf32, #tpu.memory_space<hbm>> -> memref<40x128xf32, #tpu.memory_space<hbm>>
      tpu.wait_dma2 semaphore(%arg18 : memref<!tpu.dma_semaphore, #tpu.memory_space<semaphore_mem>>) src(%dma_wait3A_287 : memref<40x128xf32, #tpu.memory_space<hbm>>) dst(%dma_wait3A_284 : memref<40x128xf32, #tpu.memory_space<vmem>>)
      %parallel_loop3A_288 = arith.constant 0 : i32
      %parallel_loop3A_289 = arith.constant 40 : i32
      %parallel_loop3A_290 = arith.constant 1 : i32
      scf.for %parallel_loop3A_443 = %parallel_loop3A_288 to %parallel_loop3A_289 step %parallel_loop3A_290  : i32 {
        %parallel_loop3A_444 = arith.constant 0 : i32
        %parallel_loop3A_445 = arith.index_cast %parallel_loop3A_444 : i32 to index
        %parallel_loop3A_446 = arith.index_cast %parallel_loop3A_443 : i32 to index
        %parallel_loop3A_447 = arith.constant 0 : index
        %parallel_loop3A_448 = tpu.vector_load %arg11[%parallel_loop3A_445, %parallel_loop3A_446, %parallel_loop3A_447] {strides = array<i32>} : memref<2x40x128xf32, #tpu.memory_space<vmem>>, vector<1x1x16xf32>,
        %parallel_loop3A_449 = vector.shape_cast %parallel_loop3A_448 : vector<1x1x16xf32> to vector<16xf32>
        %parallel_loop3A_450 = arith.constant 0 : i32
        %parallel_loop3A_451 = arith.index_cast %parallel_loop3A_450 : i32 to index
        %parallel_loop3A_452 = arith.index_cast %parallel_loop3A_443 : i32 to index
        %parallel_loop3A_453 = arith.constant 0 : index
        %parallel_loop3A_454 = tpu.vector_load %arg10[%parallel_loop3A_451, %parallel_loop3A_452, %parallel_loop3A_453] {strides = array<i32>} : memref<2x40x128xf32, #tpu.memory_space<vmem>>, vector<1x1x16xf32>,
        %parallel_loop3A_455 = vector.shape_cast %parallel_loop3A_454 : vector<1x1x16xf32> to vector<16xf32>
        %parallel_loop3A_456 = arith.mulf %parallel_loop3A_449, %parallel_loop3A_455 : vector<16xf32>
        %parallel_loop3A_457 = arith.constant 0 : i32
        %parallel_loop3A_458 = arith.index_cast %parallel_loop3A_457 : i32 to index
        %parallel_loop3A_459 = arith.index_cast %parallel_loop3A_443 : i32 to index
        %parallel_loop3A_460 = arith.constant 0 : index
        %parallel_loop3A_461 = tpu.vector_load %arg12[%parallel_loop3A_458, %parallel_loop3A_459, %parallel_loop3A_460] {strides = array<i32>} : memref<2x40x144xf32, #tpu.memory_space<vmem>>, vector<1x1x16xf32>,
        %parallel_loop3A_462 = vector.shape_cast %parallel_loop3A_461 : vector<1x1x16xf32> to vector<16xf32>
        %parallel_loop3A_463 = vector.shape_cast %parallel_loop3A_456 : vector<16xf32> to vector<1x1x16xf32>
        tpu.vector_store %arg12[%parallel_loop3A_458, %parallel_loop3A_459, %parallel_loop3A_460], %parallel_loop3A_463 {strides = array<i32>} : memref<2x40x144xf32, #tpu.memory_space<vmem>>, vector<1x1x16xf32>,
        %parallel_loop3A_464 = arith.constant 0 : i32
        %parallel_loop3A_465 = arith.index_cast %parallel_loop3A_464 : i32 to index
        %parallel_loop3A_466 = arith.index_cast %parallel_loop3A_443 : i32 to index
        %parallel_loop3A_467 = arith.constant 16 : index
        %parallel_loop3A_468 = tpu.vector_load %arg11[%parallel_loop3A_465, %parallel_loop3A_466, %parallel_loop3A_467] {strides = array<i32>} : memref<2x40x128xf32, #tpu.memory_space<vmem>>, vector<1x1x16xf32>,
        %parallel_loop3A_469 = vector.shape_cast %parallel_loop3A_468 : vector<1x1x16xf32> to vector<16xf32>
        %parallel_loop3A_470 = arith.constant 0 : i32
        %parallel_loop3A_471 = arith.index_cast %parallel_loop3A_470 : i32 to index
        %parallel_loop3A_472 = arith.index_cast %parallel_loop3A_443 : i32 to index
        %parallel_loop3A_473 = arith.constant 16 : index
        %parallel_loop3A_474 = tpu.vector_load %arg10[%parallel_loop3A_471, %parallel_loop3A_472, %parallel_loop3A_473] {strides = array<i32>} : memref<2x40x128xf32, #tpu.memory_space<vmem>>, vector<1x1x16xf32>,
        %parallel_loop3A_475 = vector.shape_cast %parallel_loop3A_474 : vector<1x1x16xf32> to vector<16xf32>
        %parallel_loop3A_476 = arith.mulf %parallel_loop3A_469, %parallel_loop3A_475 : vector<16xf32>
        %parallel_loop3A_477 = arith.constant 0 : i32
        %parallel_loop3A_478 = arith.index_cast %parallel_loop3A_477 : i32 to index
        %parallel_loop3A_479 = arith.index_cast %parallel_loop3A_443 : i32 to index
        %parallel_loop3A_480 = arith.constant 16 : index
        %parallel_loop3A_481 = tpu.vector_load %arg12[%parallel_loop3A_478, %parallel_loop3A_479, %parallel_loop3A_480] {strides = array<i32>} : memref<2x40x144xf32, #tpu.memory_space<vmem>>, vector<1x1x16xf32>,
        %parallel_loop3A_482 = vector.shape_cast %parallel_loop3A_481 : vector<1x1x16xf32> to vector<16xf32>
        %parallel_loop3A_483 = vector.shape_cast %parallel_loop3A_476 : vector<16xf32> to vector<1x1x16xf32>
        tpu.vector_store %arg12[%parallel_loop3A_478, %parallel_loop3A_479, %parallel_loop3A_480], %parallel_loop3A_483 {strides = array<i32>} : memref<2x40x144xf32, #tpu.memory_space<vmem>>, vector<1x1x16xf32>,
        %parallel_loop3A_484 = arith.constant 0 : i32
        %parallel_loop3A_485 = arith.index_cast %parallel_loop3A_484 : i32 to index
        %parallel_loop3A_486 = arith.index_cast %parallel_loop3A_443 : i32 to index
        %parallel_loop3A_487 = arith.constant 32 : index
        %parallel_loop3A_488 = tpu.vector_load %arg11[%parallel_loop3A_485, %parallel_loop3A_486, %parallel_loop3A_487] {strides = array<i32>} : memref<2x40x128xf32, #tpu.memory_space<vmem>>, vector<1x1x16xf32>,
        %parallel_loop3A_489 = vector.shape_cast %parallel_loop3A_488 : vector<1x1x16xf32> to vector<16xf32>
        %parallel_loop3A_490 = arith.constant 0 : i32
        %parallel_loop3A_491 = arith.index_cast %parallel_loop3A_490 : i32 to index
        %parallel_loop3A_492 = arith.index_cast %parallel_loop3A_443 : i32 to index
        %parallel_loop3A_493 = arith.constant 32 : index
        %parallel_loop3A_494 = tpu.vector_load %arg10[%parallel_loop3A_491, %parallel_loop3A_492, %parallel_loop3A_493] {strides = array<i32>} : memref<2x40x128xf32, #tpu.memory_space<vmem>>, vector<1x1x16xf32>,
        %parallel_loop3A_495 = vector.shape_cast %parallel_loop3A_494 : vector<1x1x16xf32> to vector<16xf32>
        %parallel_loop3A_496 = arith.mulf %parallel_loop3A_489, %parallel_loop3A_495 : vector<16xf32>
        %parallel_loop3A_497 = arith.constant 0 : i32
        %parallel_loop3A_498 = arith.index_cast %parallel_loop3A_497 : i32 to index
        %parallel_loop3A_499 = arith.index_cast %parallel_loop3A_443 : i32 to index
        %parallel_loop3A_500 = arith.constant 32 : index
        %parallel_loop3A_501 = tpu.vector_load %arg12[%parallel_loop3A_498, %parallel_loop3A_499, %parallel_loop3A_500] {strides = array<i32>} : memref<2x40x144xf32, #tpu.memory_space<vmem>>, vector<1x1x16xf32>,
        %parallel_loop3A_502 = vector.shape_cast %parallel_loop3A_501 : vector<1x1x16xf32> to vector<16xf32>
        %parallel_loop3A_503 = vector.shape_cast %parallel_loop3A_496 : vector<16xf32> to vector<1x1x16xf32>
        tpu.vector_store %arg12[%parallel_loop3A_498, %parallel_loop3A_499, %parallel_loop3A_500], %parallel_loop3A_503 {strides = array<i32>} : memref<2x40x144xf32, #tpu.memory_space<vmem>>, vector<1x1x16xf32>,
        %parallel_loop3A_504 = arith.constant 0 : i32
        %parallel_loop3A_505 = arith.index_cast %parallel_loop3A_504 : i32 to index
        %parallel_loop3A_506 = arith.index_cast %parallel_loop3A_443 : i32 to index
        %parallel_loop3A_507 = arith.constant 48 : index
        %parallel_loop3A_508 = tpu.vector_load %arg11[%parallel_loop3A_505, %parallel_loop3A_506, %parallel_loop3A_507] {strides = array<i32>} : memref<2x40x128xf32, #tpu.memory_space<vmem>>, vector<1x1x16xf32>,
        %parallel_loop3A_509 = vector.shape_cast %parallel_loop3A_508 : vector<1x1x16xf32> to vector<16xf32>
        %parallel_loop3A_510 = arith.constant 0 : i32
        %parallel_loop3A_511 = arith.index_cast %parallel_loop3A_510 : i32 to index
        %parallel_loop3A_512 = arith.index_cast %parallel_loop3A_443 : i32 to index
        %parallel_loop3A_513 = arith.constant 48 : index
        %parallel_loop3A_514 = tpu.vector_load %arg10[%parallel_loop3A_511, %parallel_loop3A_512, %parallel_loop3A_513] {strides = array<i32>} : memref<2x40x128xf32, #tpu.memory_space<vmem>>, vector<1x1x16xf32>,
        %parallel_loop3A_515 = vector.shape_cast %parallel_loop3A_514 : vector<1x1x16xf32> to vector<16xf32>
        %parallel_loop3A_516 = arith.mulf %parallel_loop3A_509, %parallel_loop3A_515 : vector<16xf32>
        %parallel_loop3A_517 = arith.constant 0 : i32
        %parallel_loop3A_518 = arith.index_cast %parallel_loop3A_517 : i32 to index
        %parallel_loop3A_519 = arith.index_cast %parallel_loop3A_443 : i32 to index
        %parallel_loop3A_520 = arith.constant 48 : index
        %parallel_loop3A_521 = tpu.vector_load %arg12[%parallel_loop3A_518, %parallel_loop3A_519, %parallel_loop3A_520] {strides = array<i32>} : memref<2x40x144xf32, #tpu.memory_space<vmem>>, vector<1x1x16xf32>,
        %parallel_loop3A_522 = vector.shape_cast %parallel_loop3A_521 : vector<1x1x16xf32> to vector<16xf32>
        %parallel_loop3A_523 = vector.shape_cast %parallel_loop3A_516 : vector<16xf32> to vector<1x1x16xf32>
        tpu.vector_store %arg12[%parallel_loop3A_518, %parallel_loop3A_519, %parallel_loop3A_520], %parallel_loop3A_523 {strides = array<i32>} : memref<2x40x144xf32, #tpu.memory_space<vmem>>, vector<1x1x16xf32>,
        %parallel_loop3A_524 = arith.constant 0 : i32
        %parallel_loop3A_525 = arith.index_cast %parallel_loop3A_524 : i32 to index
        %parallel_loop3A_526 = arith.index_cast %parallel_loop3A_443 : i32 to index
        %parallel_loop3A_527 = arith.constant 64 : index
        %parallel_loop3A_528 = tpu.vector_load %arg11[%parallel_loop3A_525, %parallel_loop3A_526, %parallel_loop3A_527] {strides = array<i32>} : memref<2x40x128xf32, #tpu.memory_space<vmem>>, vector<1x1x16xf32>,
        %parallel_loop3A_529 = vector.shape_cast %parallel_loop3A_528 : vector<1x1x16xf32> to vector<16xf32>
        %parallel_loop3A_530 = arith.constant 0 : i32
        %parallel_loop3A_531 = arith.index_cast %parallel_loop3A_530 : i32 to index
        %parallel_loop3A_532 = arith.index_cast %parallel_loop3A_443 : i32 to index
        %parallel_loop3A_533 = arith.constant 64 : index
        %parallel_loop3A_534 = tpu.vector_load %arg10[%parallel_loop3A_531, %parallel_loop3A_532, %parallel_loop3A_533] {strides = array<i32>} : memref<2x40x128xf32, #tpu.memory_space<vmem>>, vector<1x1x16xf32>,
        %parallel_loop3A_535 = vector.shape_cast %parallel_loop3A_534 : vector<1x1x16xf32> to vector<16xf32>
        %parallel_loop3A_536 = arith.mulf %parallel_loop3A_529, %parallel_loop3A_535 : vector<16xf32>
        %parallel_loop3A_537 = arith.constant 0 : i32
        %parallel_loop3A_538 = arith.index_cast %parallel_loop3A_537 : i32 to index
        %parallel_loop3A_539 = arith.index_cast %parallel_loop3A_443 : i32 to index
        %parallel_loop3A_540 = arith.constant 64 : index
        %parallel_loop3A_541 = tpu.vector_load %arg12[%parallel_loop3A_538, %parallel_loop3A_539, %parallel_loop3A_540] {strides = array<i32>} : memref<2x40x144xf32, #tpu.memory_space<vmem>>, vector<1x1x16xf32>,
        %parallel_loop3A_542 = vector.shape_cast %parallel_loop3A_541 : vector<1x1x16xf32> to vector<16xf32>
        %parallel_loop3A_543 = vector.shape_cast %parallel_loop3A_536 : vector<16xf32> to vector<1x1x16xf32>
        tpu.vector_store %arg12[%parallel_loop3A_538, %parallel_loop3A_539, %parallel_loop3A_540], %parallel_loop3A_543 {strides = array<i32>} : memref<2x40x144xf32, #tpu.memory_space<vmem>>, vector<1x1x16xf32>,
        %parallel_loop3A_544 = arith.constant 0 : i32
        %parallel_loop3A_545 = arith.index_cast %parallel_loop3A_544 : i32 to index
        %parallel_loop3A_546 = arith.index_cast %parallel_loop3A_443 : i32 to index
        %parallel_loop3A_547 = arith.constant 80 : index
        %parallel_loop3A_548 = tpu.vector_load %arg11[%parallel_loop3A_545, %parallel_loop3A_546, %parallel_loop3A_547] {strides = array<i32>} : memref<2x40x128xf32, #tpu.memory_space<vmem>>, vector<1x1x16xf32>,
        %parallel_loop3A_549 = vector.shape_cast %parallel_loop3A_548 : vector<1x1x16xf32> to vector<16xf32>
        %parallel_loop3A_550 = arith.constant 0 : i32
        %parallel_loop3A_551 = arith.index_cast %parallel_loop3A_550 : i32 to index
        %parallel_loop3A_552 = arith.index_cast %parallel_loop3A_443 : i32 to index
        %parallel_loop3A_553 = arith.constant 80 : index
        %parallel_loop3A_554 = tpu.vector_load %arg10[%parallel_loop3A_551, %parallel_loop3A_552, %parallel_loop3A_553] {strides = array<i32>} : memref<2x40x128xf32, #tpu.memory_space<vmem>>, vector<1x1x16xf32>,
        %parallel_loop3A_555 = vector.shape_cast %parallel_loop3A_554 : vector<1x1x16xf32> to vector<16xf32>
        %parallel_loop3A_556 = arith.mulf %parallel_loop3A_549, %parallel_loop3A_555 : vector<16xf32>
        %parallel_loop3A_557 = arith.constant 0 : i32
        %parallel_loop3A_558 = arith.index_cast %parallel_loop3A_557 : i32 to index
        %parallel_loop3A_559 = arith.index_cast %parallel_loop3A_443 : i32 to index
        %parallel_loop3A_560 = arith.constant 80 : index
        %parallel_loop3A_561 = tpu.vector_load %arg12[%parallel_loop3A_558, %parallel_loop3A_559, %parallel_loop3A_560] {strides = array<i32>} : memref<2x40x144xf32, #tpu.memory_space<vmem>>, vector<1x1x16xf32>,
        %parallel_loop3A_562 = vector.shape_cast %parallel_loop3A_561 : vector<1x1x16xf32> to vector<16xf32>
        %parallel_loop3A_563 = vector.shape_cast %parallel_loop3A_556 : vector<16xf32> to vector<1x1x16xf32>
        tpu.vector_store %arg12[%parallel_loop3A_558, %parallel_loop3A_559, %parallel_loop3A_560], %parallel_loop3A_563 {strides = array<i32>} : memref<2x40x144xf32, #tpu.memory_space<vmem>>, vector<1x1x16xf32>,
        %parallel_loop3A_564 = arith.constant 0 : i32
        %parallel_loop3A_565 = arith.index_cast %parallel_loop3A_564 : i32 to index
        %parallel_loop3A_566 = arith.index_cast %parallel_loop3A_443 : i32 to index
        %parallel_loop3A_567 = arith.constant 96 : index
        %parallel_loop3A_568 = tpu.vector_load %arg11[%parallel_loop3A_565, %parallel_loop3A_566, %parallel_loop3A_567] {strides = array<i32>} : memref<2x40x128xf32, #tpu.memory_space<vmem>>, vector<1x1x16xf32>,
        %parallel_loop3A_569 = vector.shape_cast %parallel_loop3A_568 : vector<1x1x16xf32> to vector<16xf32>
        %parallel_loop3A_570 = arith.constant 0 : i32
        %parallel_loop3A_571 = arith.index_cast %parallel_loop3A_570 : i32 to index
        %parallel_loop3A_572 = arith.index_cast %parallel_loop3A_443 : i32 to index
        %parallel_loop3A_573 = arith.constant 96 : index
        %parallel_loop3A_574 = tpu.vector_load %arg10[%parallel_loop3A_571, %parallel_loop3A_572, %parallel_loop3A_573] {strides = array<i32>} : memref<2x40x128xf32, #tpu.memory_space<vmem>>, vector<1x1x16xf32>,
        %parallel_loop3A_575 = vector.shape_cast %parallel_loop3A_574 : vector<1x1x16xf32> to vector<16xf32>
        %parallel_loop3A_576 = arith.mulf %parallel_loop3A_569, %parallel_loop3A_575 : vector<16xf32>
        %parallel_loop3A_577 = arith.constant 0 : i32
        %parallel_loop3A_578 = arith.index_cast %parallel_loop3A_577 : i32 to index
        %parallel_loop3A_579 = arith.index_cast %parallel_loop3A_443 : i32 to index
        %parallel_loop3A_580 = arith.constant 96 : index
        %parallel_loop3A_581 = tpu.vector_load %arg12[%parallel_loop3A_578, %parallel_loop3A_579, %parallel_loop3A_580] {strides = array<i32>} : memref<2x40x144xf32, #tpu.memory_space<vmem>>, vector<1x1x16xf32>,
        %parallel_loop3A_582 = vector.shape_cast %parallel_loop3A_581 : vector<1x1x16xf32> to vector<16xf32>
        %parallel_loop3A_583 = vector.shape_cast %parallel_loop3A_576 : vector<16xf32> to vector<1x1x16xf32>
        tpu.vector_store %arg12[%parallel_loop3A_578, %parallel_loop3A_579, %parallel_loop3A_580], %parallel_loop3A_583 {strides = array<i32>} : memref<2x40x144xf32, #tpu.memory_space<vmem>>, vector<1x1x16xf32>,
        %parallel_loop3A_584 = arith.constant 0 : i32
        %parallel_loop3A_585 = arith.index_cast %parallel_loop3A_584 : i32 to index
        %parallel_loop3A_586 = arith.index_cast %parallel_loop3A_443 : i32 to index
        %parallel_loop3A_587 = arith.constant 112 : index
        %parallel_loop3A_588 = tpu.vector_load %arg11[%parallel_loop3A_585, %parallel_loop3A_586, %parallel_loop3A_587] {strides = array<i32>} : memref<2x40x128xf32, #tpu.memory_space<vmem>>, vector<1x1x16xf32>,
        %parallel_loop3A_589 = vector.shape_cast %parallel_loop3A_588 : vector<1x1x16xf32> to vector<16xf32>
        %parallel_loop3A_590 = arith.constant 0 : i32
        %parallel_loop3A_591 = arith.index_cast %parallel_loop3A_590 : i32 to index
        %parallel_loop3A_592 = arith.index_cast %parallel_loop3A_443 : i32 to index
        %parallel_loop3A_593 = arith.constant 112 : index
        %parallel_loop3A_594 = tpu.vector_load %arg10[%parallel_loop3A_591, %parallel_loop3A_592, %parallel_loop3A_593] {strides = array<i32>} : memref<2x40x128xf32, #tpu.memory_space<vmem>>, vector<1x1x16xf32>,
        %parallel_loop3A_595 = vector.shape_cast %parallel_loop3A_594 : vector<1x1x16xf32> to vector<16xf32>
        %parallel_loop3A_596 = arith.mulf %parallel_loop3A_589, %parallel_loop3A_595 : vector<16xf32>
        %parallel_loop3A_597 = arith.constant 0 : i32
        %parallel_loop3A_598 = arith.index_cast %parallel_loop3A_597 : i32 to index
        %parallel_loop3A_599 = arith.index_cast %parallel_loop3A_443 : i32 to index
        %parallel_loop3A_600 = arith.constant 112 : index
        %parallel_loop3A_601 = tpu.vector_load %arg12[%parallel_loop3A_598, %parallel_loop3A_599, %parallel_loop3A_600] {strides = array<i32>} : memref<2x40x144xf32, #tpu.memory_space<vmem>>, vector<1x1x16xf32>,
        %parallel_loop3A_602 = vector.shape_cast %parallel_loop3A_601 : vector<1x1x16xf32> to vector<16xf32>
        %parallel_loop3A_603 = vector.shape_cast %parallel_loop3A_596 : vector<16xf32> to vector<1x1x16xf32>
        tpu.vector_store %arg12[%parallel_loop3A_598, %parallel_loop3A_599, %parallel_loop3A_600], %parallel_loop3A_603 {strides = array<i32>} : memref<2x40x144xf32, #tpu.memory_space<vmem>>, vector<1x1x16xf32>,
      } {sc.loop_unroll_factor = 8 : i64, sc.parallel_access}
      %dma_wait3A_291 = arith.constant 0 : i32
      %dma_wait3A_292 = arith.constant 0 : i32
      %dma_wait3A_293 = tpu.memref_slice %arg9[%dma_wait3A_291, %dma_wait3A_292] : memref<2x40xi32, #tpu.memory_space<vmem>> -> memref<1x40xi32, #tpu.memory_space<vmem>>
      %dma_wait3A_294 = tpu.memref_squeeze %dma_wait3A_293 : memref<1x40xi32, #tpu.memory_space<vmem>> -> memref<40xi32, #tpu.memory_space<vmem>>
      %dma_wait3A_295 = arith.constant 0 : i32
      %dma_wait3A_296 = tpu.memref_slice %arg4[%dma_wait3A_295] : memref<320000xi32, #tpu.memory_space<hbm>> -> memref<40xi32, #tpu.memory_space<hbm>>
      %dma_wait3A_297 = arith.constant 0 : i32
      %dma_wait3A_298 = tpu.memref_slice %arg9[%dma_wait3A_291, %dma_wait3A_297] : memref<2x40xi32, #tpu.memory_space<vmem>> -> memref<1x40xi32, #tpu.memory_space<vmem>>
      %dma_wait3A_299 = tpu.memref_squeeze %dma_wait3A_298 : memref<1x40xi32, #tpu.memory_space<vmem>> -> memref<40xi32, #tpu.memory_space<vmem>>
      %dma_wait3A_300 = arith.constant 0 : i32
      %dma_wait3A_301 = tpu.memref_slice %arg4[%dma_wait3A_300] : memref<320000xi32, #tpu.memory_space<hbm>> -> memref<40xi32, #tpu.memory_space<hbm>>
      tpu.wait_dma2 semaphore(%arg16 : memref<!tpu.dma_semaphore, #tpu.memory_space<semaphore_mem>>) src(%dma_wait3A_301 : memref<40xi32, #tpu.memory_space<hbm>>) dst(%dma_wait3A_299 : memref<40xi32, #tpu.memory_space<vmem>>)
      %run_scoped3A_302 = arith.constant 0 : i32
      %run_scoped3A_303 = arith.constant 0 : i32
      "tpu.region"() ({
        %run_scoped3A_443 = tpu.sem_alloc : memref<!tpu.dma_semaphore, #tpu.memory_space<semaphore_mem>>
        %dma_start3A_444 = arith.constant 0 : i32
        %dma_start3A_445 = arith.constant 0 : i32
        %dma_start3A_446 = tpu.memref_slice %arg12[%run_scoped3A_302, %dma_start3A_444, %dma_start3A_445] : memref<2x40x144xf32, #tpu.memory_space<vmem>> -> memref<1x40x144xf32, #tpu.memory_space<vmem>>
        %dma_start3A_447 = tpu.memref_squeeze %dma_start3A_446 : memref<1x40x144xf32, #tpu.memory_space<vmem>> -> memref<40x144xf32, #tpu.memory_space<vmem>>
        %dma_start3A_448 = arith.constant 0 : i32
        %dma_start3A_449 = tpu.memref_slice %arg9[%run_scoped3A_303, %dma_start3A_448] : memref<2x40xi32, #tpu.memory_space<vmem>> -> memref<1x40xi32, #tpu.memory_space<vmem>>
        %dma_start3A_450 = tpu.memref_squeeze %dma_start3A_449 : memref<1x40xi32, #tpu.memory_space<vmem>> -> memref<40xi32, #tpu.memory_space<vmem>>
        %dma_start3A_451 = arith.constant 0 : i32
        %dma_start3A_452 = arith.constant 0 : i32
        %dma_start3A_453 = tpu.memref_slice %arg7[%dma_start3A_451, %dma_start3A_452] : memref<10000x144xf32, #tpu.memory_space<vmem_shared>> -> memref<10000x144xf32, #tpu.memory_space<vmem_shared>>
        tpu.enqueue_indirect_dma source(%dma_start3A_447 : memref<40x144xf32, #tpu.memory_space<vmem>>) target(%dma_start3A_453 : memref<10000x144xf32, #tpu.memory_space<vmem_shared>>) offsets(%dma_start3A_450 : memref<40xi32, #tpu.memory_space<vmem>>) semaphore(%run_scoped3A_443 : memref<!tpu.dma_semaphore, #tpu.memory_space<semaphore_mem>>) {add = true}
        %dma_wait3A_454 = arith.constant 0 : i32
        %dma_wait3A_455 = arith.constant 0 : i32
        %dma_wait3A_456 = tpu.memref_slice %arg12[%run_scoped3A_302, %dma_wait3A_454, %dma_wait3A_455] : memref<2x40x144xf32, #tpu.memory_space<vmem>> -> memref<1x40x144xf32, #tpu.memory_space<vmem>>
        %dma_wait3A_457 = tpu.memref_squeeze %dma_wait3A_456 : memref<1x40x144xf32, #tpu.memory_space<vmem>> -> memref<40x144xf32, #tpu.memory_space<vmem>>
        %dma_wait3A_458 = arith.constant 0 : i32
        %dma_wait3A_459 = tpu.memref_slice %arg9[%run_scoped3A_303, %dma_wait3A_458] : memref<2x40xi32, #tpu.memory_space<vmem>> -> memref<1x40xi32, #tpu.memory_space<vmem>>
        %dma_wait3A_460 = tpu.memref_squeeze %dma_wait3A_459 : memref<1x40xi32, #tpu.memory_space<vmem>> -> memref<40xi32, #tpu.memory_space<vmem>>
        %dma_wait3A_461 = arith.constant 0 : i32
        %dma_wait3A_462 = arith.constant 0 : i32
        %dma_wait3A_463 = tpu.memref_slice %arg7[%dma_wait3A_461, %dma_wait3A_462] : memref<10000x144xf32, #tpu.memory_space<vmem_shared>> -> memref<10000x144xf32, #tpu.memory_space<vmem_shared>>
        tpu.wait_indirect_dma semaphore(%run_scoped3A_443 : memref<!tpu.dma_semaphore, #tpu.memory_space<semaphore_mem>>) src(%dma_wait3A_457 : memref<40x144xf32, #tpu.memory_space<vmem>>) dst(%dma_wait3A_463 : memref<10000x144xf32, #tpu.memory_space<vmem_shared>>)
        tpu.yield
      }) : () -> ()
      %add3A_304 = arith.constant 2 : i32
      %add3A_305 = arith.addi %mul3A_237, %add3A_304 : i32
      %mul3A_306 = arith.constant 40 : i32
      %mul3A_307 = arith.muli %add3A_305, %mul3A_306 : i32
      %add3A_308 = arith.addi %mul3A_2, %mul3A_307 : i32
      %dma_start3A_309 = arith.constant 0 : i32
      %dma_start3A_310 = arith.constant 0 : i32
      %dma_start3A_311 = tpu.memref_slice %arg8[%dma_start3A_309, %dma_start3A_310] : memref<2x40xi32, #tpu.memory_space<vmem>> -> memref<1x40xi32, #tpu.memory_space<vmem>>
      %dma_start3A_312 = tpu.memref_squeeze %dma_start3A_311 : memref<1x40xi32, #tpu.memory_space<vmem>> -> memref<40xi32, #tpu.memory_space<vmem>>
      %dma_start3A_313 = tpu.memref_slice %arg3[%add3A_308] : memref<320000xi32, #tpu.memory_space<hbm>> -> memref<40xi32, #tpu.memory_space<hbm>>
      %dma_start3A_314 = arith.constant 0 : i32
      %dma_start3A_315 = tpu.memref_slice %arg8[%dma_start3A_309, %dma_start3A_314] : memref<2x40xi32, #tpu.memory_space<vmem>> -> memref<1x40xi32, #tpu.memory_space<vmem>>
      %dma_start3A_316 = tpu.memref_squeeze %dma_start3A_315 : memref<1x40xi32, #tpu.memory_space<vmem>> -> memref<40xi32, #tpu.memory_space<vmem>>
      %dma_start3A_317 = tpu.memref_slice %arg3[%add3A_308] : memref<320000xi32, #tpu.memory_space<hbm>> -> memref<40xi32, #tpu.memory_space<hbm>>
      tpu.enqueue_dma source(%dma_start3A_317 : memref<40xi32, #tpu.memory_space<hbm>>) target(%dma_start3A_316 : memref<40xi32, #tpu.memory_space<vmem>>) target_semaphore(%arg14 : memref<!tpu.dma_semaphore, #tpu.memory_space<semaphore_mem>>)
      %dma_start3A_318 = arith.constant 0 : i32
      %dma_start3A_319 = arith.constant 0 : i32
      %dma_start3A_320 = tpu.memref_slice %arg9[%dma_start3A_318, %dma_start3A_319] : memref<2x40xi32, #tpu.memory_space<vmem>> -> memref<1x40xi32, #tpu.memory_space<vmem>>
      %dma_start3A_321 = tpu.memref_squeeze %dma_start3A_320 : memref<1x40xi32, #tpu.memory_space<vmem>> -> memref<40xi32, #tpu.memory_space<vmem>>
      %dma_start3A_322 = tpu.memref_slice %arg4[%add3A_308] : memref<320000xi32, #tpu.memory_space<hbm>> -> memref<40xi32, #tpu.memory_space<hbm>>
      %dma_start3A_323 = arith.constant 0 : i32
      %dma_start3A_324 = tpu.memref_slice %arg9[%dma_start3A_318, %dma_start3A_323] : memref<2x40xi32, #tpu.memory_space<vmem>> -> memref<1x40xi32, #tpu.memory_space<vmem>>
      %dma_start3A_325 = tpu.memref_squeeze %dma_start3A_324 : memref<1x40xi32, #tpu.memory_space<vmem>> -> memref<40xi32, #tpu.memory_space<vmem>>
      %dma_start3A_326 = tpu.memref_slice %arg4[%add3A_308] : memref<320000xi32, #tpu.memory_space<hbm>> -> memref<40xi32, #tpu.memory_space<hbm>>
      tpu.enqueue_dma source(%dma_start3A_326 : memref<40xi32, #tpu.memory_space<hbm>>) target(%dma_start3A_325 : memref<40xi32, #tpu.memory_space<vmem>>) target_semaphore(%arg16 : memref<!tpu.dma_semaphore, #tpu.memory_space<semaphore_mem>>)
      %dma_start3A_327 = arith.constant 0 : i32
      %dma_start3A_328 = arith.constant 0 : i32
      %dma_start3A_329 = arith.constant 0 : i32
      %dma_start3A_330 = tpu.memref_slice %arg10[%dma_start3A_327, %dma_start3A_328, %dma_start3A_329] : memref<2x40x128xf32, #tpu.memory_space<vmem>> -> memref<1x40x128xf32, #tpu.memory_space<vmem>>
      %dma_start3A_331 = tpu.memref_squeeze %dma_start3A_330 : memref<1x40x128xf32, #tpu.memory_space<vmem>> -> memref<40x128xf32, #tpu.memory_space<vmem>>
      %dma_start3A_332 = arith.constant 0 : i32
      %dma_start3A_333 = tpu.memref_slice %arg5[%add3A_308, %dma_start3A_332] : memref<320000x128xf32, #tpu.memory_space<hbm>> -> memref<40x128xf32, #tpu.memory_space<hbm>>
      %dma_start3A_334 = arith.constant 0 : i32
      %dma_start3A_335 = arith.constant 0 : i32
      %dma_start3A_336 = tpu.memref_slice %arg10[%dma_start3A_327, %dma_start3A_334, %dma_start3A_335] : memref<2x40x128xf32, #tpu.memory_space<vmem>> -> memref<1x40x128xf32, #tpu.memory_space<vmem>>
      %dma_start3A_337 = tpu.memref_squeeze %dma_start3A_336 : memref<1x40x128xf32, #tpu.memory_space<vmem>> -> memref<40x128xf32, #tpu.memory_space<vmem>>
      %dma_start3A_338 = arith.constant 0 : i32
      %dma_start3A_339 = tpu.memref_slice %arg5[%add3A_308, %dma_start3A_338] : memref<320000x128xf32, #tpu.memory_space<hbm>> -> memref<40x128xf32, #tpu.memory_space<hbm>>
      tpu.enqueue_dma source(%dma_start3A_339 : memref<40x128xf32, #tpu.memory_space<hbm>>) target(%dma_start3A_337 : memref<40x128xf32, #tpu.memory_space<vmem>>) target_semaphore(%arg18 : memref<!tpu.dma_semaphore, #tpu.memory_space<semaphore_mem>>)
      %dma_wait3A_340 = arith.constant 0 : i32
      %dma_wait3A_341 = arith.constant 0 : i32
      %dma_wait3A_342 = tpu.memref_slice %arg8[%dma_wait3A_340, %dma_wait3A_341] : memref<2x40xi32, #tpu.memory_space<vmem>> -> memref<1x40xi32, #tpu.memory_space<vmem>>
      %dma_wait3A_343 = tpu.memref_squeeze %dma_wait3A_342 : memref<1x40xi32, #tpu.memory_space<vmem>> -> memref<40xi32, #tpu.memory_space<vmem>>
      %dma_wait3A_344 = arith.constant 0 : i32
      %dma_wait3A_345 = tpu.memref_slice %arg3[%dma_wait3A_344] : memref<320000xi32, #tpu.memory_space<hbm>> -> memref<40xi32, #tpu.memory_space<hbm>>
      %dma_wait3A_346 = arith.constant 0 : i32
      %dma_wait3A_347 = tpu.memref_slice %arg8[%dma_wait3A_340, %dma_wait3A_346] : memref<2x40xi32, #tpu.memory_space<vmem>> -> memref<1x40xi32, #tpu.memory_space<vmem>>
      %dma_wait3A_348 = tpu.memref_squeeze %dma_wait3A_347 : memref<1x40xi32, #tpu.memory_space<vmem>> -> memref<40xi32, #tpu.memory_space<vmem>>
      %dma_wait3A_349 = arith.constant 0 : i32
      %dma_wait3A_350 = tpu.memref_slice %arg3[%dma_wait3A_349] : memref<320000xi32, #tpu.memory_space<hbm>> -> memref<40xi32, #tpu.memory_space<hbm>>
      tpu.wait_dma2 semaphore(%arg14 : memref<!tpu.dma_semaphore, #tpu.memory_space<semaphore_mem>>) src(%dma_wait3A_350 : memref<40xi32, #tpu.memory_space<hbm>>) dst(%dma_wait3A_348 : memref<40xi32, #tpu.memory_space<vmem>>)
      %dma_start3A_351 = arith.constant 0 : i32
      %dma_start3A_352 = arith.constant 0 : i32
      %dma_start3A_353 = arith.constant 0 : i32
      %dma_start3A_354 = arith.constant 0 : i32
      %dma_start3A_355 = tpu.memref_slice %arg11[%dma_start3A_352, %dma_start3A_353, %dma_start3A_354] : memref<2x40x128xf32, #tpu.memory_space<vmem>> -> memref<1x40x128xf32, #tpu.memory_space<vmem>>
      %dma_start3A_356 = tpu.memref_squeeze %dma_start3A_355 : memref<1x40x128xf32, #tpu.memory_space<vmem>> -> memref<40x128xf32, #tpu.memory_space<vmem>>
      %dma_start3A_357 = arith.constant 0 : i32
      %dma_start3A_358 = tpu.memref_slice %arg8[%dma_start3A_351, %dma_start3A_357] : memref<2x40xi32, #tpu.memory_space<vmem>> -> memref<1x40xi32, #tpu.memory_space<vmem>>
      %dma_start3A_359 = tpu.memref_squeeze %dma_start3A_358 : memref<1x40xi32, #tpu.memory_space<vmem>> -> memref<40xi32, #tpu.memory_space<vmem>>
      %dma_start3A_360 = arith.constant 0 : i32
      %dma_start3A_361 = arith.constant 0 : i32
      %dma_start3A_362 = tpu.memref_slice %arg2[%dma_start3A_360, %dma_start3A_361] : memref<10000x128xf32, #tpu.memory_space<hbm>> -> memref<10000x128xf32, #tpu.memory_space<hbm>>
      tpu.enqueue_indirect_dma source(%dma_start3A_362 : memref<10000x128xf32, #tpu.memory_space<hbm>>) target(%dma_start3A_356 : memref<40x128xf32, #tpu.memory_space<vmem>>) offsets(%dma_start3A_359 : memref<40xi32, #tpu.memory_space<vmem>>) semaphore(%arg20 : memref<!tpu.dma_semaphore, #tpu.memory_space<semaphore_mem>>)
      %dma_wait3A_363 = arith.constant 1 : i32
      %dma_wait3A_364 = arith.constant 1 : i32
      %dma_wait3A_365 = arith.constant 0 : i32
      %dma_wait3A_366 = arith.constant 0 : i32
      %dma_wait3A_367 = tpu.memref_slice %arg11[%dma_wait3A_364, %dma_wait3A_365, %dma_wait3A_366] : memref<2x40x128xf32, #tpu.memory_space<vmem>> -> memref<1x40x128xf32, #tpu.memory_space<vmem>>
      %dma_wait3A_368 = tpu.memref_squeeze %dma_wait3A_367 : memref<1x40x128xf32, #tpu.memory_space<vmem>> -> memref<40x128xf32, #tpu.memory_space<vmem>>
      %dma_wait3A_369 = arith.constant 0 : i32
      %dma_wait3A_370 = tpu.memref_slice %arg8[%dma_wait3A_363, %dma_wait3A_369] : memref<2x40xi32, #tpu.memory_space<vmem>> -> memref<1x40xi32, #tpu.memory_space<vmem>>
      %dma_wait3A_371 = tpu.memref_squeeze %dma_wait3A_370 : memref<1x40xi32, #tpu.memory_space<vmem>> -> memref<40xi32, #tpu.memory_space<vmem>>
      %dma_wait3A_372 = arith.constant 0 : i32
      %dma_wait3A_373 = arith.constant 0 : i32
      %dma_wait3A_374 = tpu.memref_slice %arg2[%dma_wait3A_372, %dma_wait3A_373] : memref<10000x128xf32, #tpu.memory_space<hbm>> -> memref<10000x128xf32, #tpu.memory_space<hbm>>
      tpu.wait_indirect_dma semaphore(%arg21 : memref<!tpu.dma_semaphore, #tpu.memory_space<semaphore_mem>>) src(%dma_wait3A_374 : memref<10000x128xf32, #tpu.memory_space<hbm>>) dst(%dma_wait3A_368 : memref<40x128xf32, #tpu.memory_space<vmem>>)
      %dma_wait3A_375 = arith.constant 1 : i32
      %dma_wait3A_376 = arith.constant 0 : i32
      %dma_wait3A_377 = arith.constant 0 : i32
      %dma_wait3A_378 = tpu.memref_slice %arg10[%dma_wait3A_375, %dma_wait3A_376, %dma_wait3A_377] : memref<2x40x128xf32, #tpu.memory_space<vmem>> -> memref<1x40x128xf32, #tpu.memory_space<vmem>>
      %dma_wait3A_379 = tpu.memref_squeeze %dma_wait3A_378 : memref<1x40x128xf32, #tpu.memory_space<vmem>> -> memref<40x128xf32, #tpu.memory_space<vmem>>
      %dma_wait3A_380 = arith.constant 0 : i32
      %dma_wait3A_381 = arith.constant 0 : i32
      %dma_wait3A_382 = tpu.memref_slice %arg5[%dma_wait3A_380, %dma_wait3A_381] : memref<320000x128xf32, #tpu.memory_space<hbm>> -> memref<40x128xf32, #tpu.memory_space<hbm>>
      %dma_wait3A_383 = arith.constant 0 : i32
      %dma_wait3A_384 = arith.constant 0 : i32
      %dma_wait3A_385 = tpu.memref_slice %arg10[%dma_wait3A_375, %dma_wait3A_383, %dma_wait3A_384] : memref<2x40x128xf32, #tpu.memory_space<vmem>> -> memref<1x40x128xf32, #tpu.memory_space<vmem>>
      %dma_wait3A_386 = tpu.memref_squeeze %dma_wait3A_385 : memref<1x40x128xf32, #tpu.memory_space<vmem>> -> memref<40x128xf32, #tpu.memory_space<vmem>>
      %dma_wait3A_387 = arith.constant 0 : i32
      %dma_wait3A_388 = arith.constant 0 : i32
      %dma_wait3A_389 = tpu.memref_slice %arg5[%dma_wait3A_387, %dma_wait3A_388] : memref<320000x128xf32, #tpu.memory_space<hbm>> -> memref<40x128xf32, #tpu.memory_space<hbm>>
      tpu.wait_dma2 semaphore(%arg19 : memref<!tpu.dma_semaphore, #tpu.memory_space<semaphore_mem>>) src(%dma_wait3A_389 : memref<40x128xf32, #tpu.memory_space<hbm>>) dst(%dma_wait3A_386 : memref<40x128xf32, #tpu.memory_space<vmem>>)
      %parallel_loop3A_390 = arith.constant 0 : i32
      %parallel_loop3A_391 = arith.constant 40 : i32
      %parallel_loop3A_392 = arith.constant 1 : i32
      scf.for %parallel_loop3A_443 = %parallel_loop3A_390 to %parallel_loop3A_391 step %parallel_loop3A_392  : i32 {
        %parallel_loop3A_444 = arith.constant 1 : i32
        %parallel_loop3A_445 = arith.index_cast %parallel_loop3A_444 : i32 to index
        %parallel_loop3A_446 = arith.index_cast %parallel_loop3A_443 : i32 to index
        %parallel_loop3A_447 = arith.constant 0 : index
        %parallel_loop3A_448 = tpu.vector_load %arg11[%parallel_loop3A_445, %parallel_loop3A_446, %parallel_loop3A_447] {strides = array<i32>} : memref<2x40x128xf32, #tpu.memory_space<vmem>>, vector<1x1x16xf32>,
        %parallel_loop3A_449 = vector.shape_cast %parallel_loop3A_448 : vector<1x1x16xf32> to vector<16xf32>
        %parallel_loop3A_450 = arith.constant 1 : i32
        %parallel_loop3A_451 = arith.index_cast %parallel_loop3A_450 : i32 to index
        %parallel_loop3A_452 = arith.index_cast %parallel_loop3A_443 : i32 to index
        %parallel_loop3A_453 = arith.constant 0 : index
        %parallel_loop3A_454 = tpu.vector_load %arg10[%parallel_loop3A_451, %parallel_loop3A_452, %parallel_loop3A_453] {strides = array<i32>} : memref<2x40x128xf32, #tpu.memory_space<vmem>>, vector<1x1x16xf32>,
        %parallel_loop3A_455 = vector.shape_cast %parallel_loop3A_454 : vector<1x1x16xf32> to vector<16xf32>
        %parallel_loop3A_456 = arith.mulf %parallel_loop3A_449, %parallel_loop3A_455 : vector<16xf32>
        %parallel_loop3A_457 = arith.constant 1 : i32
        %parallel_loop3A_458 = arith.index_cast %parallel_loop3A_457 : i32 to index
        %parallel_loop3A_459 = arith.index_cast %parallel_loop3A_443 : i32 to index
        %parallel_loop3A_460 = arith.constant 0 : index
        %parallel_loop3A_461 = tpu.vector_load %arg12[%parallel_loop3A_458, %parallel_loop3A_459, %parallel_loop3A_460] {strides = array<i32>} : memref<2x40x144xf32, #tpu.memory_space<vmem>>, vector<1x1x16xf32>,
        %parallel_loop3A_462 = vector.shape_cast %parallel_loop3A_461 : vector<1x1x16xf32> to vector<16xf32>
        %parallel_loop3A_463 = vector.shape_cast %parallel_loop3A_456 : vector<16xf32> to vector<1x1x16xf32>
        tpu.vector_store %arg12[%parallel_loop3A_458, %parallel_loop3A_459, %parallel_loop3A_460], %parallel_loop3A_463 {strides = array<i32>} : memref<2x40x144xf32, #tpu.memory_space<vmem>>, vector<1x1x16xf32>,
        %parallel_loop3A_464 = arith.constant 1 : i32
        %parallel_loop3A_465 = arith.index_cast %parallel_loop3A_464 : i32 to index
        %parallel_loop3A_466 = arith.index_cast %parallel_loop3A_443 : i32 to index
        %parallel_loop3A_467 = arith.constant 16 : index
        %parallel_loop3A_468 = tpu.vector_load %arg11[%parallel_loop3A_465, %parallel_loop3A_466, %parallel_loop3A_467] {strides = array<i32>} : memref<2x40x128xf32, #tpu.memory_space<vmem>>, vector<1x1x16xf32>,
        %parallel_loop3A_469 = vector.shape_cast %parallel_loop3A_468 : vector<1x1x16xf32> to vector<16xf32>
        %parallel_loop3A_470 = arith.constant 1 : i32
        %parallel_loop3A_471 = arith.index_cast %parallel_loop3A_470 : i32 to index
        %parallel_loop3A_472 = arith.index_cast %parallel_loop3A_443 : i32 to index
        %parallel_loop3A_473 = arith.constant 16 : index
        %parallel_loop3A_474 = tpu.vector_load %arg10[%parallel_loop3A_471, %parallel_loop3A_472, %parallel_loop3A_473] {strides = array<i32>} : memref<2x40x128xf32, #tpu.memory_space<vmem>>, vector<1x1x16xf32>,
        %parallel_loop3A_475 = vector.shape_cast %parallel_loop3A_474 : vector<1x1x16xf32> to vector<16xf32>
        %parallel_loop3A_476 = arith.mulf %parallel_loop3A_469, %parallel_loop3A_475 : vector<16xf32>
        %parallel_loop3A_477 = arith.constant 1 : i32
        %parallel_loop3A_478 = arith.index_cast %parallel_loop3A_477 : i32 to index
        %parallel_loop3A_479 = arith.index_cast %parallel_loop3A_443 : i32 to index
        %parallel_loop3A_480 = arith.constant 16 : index
        %parallel_loop3A_481 = tpu.vector_load %arg12[%parallel_loop3A_478, %parallel_loop3A_479, %parallel_loop3A_480] {strides = array<i32>} : memref<2x40x144xf32, #tpu.memory_space<vmem>>, vector<1x1x16xf32>,
        %parallel_loop3A_482 = vector.shape_cast %parallel_loop3A_481 : vector<1x1x16xf32> to vector<16xf32>
        %parallel_loop3A_483 = vector.shape_cast %parallel_loop3A_476 : vector<16xf32> to vector<1x1x16xf32>
        tpu.vector_store %arg12[%parallel_loop3A_478, %parallel_loop3A_479, %parallel_loop3A_480], %parallel_loop3A_483 {strides = array<i32>} : memref<2x40x144xf32, #tpu.memory_space<vmem>>, vector<1x1x16xf32>,
        %parallel_loop3A_484 = arith.constant 1 : i32
        %parallel_loop3A_485 = arith.index_cast %parallel_loop3A_484 : i32 to index
        %parallel_loop3A_486 = arith.index_cast %parallel_loop3A_443 : i32 to index
        %parallel_loop3A_487 = arith.constant 32 : index
        %parallel_loop3A_488 = tpu.vector_load %arg11[%parallel_loop3A_485, %parallel_loop3A_486, %parallel_loop3A_487] {strides = array<i32>} : memref<2x40x128xf32, #tpu.memory_space<vmem>>, vector<1x1x16xf32>,
        %parallel_loop3A_489 = vector.shape_cast %parallel_loop3A_488 : vector<1x1x16xf32> to vector<16xf32>
        %parallel_loop3A_490 = arith.constant 1 : i32
        %parallel_loop3A_491 = arith.index_cast %parallel_loop3A_490 : i32 to index
        %parallel_loop3A_492 = arith.index_cast %parallel_loop3A_443 : i32 to index
        %parallel_loop3A_493 = arith.constant 32 : index
        %parallel_loop3A_494 = tpu.vector_load %arg10[%parallel_loop3A_491, %parallel_loop3A_492, %parallel_loop3A_493] {strides = array<i32>} : memref<2x40x128xf32, #tpu.memory_space<vmem>>, vector<1x1x16xf32>,
        %parallel_loop3A_495 = vector.shape_cast %parallel_loop3A_494 : vector<1x1x16xf32> to vector<16xf32>
        %parallel_loop3A_496 = arith.mulf %parallel_loop3A_489, %parallel_loop3A_495 : vector<16xf32>
        %parallel_loop3A_497 = arith.constant 1 : i32
        %parallel_loop3A_498 = arith.index_cast %parallel_loop3A_497 : i32 to index
        %parallel_loop3A_499 = arith.index_cast %parallel_loop3A_443 : i32 to index
        %parallel_loop3A_500 = arith.constant 32 : index
        %parallel_loop3A_501 = tpu.vector_load %arg12[%parallel_loop3A_498, %parallel_loop3A_499, %parallel_loop3A_500] {strides = array<i32>} : memref<2x40x144xf32, #tpu.memory_space<vmem>>, vector<1x1x16xf32>,
        %parallel_loop3A_502 = vector.shape_cast %parallel_loop3A_501 : vector<1x1x16xf32> to vector<16xf32>
        %parallel_loop3A_503 = vector.shape_cast %parallel_loop3A_496 : vector<16xf32> to vector<1x1x16xf32>
        tpu.vector_store %arg12[%parallel_loop3A_498, %parallel_loop3A_499, %parallel_loop3A_500], %parallel_loop3A_503 {strides = array<i32>} : memref<2x40x144xf32, #tpu.memory_space<vmem>>, vector<1x1x16xf32>,
        %parallel_loop3A_504 = arith.constant 1 : i32
        %parallel_loop3A_505 = arith.index_cast %parallel_loop3A_504 : i32 to index
        %parallel_loop3A_506 = arith.index_cast %parallel_loop3A_443 : i32 to index
        %parallel_loop3A_507 = arith.constant 48 : index
        %parallel_loop3A_508 = tpu.vector_load %arg11[%parallel_loop3A_505, %parallel_loop3A_506, %parallel_loop3A_507] {strides = array<i32>} : memref<2x40x128xf32, #tpu.memory_space<vmem>>, vector<1x1x16xf32>,
        %parallel_loop3A_509 = vector.shape_cast %parallel_loop3A_508 : vector<1x1x16xf32> to vector<16xf32>
        %parallel_loop3A_510 = arith.constant 1 : i32
        %parallel_loop3A_511 = arith.index_cast %parallel_loop3A_510 : i32 to index
        %parallel_loop3A_512 = arith.index_cast %parallel_loop3A_443 : i32 to index
        %parallel_loop3A_513 = arith.constant 48 : index
        %parallel_loop3A_514 = tpu.vector_load %arg10[%parallel_loop3A_511, %parallel_loop3A_512, %parallel_loop3A_513] {strides = array<i32>} : memref<2x40x128xf32, #tpu.memory_space<vmem>>, vector<1x1x16xf32>,
        %parallel_loop3A_515 = vector.shape_cast %parallel_loop3A_514 : vector<1x1x16xf32> to vector<16xf32>
        %parallel_loop3A_516 = arith.mulf %parallel_loop3A_509, %parallel_loop3A_515 : vector<16xf32>
        %parallel_loop3A_517 = arith.constant 1 : i32
        %parallel_loop3A_518 = arith.index_cast %parallel_loop3A_517 : i32 to index
        %parallel_loop3A_519 = arith.index_cast %parallel_loop3A_443 : i32 to index
        %parallel_loop3A_520 = arith.constant 48 : index
        %parallel_loop3A_521 = tpu.vector_load %arg12[%parallel_loop3A_518, %parallel_loop3A_519, %parallel_loop3A_520] {strides = array<i32>} : memref<2x40x144xf32, #tpu.memory_space<vmem>>, vector<1x1x16xf32>,
        %parallel_loop3A_522 = vector.shape_cast %parallel_loop3A_521 : vector<1x1x16xf32> to vector<16xf32>
        %parallel_loop3A_523 = vector.shape_cast %parallel_loop3A_516 : vector<16xf32> to vector<1x1x16xf32>
        tpu.vector_store %arg12[%parallel_loop3A_518, %parallel_loop3A_519, %parallel_loop3A_520], %parallel_loop3A_523 {strides = array<i32>} : memref<2x40x144xf32, #tpu.memory_space<vmem>>, vector<1x1x16xf32>,
        %parallel_loop3A_524 = arith.constant 1 : i32
        %parallel_loop3A_525 = arith.index_cast %parallel_loop3A_524 : i32 to index
        %parallel_loop3A_526 = arith.index_cast %parallel_loop3A_443 : i32 to index
        %parallel_loop3A_527 = arith.constant 64 : index
        %parallel_loop3A_528 = tpu.vector_load %arg11[%parallel_loop3A_525, %parallel_loop3A_526, %parallel_loop3A_527] {strides = array<i32>} : memref<2x40x128xf32, #tpu.memory_space<vmem>>, vector<1x1x16xf32>,
        %parallel_loop3A_529 = vector.shape_cast %parallel_loop3A_528 : vector<1x1x16xf32> to vector<16xf32>
        %parallel_loop3A_530 = arith.constant 1 : i32
        %parallel_loop3A_531 = arith.index_cast %parallel_loop3A_530 : i32 to index
        %parallel_loop3A_532 = arith.index_cast %parallel_loop3A_443 : i32 to index
        %parallel_loop3A_533 = arith.constant 64 : index
        %parallel_loop3A_534 = tpu.vector_load %arg10[%parallel_loop3A_531, %parallel_loop3A_532, %parallel_loop3A_533] {strides = array<i32>} : memref<2x40x128xf32, #tpu.memory_space<vmem>>, vector<1x1x16xf32>,
        %parallel_loop3A_535 = vector.shape_cast %parallel_loop3A_534 : vector<1x1x16xf32> to vector<16xf32>
        %parallel_loop3A_536 = arith.mulf %parallel_loop3A_529, %parallel_loop3A_535 : vector<16xf32>
        %parallel_loop3A_537 = arith.constant 1 : i32
        %parallel_loop3A_538 = arith.index_cast %parallel_loop3A_537 : i32 to index
        %parallel_loop3A_539 = arith.index_cast %parallel_loop3A_443 : i32 to index
        %parallel_loop3A_540 = arith.constant 64 : index
        %parallel_loop3A_541 = tpu.vector_load %arg12[%parallel_loop3A_538, %parallel_loop3A_539, %parallel_loop3A_540] {strides = array<i32>} : memref<2x40x144xf32, #tpu.memory_space<vmem>>, vector<1x1x16xf32>,
        %parallel_loop3A_542 = vector.shape_cast %parallel_loop3A_541 : vector<1x1x16xf32> to vector<16xf32>
        %parallel_loop3A_543 = vector.shape_cast %parallel_loop3A_536 : vector<16xf32> to vector<1x1x16xf32>
        tpu.vector_store %arg12[%parallel_loop3A_538, %parallel_loop3A_539, %parallel_loop3A_540], %parallel_loop3A_543 {strides = array<i32>} : memref<2x40x144xf32, #tpu.memory_space<vmem>>, vector<1x1x16xf32>,
        %parallel_loop3A_544 = arith.constant 1 : i32
        %parallel_loop3A_545 = arith.index_cast %parallel_loop3A_544 : i32 to index
        %parallel_loop3A_546 = arith.index_cast %parallel_loop3A_443 : i32 to index
        %parallel_loop3A_547 = arith.constant 80 : index
        %parallel_loop3A_548 = tpu.vector_load %arg11[%parallel_loop3A_545, %parallel_loop3A_546, %parallel_loop3A_547] {strides = array<i32>} : memref<2x40x128xf32, #tpu.memory_space<vmem>>, vector<1x1x16xf32>,
        %parallel_loop3A_549 = vector.shape_cast %parallel_loop3A_548 : vector<1x1x16xf32> to vector<16xf32>
        %parallel_loop3A_550 = arith.constant 1 : i32
        %parallel_loop3A_551 = arith.index_cast %parallel_loop3A_550 : i32 to index
        %parallel_loop3A_552 = arith.index_cast %parallel_loop3A_443 : i32 to index
        %parallel_loop3A_553 = arith.constant 80 : index
        %parallel_loop3A_554 = tpu.vector_load %arg10[%parallel_loop3A_551, %parallel_loop3A_552, %parallel_loop3A_553] {strides = array<i32>} : memref<2x40x128xf32, #tpu.memory_space<vmem>>, vector<1x1x16xf32>,
        %parallel_loop3A_555 = vector.shape_cast %parallel_loop3A_554 : vector<1x1x16xf32> to vector<16xf32>
        %parallel_loop3A_556 = arith.mulf %parallel_loop3A_549, %parallel_loop3A_555 : vector<16xf32>
        %parallel_loop3A_557 = arith.constant 1 : i32
        %parallel_loop3A_558 = arith.index_cast %parallel_loop3A_557 : i32 to index
        %parallel_loop3A_559 = arith.index_cast %parallel_loop3A_443 : i32 to index
        %parallel_loop3A_560 = arith.constant 80 : index
        %parallel_loop3A_561 = tpu.vector_load %arg12[%parallel_loop3A_558, %parallel_loop3A_559, %parallel_loop3A_560] {strides = array<i32>} : memref<2x40x144xf32, #tpu.memory_space<vmem>>, vector<1x1x16xf32>,
        %parallel_loop3A_562 = vector.shape_cast %parallel_loop3A_561 : vector<1x1x16xf32> to vector<16xf32>
        %parallel_loop3A_563 = vector.shape_cast %parallel_loop3A_556 : vector<16xf32> to vector<1x1x16xf32>
        tpu.vector_store %arg12[%parallel_loop3A_558, %parallel_loop3A_559, %parallel_loop3A_560], %parallel_loop3A_563 {strides = array<i32>} : memref<2x40x144xf32, #tpu.memory_space<vmem>>, vector<1x1x16xf32>,
        %parallel_loop3A_564 = arith.constant 1 : i32
        %parallel_loop3A_565 = arith.index_cast %parallel_loop3A_564 : i32 to index
        %parallel_loop3A_566 = arith.index_cast %parallel_loop3A_443 : i32 to index
        %parallel_loop3A_567 = arith.constant 96 : index
        %parallel_loop3A_568 = tpu.vector_load %arg11[%parallel_loop3A_565, %parallel_loop3A_566, %parallel_loop3A_567] {strides = array<i32>} : memref<2x40x128xf32, #tpu.memory_space<vmem>>, vector<1x1x16xf32>,
        %parallel_loop3A_569 = vector.shape_cast %parallel_loop3A_568 : vector<1x1x16xf32> to vector<16xf32>
        %parallel_loop3A_570 = arith.constant 1 : i32
        %parallel_loop3A_571 = arith.index_cast %parallel_loop3A_570 : i32 to index
        %parallel_loop3A_572 = arith.index_cast %parallel_loop3A_443 : i32 to index
        %parallel_loop3A_573 = arith.constant 96 : index
        %parallel_loop3A_574 = tpu.vector_load %arg10[%parallel_loop3A_571, %parallel_loop3A_572, %parallel_loop3A_573] {strides = array<i32>} : memref<2x40x128xf32, #tpu.memory_space<vmem>>, vector<1x1x16xf32>,
        %parallel_loop3A_575 = vector.shape_cast %parallel_loop3A_574 : vector<1x1x16xf32> to vector<16xf32>
        %parallel_loop3A_576 = arith.mulf %parallel_loop3A_569, %parallel_loop3A_575 : vector<16xf32>
        %parallel_loop3A_577 = arith.constant 1 : i32
        %parallel_loop3A_578 = arith.index_cast %parallel_loop3A_577 : i32 to index
        %parallel_loop3A_579 = arith.index_cast %parallel_loop3A_443 : i32 to index
        %parallel_loop3A_580 = arith.constant 96 : index
        %parallel_loop3A_581 = tpu.vector_load %arg12[%parallel_loop3A_578, %parallel_loop3A_579, %parallel_loop3A_580] {strides = array<i32>} : memref<2x40x144xf32, #tpu.memory_space<vmem>>, vector<1x1x16xf32>,
        %parallel_loop3A_582 = vector.shape_cast %parallel_loop3A_581 : vector<1x1x16xf32> to vector<16xf32>
        %parallel_loop3A_583 = vector.shape_cast %parallel_loop3A_576 : vector<16xf32> to vector<1x1x16xf32>
        tpu.vector_store %arg12[%parallel_loop3A_578, %parallel_loop3A_579, %parallel_loop3A_580], %parallel_loop3A_583 {strides = array<i32>} : memref<2x40x144xf32, #tpu.memory_space<vmem>>, vector<1x1x16xf32>,
        %parallel_loop3A_584 = arith.constant 1 : i32
        %parallel_loop3A_585 = arith.index_cast %parallel_loop3A_584 : i32 to index
        %parallel_loop3A_586 = arith.index_cast %parallel_loop3A_443 : i32 to index
        %parallel_loop3A_587 = arith.constant 112 : index
        %parallel_loop3A_588 = tpu.vector_load %arg11[%parallel_loop3A_585, %parallel_loop3A_586, %parallel_loop3A_587] {strides = array<i32>} : memref<2x40x128xf32, #tpu.memory_space<vmem>>, vector<1x1x16xf32>,
        %parallel_loop3A_589 = vector.shape_cast %parallel_loop3A_588 : vector<1x1x16xf32> to vector<16xf32>
        %parallel_loop3A_590 = arith.constant 1 : i32
        %parallel_loop3A_591 = arith.index_cast %parallel_loop3A_590 : i32 to index
        %parallel_loop3A_592 = arith.index_cast %parallel_loop3A_443 : i32 to index
        %parallel_loop3A_593 = arith.constant 112 : index
        %parallel_loop3A_594 = tpu.vector_load %arg10[%parallel_loop3A_591, %parallel_loop3A_592, %parallel_loop3A_593] {strides = array<i32>} : memref<2x40x128xf32, #tpu.memory_space<vmem>>, vector<1x1x16xf32>,
        %parallel_loop3A_595 = vector.shape_cast %parallel_loop3A_594 : vector<1x1x16xf32> to vector<16xf32>
        %parallel_loop3A_596 = arith.mulf %parallel_loop3A_589, %parallel_loop3A_595 : vector<16xf32>
        %parallel_loop3A_597 = arith.constant 1 : i32
        %parallel_loop3A_598 = arith.index_cast %parallel_loop3A_597 : i32 to index
        %parallel_loop3A_599 = arith.index_cast %parallel_loop3A_443 : i32 to index
        %parallel_loop3A_600 = arith.constant 112 : index
        %parallel_loop3A_601 = tpu.vector_load %arg12[%parallel_loop3A_598, %parallel_loop3A_599, %parallel_loop3A_600] {strides = array<i32>} : memref<2x40x144xf32, #tpu.memory_space<vmem>>, vector<1x1x16xf32>,
        %parallel_loop3A_602 = vector.shape_cast %parallel_loop3A_601 : vector<1x1x16xf32> to vector<16xf32>
        %parallel_loop3A_603 = vector.shape_cast %parallel_loop3A_596 : vector<16xf32> to vector<1x1x16xf32>
        tpu.vector_store %arg12[%parallel_loop3A_598, %parallel_loop3A_599, %parallel_loop3A_600], %parallel_loop3A_603 {strides = array<i32>} : memref<2x40x144xf32, #tpu.memory_space<vmem>>, vector<1x1x16xf32>,
      } {sc.loop_unroll_factor = 8 : i64, sc.parallel_access}
      %dma_wait3A_393 = arith.constant 1 : i32
      %dma_wait3A_394 = arith.constant 0 : i32
      %dma_wait3A_395 = tpu.memref_slice %arg9[%dma_wait3A_393, %dma_wait3A_394] : memref<2x40xi32, #tpu.memory_space<vmem>> -> memref<1x40xi32, #tpu.memory_space<vmem>>
      %dma_wait3A_396 = tpu.memref_squeeze %dma_wait3A_395 : memref<1x40xi32, #tpu.memory_space<vmem>> -> memref<40xi32, #tpu.memory_space<vmem>>
      %dma_wait3A_397 = arith.constant 0 : i32
      %dma_wait3A_398 = tpu.memref_slice %arg4[%dma_wait3A_397] : memref<320000xi32, #tpu.memory_space<hbm>> -> memref<40xi32, #tpu.memory_space<hbm>>
      %dma_wait3A_399 = arith.constant 0 : i32
      %dma_wait3A_400 = tpu.memref_slice %arg9[%dma_wait3A_393, %dma_wait3A_399] : memref<2x40xi32, #tpu.memory_space<vmem>> -> memref<1x40xi32, #tpu.memory_space<vmem>>
      %dma_wait3A_401 = tpu.memref_squeeze %dma_wait3A_400 : memref<1x40xi32, #tpu.memory_space<vmem>> -> memref<40xi32, #tpu.memory_space<vmem>>
      %dma_wait3A_402 = arith.constant 0 : i32
      %dma_wait3A_403 = tpu.memref_slice %arg4[%dma_wait3A_402] : memref<320000xi32, #tpu.memory_space<hbm>> -> memref<40xi32, #tpu.memory_space<hbm>>
      tpu.wait_dma2 semaphore(%arg17 : memref<!tpu.dma_semaphore, #tpu.memory_space<semaphore_mem>>) src(%dma_wait3A_403 : memref<40xi32, #tpu.memory_space<hbm>>) dst(%dma_wait3A_401 : memref<40xi32, #tpu.memory_space<vmem>>)
      %run_scoped3A_404 = arith.constant 1 : i32
      %run_scoped3A_405 = arith.constant 1 : i32
      "tpu.region"() ({
        %run_scoped3A_443 = tpu.sem_alloc : memref<!tpu.dma_semaphore, #tpu.memory_space<semaphore_mem>>
        %dma_start3A_444 = arith.constant 0 : i32
        %dma_start3A_445 = arith.constant 0 : i32
        %dma_start3A_446 = tpu.memref_slice %arg12[%run_scoped3A_404, %dma_start3A_444, %dma_start3A_445] : memref<2x40x144xf32, #tpu.memory_space<vmem>> -> memref<1x40x144xf32, #tpu.memory_space<vmem>>
        %dma_start3A_447 = tpu.memref_squeeze %dma_start3A_446 : memref<1x40x144xf32, #tpu.memory_space<vmem>> -> memref<40x144xf32, #tpu.memory_space<vmem>>
        %dma_start3A_448 = arith.constant 0 : i32
        %dma_start3A_449 = tpu.memref_slice %arg9[%run_scoped3A_405, %dma_start3A_448] : memref<2x40xi32, #tpu.memory_space<vmem>> -> memref<1x40xi32, #tpu.memory_space<vmem>>
        %dma_start3A_450 = tpu.memref_squeeze %dma_start3A_449 : memref<1x40xi32, #tpu.memory_space<vmem>> -> memref<40xi32, #tpu.memory_space<vmem>>
        %dma_start3A_451 = arith.constant 0 : i32
        %dma_start3A_452 = arith.constant 0 : i32
        %dma_start3A_453 = tpu.memref_slice %arg7[%dma_start3A_451, %dma_start3A_452] : memref<10000x144xf32, #tpu.memory_space<vmem_shared>> -> memref<10000x144xf32, #tpu.memory_space<vmem_shared>>
        tpu.enqueue_indirect_dma source(%dma_start3A_447 : memref<40x144xf32, #tpu.memory_space<vmem>>) target(%dma_start3A_453 : memref<10000x144xf32, #tpu.memory_space<vmem_shared>>) offsets(%dma_start3A_450 : memref<40xi32, #tpu.memory_space<vmem>>) semaphore(%run_scoped3A_443 : memref<!tpu.dma_semaphore, #tpu.memory_space<semaphore_mem>>) {add = true}
        %dma_wait3A_454 = arith.constant 0 : i32
        %dma_wait3A_455 = arith.constant 0 : i32
        %dma_wait3A_456 = tpu.memref_slice %arg12[%run_scoped3A_404, %dma_wait3A_454, %dma_wait3A_455] : memref<2x40x144xf32, #tpu.memory_space<vmem>> -> memref<1x40x144xf32, #tpu.memory_space<vmem>>
        %dma_wait3A_457 = tpu.memref_squeeze %dma_wait3A_456 : memref<1x40x144xf32, #tpu.memory_space<vmem>> -> memref<40x144xf32, #tpu.memory_space<vmem>>
        %dma_wait3A_458 = arith.constant 0 : i32
        %dma_wait3A_459 = tpu.memref_slice %arg9[%run_scoped3A_405, %dma_wait3A_458] : memref<2x40xi32, #tpu.memory_space<vmem>> -> memref<1x40xi32, #tpu.memory_space<vmem>>
        %dma_wait3A_460 = tpu.memref_squeeze %dma_wait3A_459 : memref<1x40xi32, #tpu.memory_space<vmem>> -> memref<40xi32, #tpu.memory_space<vmem>>
        %dma_wait3A_461 = arith.constant 0 : i32
        %dma_wait3A_462 = arith.constant 0 : i32
        %dma_wait3A_463 = tpu.memref_slice %arg7[%dma_wait3A_461, %dma_wait3A_462] : memref<10000x144xf32, #tpu.memory_space<vmem_shared>> -> memref<10000x144xf32, #tpu.memory_space<vmem_shared>>
        tpu.wait_indirect_dma semaphore(%run_scoped3A_443 : memref<!tpu.dma_semaphore, #tpu.memory_space<semaphore_mem>>) src(%dma_wait3A_457 : memref<40x144xf32, #tpu.memory_space<vmem>>) dst(%dma_wait3A_463 : memref<10000x144xf32, #tpu.memory_space<vmem_shared>>)
        tpu.yield
      }) : () -> ()
      %add3A_406 = arith.constant 3 : i32
      %add3A_407 = arith.addi %mul3A_237, %add3A_406 : i32
      %mul3A_408 = arith.constant 40 : i32
      %mul3A_409 = arith.muli %add3A_407, %mul3A_408 : i32
      %add3A_410 = arith.addi %mul3A_2, %mul3A_409 : i32
      %dma_start3A_411 = arith.constant 1 : i32
      %dma_start3A_412 = arith.constant 0 : i32
      %dma_start3A_413 = tpu.memref_slice %arg8[%dma_start3A_411, %dma_start3A_412] : memref<2x40xi32, #tpu.memory_space<vmem>> -> memref<1x40xi32, #tpu.memory_space<vmem>>
      %dma_start3A_414 = tpu.memref_squeeze %dma_start3A_413 : memref<1x40xi32, #tpu.memory_space<vmem>> -> memref<40xi32, #tpu.memory_space<vmem>>
      %dma_start3A_415 = tpu.memref_slice %arg3[%add3A_410] : memref<320000xi32, #tpu.memory_space<hbm>> -> memref<40xi32, #tpu.memory_space<hbm>>
      %dma_start3A_416 = arith.constant 0 : i32
      %dma_start3A_417 = tpu.memref_slice %arg8[%dma_start3A_411, %dma_start3A_416] : memref<2x40xi32, #tpu.memory_space<vmem>> -> memref<1x40xi32, #tpu.memory_space<vmem>>
      %dma_start3A_418 = tpu.memref_squeeze %dma_start3A_417 : memref<1x40xi32, #tpu.memory_space<vmem>> -> memref<40xi32, #tpu.memory_space<vmem>>
      %dma_start3A_419 = tpu.memref_slice %arg3[%add3A_410] : memref<320000xi32, #tpu.memory_space<hbm>> -> memref<40xi32, #tpu.memory_space<hbm>>
      tpu.enqueue_dma source(%dma_start3A_419 : memref<40xi32, #tpu.memory_space<hbm>>) target(%dma_start3A_418 : memref<40xi32, #tpu.memory_space<vmem>>) target_semaphore(%arg15 : memref<!tpu.dma_semaphore, #tpu.memory_space<semaphore_mem>>)
      %dma_start3A_420 = arith.constant 1 : i32
      %dma_start3A_421 = arith.constant 0 : i32
      %dma_start3A_422 = tpu.memref_slice %arg9[%dma_start3A_420, %dma_start3A_421] : memref<2x40xi32, #tpu.memory_space<vmem>> -> memref<1x40xi32, #tpu.memory_space<vmem>>
      %dma_start3A_423 = tpu.memref_squeeze %dma_start3A_422 : memref<1x40xi32, #tpu.memory_space<vmem>> -> memref<40xi32, #tpu.memory_space<vmem>>
      %dma_start3A_424 = tpu.memref_slice %arg4[%add3A_410] : memref<320000xi32, #tpu.memory_space<hbm>> -> memref<40xi32, #tpu.memory_space<hbm>>
      %dma_start3A_425 = arith.constant 0 : i32
      %dma_start3A_426 = tpu.memref_slice %arg9[%dma_start3A_420, %dma_start3A_425] : memref<2x40xi32, #tpu.memory_space<vmem>> -> memref<1x40xi32, #tpu.memory_space<vmem>>
      %dma_start3A_427 = tpu.memref_squeeze %dma_start3A_426 : memref<1x40xi32, #tpu.memory_space<vmem>> -> memref<40xi32, #tpu.memory_space<vmem>>
      %dma_start3A_428 = tpu.memref_slice %arg4[%add3A_410] : memref<320000xi32, #tpu.memory_space<hbm>> -> memref<40xi32, #tpu.memory_space<hbm>>
      tpu.enqueue_dma source(%dma_start3A_428 : memref<40xi32, #tpu.memory_space<hbm>>) target(%dma_start3A_427 : memref<40xi32, #tpu.memory_space<vmem>>) target_semaphore(%arg17 : memref<!tpu.dma_semaphore, #tpu.memory_space<semaphore_mem>>)
      %dma_start3A_429 = arith.constant 1 : i32
      %dma_start3A_430 = arith.constant 0 : i32
      %dma_start3A_431 = arith.constant 0 : i32
      %dma_start3A_432 = tpu.memref_slice %arg10[%dma_start3A_429, %dma_start3A_430, %dma_start3A_431] : memref<2x40x128xf32, #tpu.memory_space<vmem>> -> memref<1x40x128xf32, #tpu.memory_space<vmem>>
      %dma_start3A_433 = tpu.memref_squeeze %dma_start3A_432 : memref<1x40x128xf32, #tpu.memory_space<vmem>> -> memref<40x128xf32, #tpu.memory_space<vmem>>
      %dma_start3A_434 = arith.constant 0 : i32
      %dma_start3A_435 = tpu.memref_slice %arg5[%add3A_410, %dma_start3A_434] : memref<320000x128xf32, #tpu.memory_space<hbm>> -> memref<40x128xf32, #tpu.memory_space<hbm>>
      %dma_start3A_436 = arith.constant 0 : i32
      %dma_start3A_437 = arith.constant 0 : i32
      %dma_start3A_438 = tpu.memref_slice %arg10[%dma_start3A_429, %dma_start3A_436, %dma_start3A_437] : memref<2x40x128xf32, #tpu.memory_space<vmem>> -> memref<1x40x128xf32, #tpu.memory_space<vmem>>
      %dma_start3A_439 = tpu.memref_squeeze %dma_start3A_438 : memref<1x40x128xf32, #tpu.memory_space<vmem>> -> memref<40x128xf32, #tpu.memory_space<vmem>>
      %dma_start3A_440 = arith.constant 0 : i32
      %dma_start3A_441 = tpu.memref_slice %arg5[%add3A_410, %dma_start3A_440] : memref<320000x128xf32, #tpu.memory_space<hbm>> -> memref<40x128xf32, #tpu.memory_space<hbm>>
      tpu.enqueue_dma source(%dma_start3A_441 : memref<40x128xf32, #tpu.memory_space<hbm>>) target(%dma_start3A_439 : memref<40x128xf32, #tpu.memory_space<vmem>>) target_semaphore(%arg19 : memref<!tpu.dma_semaphore, #tpu.memory_space<semaphore_mem>>)
      %scan3A_442 = arith.constant 0 : i32
      scf.yield %scan3A_442 : i32
    }
    %scan3A_121 = arith.constant 124 : i32
    %dma_wait3A_122 = arith.constant 1 : i32
    %dma_wait3A_123 = arith.constant 0 : i32
    %dma_wait3A_124 = tpu.memref_slice %arg8[%dma_wait3A_122, %dma_wait3A_123] : memref<2x40xi32, #tpu.memory_space<vmem>> -> memref<1x40xi32, #tpu.memory_space<vmem>>
    %dma_wait3A_125 = tpu.memref_squeeze %dma_wait3A_124 : memref<1x40xi32, #tpu.memory_space<vmem>> -> memref<40xi32, #tpu.memory_space<vmem>>
    %dma_wait3A_126 = arith.constant 0 : i32
    %dma_wait3A_127 = tpu.memref_slice %arg3[%dma_wait3A_126] : memref<320000xi32, #tpu.memory_space<hbm>> -> memref<40xi32, #tpu.memory_space<hbm>>
    %dma_wait3A_128 = arith.constant 0 : i32
    %dma_wait3A_129 = tpu.memref_slice %arg8[%dma_wait3A_122, %dma_wait3A_128] : memref<2x40xi32, #tpu.memory_space<vmem>> -> memref<1x40xi32, #tpu.memory_space<vmem>>
    %dma_wait3A_130 = tpu.memref_squeeze %dma_wait3A_129 : memref<1x40xi32, #tpu.memory_space<vmem>> -> memref<40xi32, #tpu.memory_space<vmem>>
    %dma_wait3A_131 = arith.constant 0 : i32
    %dma_wait3A_132 = tpu.memref_slice %arg3[%dma_wait3A_131] : memref<320000xi32, #tpu.memory_space<hbm>> -> memref<40xi32, #tpu.memory_space<hbm>>
    tpu.wait_dma2 semaphore(%arg15 : memref<!tpu.dma_semaphore, #tpu.memory_space<semaphore_mem>>) src(%dma_wait3A_132 : memref<40xi32, #tpu.memory_space<hbm>>) dst(%dma_wait3A_130 : memref<40xi32, #tpu.memory_space<vmem>>)
    %dma_start3A_133 = arith.constant 1 : i32
    %dma_start3A_134 = arith.constant 1 : i32
    %dma_start3A_135 = arith.constant 0 : i32
    %dma_start3A_136 = arith.constant 0 : i32
    %dma_start3A_137 = tpu.memref_slice %arg11[%dma_start3A_134, %dma_start3A_135, %dma_start3A_136] : memref<2x40x128xf32, #tpu.memory_space<vmem>> -> memref<1x40x128xf32, #tpu.memory_space<vmem>>
    %dma_start3A_138 = tpu.memref_squeeze %dma_start3A_137 : memref<1x40x128xf32, #tpu.memory_space<vmem>> -> memref<40x128xf32, #tpu.memory_space<vmem>>
    %dma_start3A_139 = arith.constant 0 : i32
    %dma_start3A_140 = tpu.memref_slice %arg8[%dma_start3A_133, %dma_start3A_139] : memref<2x40xi32, #tpu.memory_space<vmem>> -> memref<1x40xi32, #tpu.memory_space<vmem>>
    %dma_start3A_141 = tpu.memref_squeeze %dma_start3A_140 : memref<1x40xi32, #tpu.memory_space<vmem>> -> memref<40xi32, #tpu.memory_space<vmem>>
    %dma_start3A_142 = arith.constant 0 : i32
    %dma_start3A_143 = arith.constant 0 : i32
    %dma_start3A_144 = tpu.memref_slice %arg2[%dma_start3A_142, %dma_start3A_143] : memref<10000x128xf32, #tpu.memory_space<hbm>> -> memref<10000x128xf32, #tpu.memory_space<hbm>>
    tpu.enqueue_indirect_dma source(%dma_start3A_144 : memref<10000x128xf32, #tpu.memory_space<hbm>>) target(%dma_start3A_138 : memref<40x128xf32, #tpu.memory_space<vmem>>) offsets(%dma_start3A_141 : memref<40xi32, #tpu.memory_space<vmem>>) semaphore(%arg21 : memref<!tpu.dma_semaphore, #tpu.memory_space<semaphore_mem>>)
    %dma_wait3A_145 = arith.constant 0 : i32
    %dma_wait3A_146 = arith.constant 0 : i32
    %dma_wait3A_147 = arith.constant 0 : i32
    %dma_wait3A_148 = arith.constant 0 : i32
    %dma_wait3A_149 = tpu.memref_slice %arg11[%dma_wait3A_146, %dma_wait3A_147, %dma_wait3A_148] : memref<2x40x128xf32, #tpu.memory_space<vmem>> -> memref<1x40x128xf32, #tpu.memory_space<vmem>>
    %dma_wait3A_150 = tpu.memref_squeeze %dma_wait3A_149 : memref<1x40x128xf32, #tpu.memory_space<vmem>> -> memref<40x128xf32, #tpu.memory_space<vmem>>
    %dma_wait3A_151 = arith.constant 0 : i32
    %dma_wait3A_152 = tpu.memref_slice %arg8[%dma_wait3A_145, %dma_wait3A_151] : memref<2x40xi32, #tpu.memory_space<vmem>> -> memref<1x40xi32, #tpu.memory_space<vmem>>
    %dma_wait3A_153 = tpu.memref_squeeze %dma_wait3A_152 : memref<1x40xi32, #tpu.memory_space<vmem>> -> memref<40xi32, #tpu.memory_space<vmem>>
    %dma_wait3A_154 = arith.constant 0 : i32
    %dma_wait3A_155 = arith.constant 0 : i32
    %dma_wait3A_156 = tpu.memref_slice %arg2[%dma_wait3A_154, %dma_wait3A_155] : memref<10000x128xf32, #tpu.memory_space<hbm>> -> memref<10000x128xf32, #tpu.memory_space<hbm>>
    tpu.wait_indirect_dma semaphore(%arg20 : memref<!tpu.dma_semaphore, #tpu.memory_space<semaphore_mem>>) src(%dma_wait3A_156 : memref<10000x128xf32, #tpu.memory_space<hbm>>) dst(%dma_wait3A_150 : memref<40x128xf32, #tpu.memory_space<vmem>>)
    %dma_wait3A_157 = arith.constant 0 : i32
    %dma_wait3A_158 = arith.constant 0 : i32
    %dma_wait3A_159 = arith.constant 0 : i32
    %dma_wait3A_160 = tpu.memref_slice %arg10[%dma_wait3A_157, %dma_wait3A_158, %dma_wait3A_159] : memref<2x40x128xf32, #tpu.memory_space<vmem>> -> memref<1x40x128xf32, #tpu.memory_space<vmem>>
    %dma_wait3A_161 = tpu.memref_squeeze %dma_wait3A_160 : memref<1x40x128xf32, #tpu.memory_space<vmem>> -> memref<40x128xf32, #tpu.memory_space<vmem>>
    %dma_wait3A_162 = arith.constant 0 : i32
    %dma_wait3A_163 = arith.constant 0 : i32
    %dma_wait3A_164 = tpu.memref_slice %arg5[%dma_wait3A_162, %dma_wait3A_163] : memref<320000x128xf32, #tpu.memory_space<hbm>> -> memref<40x128xf32, #tpu.memory_space<hbm>>
    %dma_wait3A_165 = arith.constant 0 : i32
    %dma_wait3A_166 = arith.constant 0 : i32
    %dma_wait3A_167 = tpu.memref_slice %arg10[%dma_wait3A_157, %dma_wait3A_165, %dma_wait3A_166] : memref<2x40x128xf32, #tpu.memory_space<vmem>> -> memref<1x40x128xf32, #tpu.memory_space<vmem>>
    %dma_wait3A_168 = tpu.memref_squeeze %dma_wait3A_167 : memref<1x40x128xf32, #tpu.memory_space<vmem>> -> memref<40x128xf32, #tpu.memory_space<vmem>>
    %dma_wait3A_169 = arith.constant 0 : i32
    %dma_wait3A_170 = arith.constant 0 : i32
    %dma_wait3A_171 = tpu.memref_slice %arg5[%dma_wait3A_169, %dma_wait3A_170] : memref<320000x128xf32, #tpu.memory_space<hbm>> -> memref<40x128xf32, #tpu.memory_space<hbm>>
    tpu.wait_dma2 semaphore(%arg18 : memref<!tpu.dma_semaphore, #tpu.memory_space<semaphore_mem>>) src(%dma_wait3A_171 : memref<40x128xf32, #tpu.memory_space<hbm>>) dst(%dma_wait3A_168 : memref<40x128xf32, #tpu.memory_space<vmem>>)
    %parallel_loop3A = arith.constant 0 : i32
    %parallel_loop3A_172 = arith.constant 40 : i32
    %parallel_loop3A_173 = arith.constant 1 : i32
    scf.for %parallel_loop3A_234 = %parallel_loop3A to %parallel_loop3A_172 step %parallel_loop3A_173  : i32 {
      %parallel_loop3A_235 = arith.constant 0 : i32
      %parallel_loop3A_236 = arith.index_cast %parallel_loop3A_235 : i32 to index
      %parallel_loop3A_237 = arith.index_cast %parallel_loop3A_234 : i32 to index
      %parallel_loop3A_238 = arith.constant 0 : index
      %parallel_loop3A_239 = tpu.vector_load %arg11[%parallel_loop3A_236, %parallel_loop3A_237, %parallel_loop3A_238] {strides = array<i32>} : memref<2x40x128xf32, #tpu.memory_space<vmem>>, vector<1x1x16xf32>,
      %parallel_loop3A_240 = vector.shape_cast %parallel_loop3A_239 : vector<1x1x16xf32> to vector<16xf32>
      %parallel_loop3A_241 = arith.constant 0 : i32
      %parallel_loop3A_242 = arith.index_cast %parallel_loop3A_241 : i32 to index
      %parallel_loop3A_243 = arith.index_cast %parallel_loop3A_234 : i32 to index
      %parallel_loop3A_244 = arith.constant 0 : index
      %parallel_loop3A_245 = tpu.vector_load %arg10[%parallel_loop3A_242, %parallel_loop3A_243, %parallel_loop3A_244] {strides = array<i32>} : memref<2x40x128xf32, #tpu.memory_space<vmem>>, vector<1x1x16xf32>,
      %parallel_loop3A_246 = vector.shape_cast %parallel_loop3A_245 : vector<1x1x16xf32> to vector<16xf32>
      %parallel_loop3A_247 = arith.mulf %parallel_loop3A_240, %parallel_loop3A_246 : vector<16xf32>
      %parallel_loop3A_248 = arith.constant 0 : i32
      %parallel_loop3A_249 = arith.index_cast %parallel_loop3A_248 : i32 to index
      %parallel_loop3A_250 = arith.index_cast %parallel_loop3A_234 : i32 to index
      %parallel_loop3A_251 = arith.constant 0 : index
      %parallel_loop3A_252 = tpu.vector_load %arg12[%parallel_loop3A_249, %parallel_loop3A_250, %parallel_loop3A_251] {strides = array<i32>} : memref<2x40x144xf32, #tpu.memory_space<vmem>>, vector<1x1x16xf32>,
      %parallel_loop3A_253 = vector.shape_cast %parallel_loop3A_252 : vector<1x1x16xf32> to vector<16xf32>
      %parallel_loop3A_254 = vector.shape_cast %parallel_loop3A_247 : vector<16xf32> to vector<1x1x16xf32>
      tpu.vector_store %arg12[%parallel_loop3A_249, %parallel_loop3A_250, %parallel_loop3A_251], %parallel_loop3A_254 {strides = array<i32>} : memref<2x40x144xf32, #tpu.memory_space<vmem>>, vector<1x1x16xf32>,
      %parallel_loop3A_255 = arith.constant 0 : i32
      %parallel_loop3A_256 = arith.index_cast %parallel_loop3A_255 : i32 to index
      %parallel_loop3A_257 = arith.index_cast %parallel_loop3A_234 : i32 to index
      %parallel_loop3A_258 = arith.constant 16 : index
      %parallel_loop3A_259 = tpu.vector_load %arg11[%parallel_loop3A_256, %parallel_loop3A_257, %parallel_loop3A_258] {strides = array<i32>} : memref<2x40x128xf32, #tpu.memory_space<vmem>>, vector<1x1x16xf32>,
      %parallel_loop3A_260 = vector.shape_cast %parallel_loop3A_259 : vector<1x1x16xf32> to vector<16xf32>
      %parallel_loop3A_261 = arith.constant 0 : i32
      %parallel_loop3A_262 = arith.index_cast %parallel_loop3A_261 : i32 to index
      %parallel_loop3A_263 = arith.index_cast %parallel_loop3A_234 : i32 to index
      %parallel_loop3A_264 = arith.constant 16 : index
      %parallel_loop3A_265 = tpu.vector_load %arg10[%parallel_loop3A_262, %parallel_loop3A_263, %parallel_loop3A_264] {strides = array<i32>} : memref<2x40x128xf32, #tpu.memory_space<vmem>>, vector<1x1x16xf32>,
      %parallel_loop3A_266 = vector.shape_cast %parallel_loop3A_265 : vector<1x1x16xf32> to vector<16xf32>
      %parallel_loop3A_267 = arith.mulf %parallel_loop3A_260, %parallel_loop3A_266 : vector<16xf32>
      %parallel_loop3A_268 = arith.constant 0 : i32
      %parallel_loop3A_269 = arith.index_cast %parallel_loop3A_268 : i32 to index
      %parallel_loop3A_270 = arith.index_cast %parallel_loop3A_234 : i32 to index
      %parallel_loop3A_271 = arith.constant 16 : index
      %parallel_loop3A_272 = tpu.vector_load %arg12[%parallel_loop3A_269, %parallel_loop3A_270, %parallel_loop3A_271] {strides = array<i32>} : memref<2x40x144xf32, #tpu.memory_space<vmem>>, vector<1x1x16xf32>,
      %parallel_loop3A_273 = vector.shape_cast %parallel_loop3A_272 : vector<1x1x16xf32> to vector<16xf32>
      %parallel_loop3A_274 = vector.shape_cast %parallel_loop3A_267 : vector<16xf32> to vector<1x1x16xf32>
      tpu.vector_store %arg12[%parallel_loop3A_269, %parallel_loop3A_270, %parallel_loop3A_271], %parallel_loop3A_274 {strides = array<i32>} : memref<2x40x144xf32, #tpu.memory_space<vmem>>, vector<1x1x16xf32>,
      %parallel_loop3A_275 = arith.constant 0 : i32
      %parallel_loop3A_276 = arith.index_cast %parallel_loop3A_275 : i32 to index
      %parallel_loop3A_277 = arith.index_cast %parallel_loop3A_234 : i32 to index
      %parallel_loop3A_278 = arith.constant 32 : index
      %parallel_loop3A_279 = tpu.vector_load %arg11[%parallel_loop3A_276, %parallel_loop3A_277, %parallel_loop3A_278] {strides = array<i32>} : memref<2x40x128xf32, #tpu.memory_space<vmem>>, vector<1x1x16xf32>,
      %parallel_loop3A_280 = vector.shape_cast %parallel_loop3A_279 : vector<1x1x16xf32> to vector<16xf32>
      %parallel_loop3A_281 = arith.constant 0 : i32
      %parallel_loop3A_282 = arith.index_cast %parallel_loop3A_281 : i32 to index
      %parallel_loop3A_283 = arith.index_cast %parallel_loop3A_234 : i32 to index
      %parallel_loop3A_284 = arith.constant 32 : index
      %parallel_loop3A_285 = tpu.vector_load %arg10[%parallel_loop3A_282, %parallel_loop3A_283, %parallel_loop3A_284] {strides = array<i32>} : memref<2x40x128xf32, #tpu.memory_space<vmem>>, vector<1x1x16xf32>,
      %parallel_loop3A_286 = vector.shape_cast %parallel_loop3A_285 : vector<1x1x16xf32> to vector<16xf32>
      %parallel_loop3A_287 = arith.mulf %parallel_loop3A_280, %parallel_loop3A_286 : vector<16xf32>
      %parallel_loop3A_288 = arith.constant 0 : i32
      %parallel_loop3A_289 = arith.index_cast %parallel_loop3A_288 : i32 to index
      %parallel_loop3A_290 = arith.index_cast %parallel_loop3A_234 : i32 to index
      %parallel_loop3A_291 = arith.constant 32 : index
      %parallel_loop3A_292 = tpu.vector_load %arg12[%parallel_loop3A_289, %parallel_loop3A_290, %parallel_loop3A_291] {strides = array<i32>} : memref<2x40x144xf32, #tpu.memory_space<vmem>>, vector<1x1x16xf32>,
      %parallel_loop3A_293 = vector.shape_cast %parallel_loop3A_292 : vector<1x1x16xf32> to vector<16xf32>
      %parallel_loop3A_294 = vector.shape_cast %parallel_loop3A_287 : vector<16xf32> to vector<1x1x16xf32>
      tpu.vector_store %arg12[%parallel_loop3A_289, %parallel_loop3A_290, %parallel_loop3A_291], %parallel_loop3A_294 {strides = array<i32>} : memref<2x40x144xf32, #tpu.memory_space<vmem>>, vector<1x1x16xf32>,
      %parallel_loop3A_295 = arith.constant 0 : i32
      %parallel_loop3A_296 = arith.index_cast %parallel_loop3A_295 : i32 to index
      %parallel_loop3A_297 = arith.index_cast %parallel_loop3A_234 : i32 to index
      %parallel_loop3A_298 = arith.constant 48 : index
      %parallel_loop3A_299 = tpu.vector_load %arg11[%parallel_loop3A_296, %parallel_loop3A_297, %parallel_loop3A_298] {strides = array<i32>} : memref<2x40x128xf32, #tpu.memory_space<vmem>>, vector<1x1x16xf32>,
      %parallel_loop3A_300 = vector.shape_cast %parallel_loop3A_299 : vector<1x1x16xf32> to vector<16xf32>
      %parallel_loop3A_301 = arith.constant 0 : i32
      %parallel_loop3A_302 = arith.index_cast %parallel_loop3A_301 : i32 to index
      %parallel_loop3A_303 = arith.index_cast %parallel_loop3A_234 : i32 to index
      %parallel_loop3A_304 = arith.constant 48 : index
      %parallel_loop3A_305 = tpu.vector_load %arg10[%parallel_loop3A_302, %parallel_loop3A_303, %parallel_loop3A_304] {strides = array<i32>} : memref<2x40x128xf32, #tpu.memory_space<vmem>>, vector<1x1x16xf32>,
      %parallel_loop3A_306 = vector.shape_cast %parallel_loop3A_305 : vector<1x1x16xf32> to vector<16xf32>
      %parallel_loop3A_307 = arith.mulf %parallel_loop3A_300, %parallel_loop3A_306 : vector<16xf32>
      %parallel_loop3A_308 = arith.constant 0 : i32
      %parallel_loop3A_309 = arith.index_cast %parallel_loop3A_308 : i32 to index
      %parallel_loop3A_310 = arith.index_cast %parallel_loop3A_234 : i32 to index
      %parallel_loop3A_311 = arith.constant 48 : index
      %parallel_loop3A_312 = tpu.vector_load %arg12[%parallel_loop3A_309, %parallel_loop3A_310, %parallel_loop3A_311] {strides = array<i32>} : memref<2x40x144xf32, #tpu.memory_space<vmem>>, vector<1x1x16xf32>,
      %parallel_loop3A_313 = vector.shape_cast %parallel_loop3A_312 : vector<1x1x16xf32> to vector<16xf32>
      %parallel_loop3A_314 = vector.shape_cast %parallel_loop3A_307 : vector<16xf32> to vector<1x1x16xf32>
      tpu.vector_store %arg12[%parallel_loop3A_309, %parallel_loop3A_310, %parallel_loop3A_311], %parallel_loop3A_314 {strides = array<i32>} : memref<2x40x144xf32, #tpu.memory_space<vmem>>, vector<1x1x16xf32>,
      %parallel_loop3A_315 = arith.constant 0 : i32
      %parallel_loop3A_316 = arith.index_cast %parallel_loop3A_315 : i32 to index
      %parallel_loop3A_317 = arith.index_cast %parallel_loop3A_234 : i32 to index
      %parallel_loop3A_318 = arith.constant 64 : index
      %parallel_loop3A_319 = tpu.vector_load %arg11[%parallel_loop3A_316, %parallel_loop3A_317, %parallel_loop3A_318] {strides = array<i32>} : memref<2x40x128xf32, #tpu.memory_space<vmem>>, vector<1x1x16xf32>,
      %parallel_loop3A_320 = vector.shape_cast %parallel_loop3A_319 : vector<1x1x16xf32> to vector<16xf32>
      %parallel_loop3A_321 = arith.constant 0 : i32
      %parallel_loop3A_322 = arith.index_cast %parallel_loop3A_321 : i32 to index
      %parallel_loop3A_323 = arith.index_cast %parallel_loop3A_234 : i32 to index
      %parallel_loop3A_324 = arith.constant 64 : index
      %parallel_loop3A_325 = tpu.vector_load %arg10[%parallel_loop3A_322, %parallel_loop3A_323, %parallel_loop3A_324] {strides = array<i32>} : memref<2x40x128xf32, #tpu.memory_space<vmem>>, vector<1x1x16xf32>,
      %parallel_loop3A_326 = vector.shape_cast %parallel_loop3A_325 : vector<1x1x16xf32> to vector<16xf32>
      %parallel_loop3A_327 = arith.mulf %parallel_loop3A_320, %parallel_loop3A_326 : vector<16xf32>
      %parallel_loop3A_328 = arith.constant 0 : i32
      %parallel_loop3A_329 = arith.index_cast %parallel_loop3A_328 : i32 to index
      %parallel_loop3A_330 = arith.index_cast %parallel_loop3A_234 : i32 to index
      %parallel_loop3A_331 = arith.constant 64 : index
      %parallel_loop3A_332 = tpu.vector_load %arg12[%parallel_loop3A_329, %parallel_loop3A_330, %parallel_loop3A_331] {strides = array<i32>} : memref<2x40x144xf32, #tpu.memory_space<vmem>>, vector<1x1x16xf32>,
      %parallel_loop3A_333 = vector.shape_cast %parallel_loop3A_332 : vector<1x1x16xf32> to vector<16xf32>
      %parallel_loop3A_334 = vector.shape_cast %parallel_loop3A_327 : vector<16xf32> to vector<1x1x16xf32>
      tpu.vector_store %arg12[%parallel_loop3A_329, %parallel_loop3A_330, %parallel_loop3A_331], %parallel_loop3A_334 {strides = array<i32>} : memref<2x40x144xf32, #tpu.memory_space<vmem>>, vector<1x1x16xf32>,
      %parallel_loop3A_335 = arith.constant 0 : i32
      %parallel_loop3A_336 = arith.index_cast %parallel_loop3A_335 : i32 to index
      %parallel_loop3A_337 = arith.index_cast %parallel_loop3A_234 : i32 to index
      %parallel_loop3A_338 = arith.constant 80 : index
      %parallel_loop3A_339 = tpu.vector_load %arg11[%parallel_loop3A_336, %parallel_loop3A_337, %parallel_loop3A_338] {strides = array<i32>} : memref<2x40x128xf32, #tpu.memory_space<vmem>>, vector<1x1x16xf32>,
      %parallel_loop3A_340 = vector.shape_cast %parallel_loop3A_339 : vector<1x1x16xf32> to vector<16xf32>
      %parallel_loop3A_341 = arith.constant 0 : i32
      %parallel_loop3A_342 = arith.index_cast %parallel_loop3A_341 : i32 to index
      %parallel_loop3A_343 = arith.index_cast %parallel_loop3A_234 : i32 to index
      %parallel_loop3A_344 = arith.constant 80 : index
      %parallel_loop3A_345 = tpu.vector_load %arg10[%parallel_loop3A_342, %parallel_loop3A_343, %parallel_loop3A_344] {strides = array<i32>} : memref<2x40x128xf32, #tpu.memory_space<vmem>>, vector<1x1x16xf32>,
      %parallel_loop3A_346 = vector.shape_cast %parallel_loop3A_345 : vector<1x1x16xf32> to vector<16xf32>
      %parallel_loop3A_347 = arith.mulf %parallel_loop3A_340, %parallel_loop3A_346 : vector<16xf32>
      %parallel_loop3A_348 = arith.constant 0 : i32
      %parallel_loop3A_349 = arith.index_cast %parallel_loop3A_348 : i32 to index
      %parallel_loop3A_350 = arith.index_cast %parallel_loop3A_234 : i32 to index
      %parallel_loop3A_351 = arith.constant 80 : index
      %parallel_loop3A_352 = tpu.vector_load %arg12[%parallel_loop3A_349, %parallel_loop3A_350, %parallel_loop3A_351] {strides = array<i32>} : memref<2x40x144xf32, #tpu.memory_space<vmem>>, vector<1x1x16xf32>,
      %parallel_loop3A_353 = vector.shape_cast %parallel_loop3A_352 : vector<1x1x16xf32> to vector<16xf32>
      %parallel_loop3A_354 = vector.shape_cast %parallel_loop3A_347 : vector<16xf32> to vector<1x1x16xf32>
      tpu.vector_store %arg12[%parallel_loop3A_349, %parallel_loop3A_350, %parallel_loop3A_351], %parallel_loop3A_354 {strides = array<i32>} : memref<2x40x144xf32, #tpu.memory_space<vmem>>, vector<1x1x16xf32>,
      %parallel_loop3A_355 = arith.constant 0 : i32
      %parallel_loop3A_356 = arith.index_cast %parallel_loop3A_355 : i32 to index
      %parallel_loop3A_357 = arith.index_cast %parallel_loop3A_234 : i32 to index
      %parallel_loop3A_358 = arith.constant 96 : index
      %parallel_loop3A_359 = tpu.vector_load %arg11[%parallel_loop3A_356, %parallel_loop3A_357, %parallel_loop3A_358] {strides = array<i32>} : memref<2x40x128xf32, #tpu.memory_space<vmem>>, vector<1x1x16xf32>,
      %parallel_loop3A_360 = vector.shape_cast %parallel_loop3A_359 : vector<1x1x16xf32> to vector<16xf32>
      %parallel_loop3A_361 = arith.constant 0 : i32
      %parallel_loop3A_362 = arith.index_cast %parallel_loop3A_361 : i32 to index
      %parallel_loop3A_363 = arith.index_cast %parallel_loop3A_234 : i32 to index
      %parallel_loop3A_364 = arith.constant 96 : index
      %parallel_loop3A_365 = tpu.vector_load %arg10[%parallel_loop3A_362, %parallel_loop3A_363, %parallel_loop3A_364] {strides = array<i32>} : memref<2x40x128xf32, #tpu.memory_space<vmem>>, vector<1x1x16xf32>,
      %parallel_loop3A_366 = vector.shape_cast %parallel_loop3A_365 : vector<1x1x16xf32> to vector<16xf32>
      %parallel_loop3A_367 = arith.mulf %parallel_loop3A_360, %parallel_loop3A_366 : vector<16xf32>
      %parallel_loop3A_368 = arith.constant 0 : i32
      %parallel_loop3A_369 = arith.index_cast %parallel_loop3A_368 : i32 to index
      %parallel_loop3A_370 = arith.index_cast %parallel_loop3A_234 : i32 to index
      %parallel_loop3A_371 = arith.constant 96 : index
      %parallel_loop3A_372 = tpu.vector_load %arg12[%parallel_loop3A_369, %parallel_loop3A_370, %parallel_loop3A_371] {strides = array<i32>} : memref<2x40x144xf32, #tpu.memory_space<vmem>>, vector<1x1x16xf32>,
      %parallel_loop3A_373 = vector.shape_cast %parallel_loop3A_372 : vector<1x1x16xf32> to vector<16xf32>
      %parallel_loop3A_374 = vector.shape_cast %parallel_loop3A_367 : vector<16xf32> to vector<1x1x16xf32>
      tpu.vector_store %arg12[%parallel_loop3A_369, %parallel_loop3A_370, %parallel_loop3A_371], %parallel_loop3A_374 {strides = array<i32>} : memref<2x40x144xf32, #tpu.memory_space<vmem>>, vector<1x1x16xf32>,
      %parallel_loop3A_375 = arith.constant 0 : i32
      %parallel_loop3A_376 = arith.index_cast %parallel_loop3A_375 : i32 to index
      %parallel_loop3A_377 = arith.index_cast %parallel_loop3A_234 : i32 to index
      %parallel_loop3A_378 = arith.constant 112 : index
      %parallel_loop3A_379 = tpu.vector_load %arg11[%parallel_loop3A_376, %parallel_loop3A_377, %parallel_loop3A_378] {strides = array<i32>} : memref<2x40x128xf32, #tpu.memory_space<vmem>>, vector<1x1x16xf32>,
      %parallel_loop3A_380 = vector.shape_cast %parallel_loop3A_379 : vector<1x1x16xf32> to vector<16xf32>
      %parallel_loop3A_381 = arith.constant 0 : i32
      %parallel_loop3A_382 = arith.index_cast %parallel_loop3A_381 : i32 to index
      %parallel_loop3A_383 = arith.index_cast %parallel_loop3A_234 : i32 to index
      %parallel_loop3A_384 = arith.constant 112 : index
      %parallel_loop3A_385 = tpu.vector_load %arg10[%parallel_loop3A_382, %parallel_loop3A_383, %parallel_loop3A_384] {strides = array<i32>} : memref<2x40x128xf32, #tpu.memory_space<vmem>>, vector<1x1x16xf32>,
      %parallel_loop3A_386 = vector.shape_cast %parallel_loop3A_385 : vector<1x1x16xf32> to vector<16xf32>
      %parallel_loop3A_387 = arith.mulf %parallel_loop3A_380, %parallel_loop3A_386 : vector<16xf32>
      %parallel_loop3A_388 = arith.constant 0 : i32
      %parallel_loop3A_389 = arith.index_cast %parallel_loop3A_388 : i32 to index
      %parallel_loop3A_390 = arith.index_cast %parallel_loop3A_234 : i32 to index
      %parallel_loop3A_391 = arith.constant 112 : index
      %parallel_loop3A_392 = tpu.vector_load %arg12[%parallel_loop3A_389, %parallel_loop3A_390, %parallel_loop3A_391] {strides = array<i32>} : memref<2x40x144xf32, #tpu.memory_space<vmem>>, vector<1x1x16xf32>,
      %parallel_loop3A_393 = vector.shape_cast %parallel_loop3A_392 : vector<1x1x16xf32> to vector<16xf32>
      %parallel_loop3A_394 = vector.shape_cast %parallel_loop3A_387 : vector<16xf32> to vector<1x1x16xf32>
      tpu.vector_store %arg12[%parallel_loop3A_389, %parallel_loop3A_390, %parallel_loop3A_391], %parallel_loop3A_394 {strides = array<i32>} : memref<2x40x144xf32, #tpu.memory_space<vmem>>, vector<1x1x16xf32>,
    } {sc.loop_unroll_factor = 8 : i64, sc.parallel_access}
    %dma_wait3A_174 = arith.constant 0 : i32
    %dma_wait3A_175 = arith.constant 0 : i32
    %dma_wait3A_176 = tpu.memref_slice %arg9[%dma_wait3A_174, %dma_wait3A_175] : memref<2x40xi32, #tpu.memory_space<vmem>> -> memref<1x40xi32, #tpu.memory_space<vmem>>
    %dma_wait3A_177 = tpu.memref_squeeze %dma_wait3A_176 : memref<1x40xi32, #tpu.memory_space<vmem>> -> memref<40xi32, #tpu.memory_space<vmem>>
    %dma_wait3A_178 = arith.constant 0 : i32
    %dma_wait3A_179 = tpu.memref_slice %arg4[%dma_wait3A_178] : memref<320000xi32, #tpu.memory_space<hbm>> -> memref<40xi32, #tpu.memory_space<hbm>>
    %dma_wait3A_180 = arith.constant 0 : i32
    %dma_wait3A_181 = tpu.memref_slice %arg9[%dma_wait3A_174, %dma_wait3A_180] : memref<2x40xi32, #tpu.memory_space<vmem>> -> memref<1x40xi32, #tpu.memory_space<vmem>>
    %dma_wait3A_182 = tpu.memref_squeeze %dma_wait3A_181 : memref<1x40xi32, #tpu.memory_space<vmem>> -> memref<40xi32, #tpu.memory_space<vmem>>
    %dma_wait3A_183 = arith.constant 0 : i32
    %dma_wait3A_184 = tpu.memref_slice %arg4[%dma_wait3A_183] : memref<320000xi32, #tpu.memory_space<hbm>> -> memref<40xi32, #tpu.memory_space<hbm>>
    tpu.wait_dma2 semaphore(%arg16 : memref<!tpu.dma_semaphore, #tpu.memory_space<semaphore_mem>>) src(%dma_wait3A_184 : memref<40xi32, #tpu.memory_space<hbm>>) dst(%dma_wait3A_182 : memref<40xi32, #tpu.memory_space<vmem>>)
    %run_scoped3A = arith.constant 0 : i32
    %run_scoped3A_185 = arith.constant 0 : i32
    "tpu.region"() ({
      %run_scoped3A_234 = tpu.sem_alloc : memref<!tpu.dma_semaphore, #tpu.memory_space<semaphore_mem>>
      %dma_start3A_235 = arith.constant 0 : i32
      %dma_start3A_236 = arith.constant 0 : i32
      %dma_start3A_237 = tpu.memref_slice %arg12[%run_scoped3A, %dma_start3A_235, %dma_start3A_236] : memref<2x40x144xf32, #tpu.memory_space<vmem>> -> memref<1x40x144xf32, #tpu.memory_space<vmem>>
      %dma_start3A_238 = tpu.memref_squeeze %dma_start3A_237 : memref<1x40x144xf32, #tpu.memory_space<vmem>> -> memref<40x144xf32, #tpu.memory_space<vmem>>
      %dma_start3A_239 = arith.constant 0 : i32
      %dma_start3A_240 = tpu.memref_slice %arg9[%run_scoped3A_185, %dma_start3A_239] : memref<2x40xi32, #tpu.memory_space<vmem>> -> memref<1x40xi32, #tpu.memory_space<vmem>>
      %dma_start3A_241 = tpu.memref_squeeze %dma_start3A_240 : memref<1x40xi32, #tpu.memory_space<vmem>> -> memref<40xi32, #tpu.memory_space<vmem>>
      %dma_start3A_242 = arith.constant 0 : i32
      %dma_start3A_243 = arith.constant 0 : i32
      %dma_start3A_244 = tpu.memref_slice %arg7[%dma_start3A_242, %dma_start3A_243] : memref<10000x144xf32, #tpu.memory_space<vmem_shared>> -> memref<10000x144xf32, #tpu.memory_space<vmem_shared>>
      tpu.enqueue_indirect_dma source(%dma_start3A_238 : memref<40x144xf32, #tpu.memory_space<vmem>>) target(%dma_start3A_244 : memref<10000x144xf32, #tpu.memory_space<vmem_shared>>) offsets(%dma_start3A_241 : memref<40xi32, #tpu.memory_space<vmem>>) semaphore(%run_scoped3A_234 : memref<!tpu.dma_semaphore, #tpu.memory_space<semaphore_mem>>) {add = true}
      %dma_wait3A_245 = arith.constant 0 : i32
      %dma_wait3A_246 = arith.constant 0 : i32
      %dma_wait3A_247 = tpu.memref_slice %arg12[%run_scoped3A, %dma_wait3A_245, %dma_wait3A_246] : memref<2x40x144xf32, #tpu.memory_space<vmem>> -> memref<1x40x144xf32, #tpu.memory_space<vmem>>
      %dma_wait3A_248 = tpu.memref_squeeze %dma_wait3A_247 : memref<1x40x144xf32, #tpu.memory_space<vmem>> -> memref<40x144xf32, #tpu.memory_space<vmem>>
      %dma_wait3A_249 = arith.constant 0 : i32
      %dma_wait3A_250 = tpu.memref_slice %arg9[%run_scoped3A_185, %dma_wait3A_249] : memref<2x40xi32, #tpu.memory_space<vmem>> -> memref<1x40xi32, #tpu.memory_space<vmem>>
      %dma_wait3A_251 = tpu.memref_squeeze %dma_wait3A_250 : memref<1x40xi32, #tpu.memory_space<vmem>> -> memref<40xi32, #tpu.memory_space<vmem>>
      %dma_wait3A_252 = arith.constant 0 : i32
      %dma_wait3A_253 = arith.constant 0 : i32
      %dma_wait3A_254 = tpu.memref_slice %arg7[%dma_wait3A_252, %dma_wait3A_253] : memref<10000x144xf32, #tpu.memory_space<vmem_shared>> -> memref<10000x144xf32, #tpu.memory_space<vmem_shared>>
      tpu.wait_indirect_dma semaphore(%run_scoped3A_234 : memref<!tpu.dma_semaphore, #tpu.memory_space<semaphore_mem>>) src(%dma_wait3A_248 : memref<40x144xf32, #tpu.memory_space<vmem>>) dst(%dma_wait3A_254 : memref<10000x144xf32, #tpu.memory_space<vmem_shared>>)
      tpu.yield
    }) : () -> ()
    %dma_wait3A_186 = arith.constant 1 : i32
    %dma_wait3A_187 = arith.constant 1 : i32
    %dma_wait3A_188 = arith.constant 0 : i32
    %dma_wait3A_189 = arith.constant 0 : i32
    %dma_wait3A_190 = tpu.memref_slice %arg11[%dma_wait3A_187, %dma_wait3A_188, %dma_wait3A_189] : memref<2x40x128xf32, #tpu.memory_space<vmem>> -> memref<1x40x128xf32, #tpu.memory_space<vmem>>
    %dma_wait3A_191 = tpu.memref_squeeze %dma_wait3A_190 : memref<1x40x128xf32, #tpu.memory_space<vmem>> -> memref<40x128xf32, #tpu.memory_space<vmem>>
    %dma_wait3A_192 = arith.constant 0 : i32
    %dma_wait3A_193 = tpu.memref_slice %arg8[%dma_wait3A_186, %dma_wait3A_192] : memref<2x40xi32, #tpu.memory_space<vmem>> -> memref<1x40xi32, #tpu.memory_space<vmem>>
    %dma_wait3A_194 = tpu.memref_squeeze %dma_wait3A_193 : memref<1x40xi32, #tpu.memory_space<vmem>> -> memref<40xi32, #tpu.memory_space<vmem>>
    %dma_wait3A_195 = arith.constant 0 : i32
    %dma_wait3A_196 = arith.constant 0 : i32
    %dma_wait3A_197 = tpu.memref_slice %arg2[%dma_wait3A_195, %dma_wait3A_196] : memref<10000x128xf32, #tpu.memory_space<hbm>> -> memref<10000x128xf32, #tpu.memory_space<hbm>>
    tpu.wait_indirect_dma semaphore(%arg21 : memref<!tpu.dma_semaphore, #tpu.memory_space<semaphore_mem>>) src(%dma_wait3A_197 : memref<10000x128xf32, #tpu.memory_space<hbm>>) dst(%dma_wait3A_191 : memref<40x128xf32, #tpu.memory_space<vmem>>)
    %dma_wait3A_198 = arith.constant 1 : i32
    %dma_wait3A_199 = arith.constant 0 : i32
    %dma_wait3A_200 = arith.constant 0 : i32
    %dma_wait3A_201 = tpu.memref_slice %arg10[%dma_wait3A_198, %dma_wait3A_199, %dma_wait3A_200] : memref<2x40x128xf32, #tpu.memory_space<vmem>> -> memref<1x40x128xf32, #tpu.memory_space<vmem>>
    %dma_wait3A_202 = tpu.memref_squeeze %dma_wait3A_201 : memref<1x40x128xf32, #tpu.memory_space<vmem>> -> memref<40x128xf32, #tpu.memory_space<vmem>>
    %dma_wait3A_203 = arith.constant 0 : i32
    %dma_wait3A_204 = arith.constant 0 : i32
    %dma_wait3A_205 = tpu.memref_slice %arg5[%dma_wait3A_203, %dma_wait3A_204] : memref<320000x128xf32, #tpu.memory_space<hbm>> -> memref<40x128xf32, #tpu.memory_space<hbm>>
    %dma_wait3A_206 = arith.constant 0 : i32
    %dma_wait3A_207 = arith.constant 0 : i32
    %dma_wait3A_208 = tpu.memref_slice %arg10[%dma_wait3A_198, %dma_wait3A_206, %dma_wait3A_207] : memref<2x40x128xf32, #tpu.memory_space<vmem>> -> memref<1x40x128xf32, #tpu.memory_space<vmem>>
    %dma_wait3A_209 = tpu.memref_squeeze %dma_wait3A_208 : memref<1x40x128xf32, #tpu.memory_space<vmem>> -> memref<40x128xf32, #tpu.memory_space<vmem>>
    %dma_wait3A_210 = arith.constant 0 : i32
    %dma_wait3A_211 = arith.constant 0 : i32
    %dma_wait3A_212 = tpu.memref_slice %arg5[%dma_wait3A_210, %dma_wait3A_211] : memref<320000x128xf32, #tpu.memory_space<hbm>> -> memref<40x128xf32, #tpu.memory_space<hbm>>
    tpu.wait_dma2 semaphore(%arg19 : memref<!tpu.dma_semaphore, #tpu.memory_space<semaphore_mem>>) src(%dma_wait3A_212 : memref<40x128xf32, #tpu.memory_space<hbm>>) dst(%dma_wait3A_209 : memref<40x128xf32, #tpu.memory_space<vmem>>)
    %parallel_loop3A_213 = arith.constant 0 : i32
    %parallel_loop3A_214 = arith.constant 40 : i32
    %parallel_loop3A_215 = arith.constant 1 : i32
    scf.for %parallel_loop3A_234 = %parallel_loop3A_213 to %parallel_loop3A_214 step %parallel_loop3A_215  : i32 {
      %parallel_loop3A_235 = arith.constant 1 : i32
      %parallel_loop3A_236 = arith.index_cast %parallel_loop3A_235 : i32 to index
      %parallel_loop3A_237 = arith.index_cast %parallel_loop3A_234 : i32 to index
      %parallel_loop3A_238 = arith.constant 0 : index
      %parallel_loop3A_239 = tpu.vector_load %arg11[%parallel_loop3A_236, %parallel_loop3A_237, %parallel_loop3A_238] {strides = array<i32>} : memref<2x40x128xf32, #tpu.memory_space<vmem>>, vector<1x1x16xf32>,
      %parallel_loop3A_240 = vector.shape_cast %parallel_loop3A_239 : vector<1x1x16xf32> to vector<16xf32>
      %parallel_loop3A_241 = arith.constant 1 : i32
      %parallel_loop3A_242 = arith.index_cast %parallel_loop3A_241 : i32 to index
      %parallel_loop3A_243 = arith.index_cast %parallel_loop3A_234 : i32 to index
      %parallel_loop3A_244 = arith.constant 0 : index
      %parallel_loop3A_245 = tpu.vector_load %arg10[%parallel_loop3A_242, %parallel_loop3A_243, %parallel_loop3A_244] {strides = array<i32>} : memref<2x40x128xf32, #tpu.memory_space<vmem>>, vector<1x1x16xf32>,
      %parallel_loop3A_246 = vector.shape_cast %parallel_loop3A_245 : vector<1x1x16xf32> to vector<16xf32>
      %parallel_loop3A_247 = arith.mulf %parallel_loop3A_240, %parallel_loop3A_246 : vector<16xf32>
      %parallel_loop3A_248 = arith.constant 1 : i32
      %parallel_loop3A_249 = arith.index_cast %parallel_loop3A_248 : i32 to index
      %parallel_loop3A_250 = arith.index_cast %parallel_loop3A_234 : i32 to index
      %parallel_loop3A_251 = arith.constant 0 : index
      %parallel_loop3A_252 = tpu.vector_load %arg12[%parallel_loop3A_249, %parallel_loop3A_250, %parallel_loop3A_251] {strides = array<i32>} : memref<2x40x144xf32, #tpu.memory_space<vmem>>, vector<1x1x16xf32>,
      %parallel_loop3A_253 = vector.shape_cast %parallel_loop3A_252 : vector<1x1x16xf32> to vector<16xf32>
      %parallel_loop3A_254 = vector.shape_cast %parallel_loop3A_247 : vector<16xf32> to vector<1x1x16xf32>
      tpu.vector_store %arg12[%parallel_loop3A_249, %parallel_loop3A_250, %parallel_loop3A_251], %parallel_loop3A_254 {strides = array<i32>} : memref<2x40x144xf32, #tpu.memory_space<vmem>>, vector<1x1x16xf32>,
      %parallel_loop3A_255 = arith.constant 1 : i32
      %parallel_loop3A_256 = arith.index_cast %parallel_loop3A_255 : i32 to index
      %parallel_loop3A_257 = arith.index_cast %parallel_loop3A_234 : i32 to index
      %parallel_loop3A_258 = arith.constant 16 : index
      %parallel_loop3A_259 = tpu.vector_load %arg11[%parallel_loop3A_256, %parallel_loop3A_257, %parallel_loop3A_258] {strides = array<i32>} : memref<2x40x128xf32, #tpu.memory_space<vmem>>, vector<1x1x16xf32>,
      %parallel_loop3A_260 = vector.shape_cast %parallel_loop3A_259 : vector<1x1x16xf32> to vector<16xf32>
      %parallel_loop3A_261 = arith.constant 1 : i32
      %parallel_loop3A_262 = arith.index_cast %parallel_loop3A_261 : i32 to index
      %parallel_loop3A_263 = arith.index_cast %parallel_loop3A_234 : i32 to index
      %parallel_loop3A_264 = arith.constant 16 : index
      %parallel_loop3A_265 = tpu.vector_load %arg10[%parallel_loop3A_262, %parallel_loop3A_263, %parallel_loop3A_264] {strides = array<i32>} : memref<2x40x128xf32, #tpu.memory_space<vmem>>, vector<1x1x16xf32>,
      %parallel_loop3A_266 = vector.shape_cast %parallel_loop3A_265 : vector<1x1x16xf32> to vector<16xf32>
      %parallel_loop3A_267 = arith.mulf %parallel_loop3A_260, %parallel_loop3A_266 : vector<16xf32>
      %parallel_loop3A_268 = arith.constant 1 : i32
      %parallel_loop3A_269 = arith.index_cast %parallel_loop3A_268 : i32 to index
      %parallel_loop3A_270 = arith.index_cast %parallel_loop3A_234 : i32 to index
      %parallel_loop3A_271 = arith.constant 16 : index
      %parallel_loop3A_272 = tpu.vector_load %arg12[%parallel_loop3A_269, %parallel_loop3A_270, %parallel_loop3A_271] {strides = array<i32>} : memref<2x40x144xf32, #tpu.memory_space<vmem>>, vector<1x1x16xf32>,
      %parallel_loop3A_273 = vector.shape_cast %parallel_loop3A_272 : vector<1x1x16xf32> to vector<16xf32>
      %parallel_loop3A_274 = vector.shape_cast %parallel_loop3A_267 : vector<16xf32> to vector<1x1x16xf32>
      tpu.vector_store %arg12[%parallel_loop3A_269, %parallel_loop3A_270, %parallel_loop3A_271], %parallel_loop3A_274 {strides = array<i32>} : memref<2x40x144xf32, #tpu.memory_space<vmem>>, vector<1x1x16xf32>,
      %parallel_loop3A_275 = arith.constant 1 : i32
      %parallel_loop3A_276 = arith.index_cast %parallel_loop3A_275 : i32 to index
      %parallel_loop3A_277 = arith.index_cast %parallel_loop3A_234 : i32 to index
      %parallel_loop3A_278 = arith.constant 32 : index
      %parallel_loop3A_279 = tpu.vector_load %arg11[%parallel_loop3A_276, %parallel_loop3A_277, %parallel_loop3A_278] {strides = array<i32>} : memref<2x40x128xf32, #tpu.memory_space<vmem>>, vector<1x1x16xf32>,
      %parallel_loop3A_280 = vector.shape_cast %parallel_loop3A_279 : vector<1x1x16xf32> to vector<16xf32>
      %parallel_loop3A_281 = arith.constant 1 : i32
      %parallel_loop3A_282 = arith.index_cast %parallel_loop3A_281 : i32 to index
      %parallel_loop3A_283 = arith.index_cast %parallel_loop3A_234 : i32 to index
      %parallel_loop3A_284 = arith.constant 32 : index
      %parallel_loop3A_285 = tpu.vector_load %arg10[%parallel_loop3A_282, %parallel_loop3A_283, %parallel_loop3A_284] {strides = array<i32>} : memref<2x40x128xf32, #tpu.memory_space<vmem>>, vector<1x1x16xf32>,
      %parallel_loop3A_286 = vector.shape_cast %parallel_loop3A_285 : vector<1x1x16xf32> to vector<16xf32>
      %parallel_loop3A_287 = arith.mulf %parallel_loop3A_280, %parallel_loop3A_286 : vector<16xf32>
      %parallel_loop3A_288 = arith.constant 1 : i32
      %parallel_loop3A_289 = arith.index_cast %parallel_loop3A_288 : i32 to index
      %parallel_loop3A_290 = arith.index_cast %parallel_loop3A_234 : i32 to index
      %parallel_loop3A_291 = arith.constant 32 : index
      %parallel_loop3A_292 = tpu.vector_load %arg12[%parallel_loop3A_289, %parallel_loop3A_290, %parallel_loop3A_291] {strides = array<i32>} : memref<2x40x144xf32, #tpu.memory_space<vmem>>, vector<1x1x16xf32>,
      %parallel_loop3A_293 = vector.shape_cast %parallel_loop3A_292 : vector<1x1x16xf32> to vector<16xf32>
      %parallel_loop3A_294 = vector.shape_cast %parallel_loop3A_287 : vector<16xf32> to vector<1x1x16xf32>
      tpu.vector_store %arg12[%parallel_loop3A_289, %parallel_loop3A_290, %parallel_loop3A_291], %parallel_loop3A_294 {strides = array<i32>} : memref<2x40x144xf32, #tpu.memory_space<vmem>>, vector<1x1x16xf32>,
      %parallel_loop3A_295 = arith.constant 1 : i32
      %parallel_loop3A_296 = arith.index_cast %parallel_loop3A_295 : i32 to index
      %parallel_loop3A_297 = arith.index_cast %parallel_loop3A_234 : i32 to index
      %parallel_loop3A_298 = arith.constant 48 : index
      %parallel_loop3A_299 = tpu.vector_load %arg11[%parallel_loop3A_296, %parallel_loop3A_297, %parallel_loop3A_298] {strides = array<i32>} : memref<2x40x128xf32, #tpu.memory_space<vmem>>, vector<1x1x16xf32>,
      %parallel_loop3A_300 = vector.shape_cast %parallel_loop3A_299 : vector<1x1x16xf32> to vector<16xf32>
      %parallel_loop3A_301 = arith.constant 1 : i32
      %parallel_loop3A_302 = arith.index_cast %parallel_loop3A_301 : i32 to index
      %parallel_loop3A_303 = arith.index_cast %parallel_loop3A_234 : i32 to index
      %parallel_loop3A_304 = arith.constant 48 : index
      %parallel_loop3A_305 = tpu.vector_load %arg10[%parallel_loop3A_302, %parallel_loop3A_303, %parallel_loop3A_304] {strides = array<i32>} : memref<2x40x128xf32, #tpu.memory_space<vmem>>, vector<1x1x16xf32>,
      %parallel_loop3A_306 = vector.shape_cast %parallel_loop3A_305 : vector<1x1x16xf32> to vector<16xf32>
      %parallel_loop3A_307 = arith.mulf %parallel_loop3A_300, %parallel_loop3A_306 : vector<16xf32>
      %parallel_loop3A_308 = arith.constant 1 : i32
      %parallel_loop3A_309 = arith.index_cast %parallel_loop3A_308 : i32 to index
      %parallel_loop3A_310 = arith.index_cast %parallel_loop3A_234 : i32 to index
      %parallel_loop3A_311 = arith.constant 48 : index
      %parallel_loop3A_312 = tpu.vector_load %arg12[%parallel_loop3A_309, %parallel_loop3A_310, %parallel_loop3A_311] {strides = array<i32>} : memref<2x40x144xf32, #tpu.memory_space<vmem>>, vector<1x1x16xf32>,
      %parallel_loop3A_313 = vector.shape_cast %parallel_loop3A_312 : vector<1x1x16xf32> to vector<16xf32>
      %parallel_loop3A_314 = vector.shape_cast %parallel_loop3A_307 : vector<16xf32> to vector<1x1x16xf32>
      tpu.vector_store %arg12[%parallel_loop3A_309, %parallel_loop3A_310, %parallel_loop3A_311], %parallel_loop3A_314 {strides = array<i32>} : memref<2x40x144xf32, #tpu.memory_space<vmem>>, vector<1x1x16xf32>,
      %parallel_loop3A_315 = arith.constant 1 : i32
      %parallel_loop3A_316 = arith.index_cast %parallel_loop3A_315 : i32 to index
      %parallel_loop3A_317 = arith.index_cast %parallel_loop3A_234 : i32 to index
      %parallel_loop3A_318 = arith.constant 64 : index
      %parallel_loop3A_319 = tpu.vector_load %arg11[%parallel_loop3A_316, %parallel_loop3A_317, %parallel_loop3A_318] {strides = array<i32>} : memref<2x40x128xf32, #tpu.memory_space<vmem>>, vector<1x1x16xf32>,
      %parallel_loop3A_320 = vector.shape_cast %parallel_loop3A_319 : vector<1x1x16xf32> to vector<16xf32>
      %parallel_loop3A_321 = arith.constant 1 : i32
      %parallel_loop3A_322 = arith.index_cast %parallel_loop3A_321 : i32 to index
      %parallel_loop3A_323 = arith.index_cast %parallel_loop3A_234 : i32 to index
      %parallel_loop3A_324 = arith.constant 64 : index
      %parallel_loop3A_325 = tpu.vector_load %arg10[%parallel_loop3A_322, %parallel_loop3A_323, %parallel_loop3A_324] {strides = array<i32>} : memref<2x40x128xf32, #tpu.memory_space<vmem>>, vector<1x1x16xf32>,
      %parallel_loop3A_326 = vector.shape_cast %parallel_loop3A_325 : vector<1x1x16xf32> to vector<16xf32>
      %parallel_loop3A_327 = arith.mulf %parallel_loop3A_320, %parallel_loop3A_326 : vector<16xf32>
      %parallel_loop3A_328 = arith.constant 1 : i32
      %parallel_loop3A_329 = arith.index_cast %parallel_loop3A_328 : i32 to index
      %parallel_loop3A_330 = arith.index_cast %parallel_loop3A_234 : i32 to index
      %parallel_loop3A_331 = arith.constant 64 : index
      %parallel_loop3A_332 = tpu.vector_load %arg12[%parallel_loop3A_329, %parallel_loop3A_330, %parallel_loop3A_331] {strides = array<i32>} : memref<2x40x144xf32, #tpu.memory_space<vmem>>, vector<1x1x16xf32>,
      %parallel_loop3A_333 = vector.shape_cast %parallel_loop3A_332 : vector<1x1x16xf32> to vector<16xf32>
      %parallel_loop3A_334 = vector.shape_cast %parallel_loop3A_327 : vector<16xf32> to vector<1x1x16xf32>
      tpu.vector_store %arg12[%parallel_loop3A_329, %parallel_loop3A_330, %parallel_loop3A_331], %parallel_loop3A_334 {strides = array<i32>} : memref<2x40x144xf32, #tpu.memory_space<vmem>>, vector<1x1x16xf32>,
      %parallel_loop3A_335 = arith.constant 1 : i32
      %parallel_loop3A_336 = arith.index_cast %parallel_loop3A_335 : i32 to index
      %parallel_loop3A_337 = arith.index_cast %parallel_loop3A_234 : i32 to index
      %parallel_loop3A_338 = arith.constant 80 : index
      %parallel_loop3A_339 = tpu.vector_load %arg11[%parallel_loop3A_336, %parallel_loop3A_337, %parallel_loop3A_338] {strides = array<i32>} : memref<2x40x128xf32, #tpu.memory_space<vmem>>, vector<1x1x16xf32>,
      %parallel_loop3A_340 = vector.shape_cast %parallel_loop3A_339 : vector<1x1x16xf32> to vector<16xf32>
      %parallel_loop3A_341 = arith.constant 1 : i32
      %parallel_loop3A_342 = arith.index_cast %parallel_loop3A_341 : i32 to index
      %parallel_loop3A_343 = arith.index_cast %parallel_loop3A_234 : i32 to index
      %parallel_loop3A_344 = arith.constant 80 : index
      %parallel_loop3A_345 = tpu.vector_load %arg10[%parallel_loop3A_342, %parallel_loop3A_343, %parallel_loop3A_344] {strides = array<i32>} : memref<2x40x128xf32, #tpu.memory_space<vmem>>, vector<1x1x16xf32>,
      %parallel_loop3A_346 = vector.shape_cast %parallel_loop3A_345 : vector<1x1x16xf32> to vector<16xf32>
      %parallel_loop3A_347 = arith.mulf %parallel_loop3A_340, %parallel_loop3A_346 : vector<16xf32>
      %parallel_loop3A_348 = arith.constant 1 : i32
      %parallel_loop3A_349 = arith.index_cast %parallel_loop3A_348 : i32 to index
      %parallel_loop3A_350 = arith.index_cast %parallel_loop3A_234 : i32 to index
      %parallel_loop3A_351 = arith.constant 80 : index
      %parallel_loop3A_352 = tpu.vector_load %arg12[%parallel_loop3A_349, %parallel_loop3A_350, %parallel_loop3A_351] {strides = array<i32>} : memref<2x40x144xf32, #tpu.memory_space<vmem>>, vector<1x1x16xf32>,
      %parallel_loop3A_353 = vector.shape_cast %parallel_loop3A_352 : vector<1x1x16xf32> to vector<16xf32>
      %parallel_loop3A_354 = vector.shape_cast %parallel_loop3A_347 : vector<16xf32> to vector<1x1x16xf32>
      tpu.vector_store %arg12[%parallel_loop3A_349, %parallel_loop3A_350, %parallel_loop3A_351], %parallel_loop3A_354 {strides = array<i32>} : memref<2x40x144xf32, #tpu.memory_space<vmem>>, vector<1x1x16xf32>,
      %parallel_loop3A_355 = arith.constant 1 : i32
      %parallel_loop3A_356 = arith.index_cast %parallel_loop3A_355 : i32 to index
      %parallel_loop3A_357 = arith.index_cast %parallel_loop3A_234 : i32 to index
      %parallel_loop3A_358 = arith.constant 96 : index
      %parallel_loop3A_359 = tpu.vector_load %arg11[%parallel_loop3A_356, %parallel_loop3A_357, %parallel_loop3A_358] {strides = array<i32>} : memref<2x40x128xf32, #tpu.memory_space<vmem>>, vector<1x1x16xf32>,
      %parallel_loop3A_360 = vector.shape_cast %parallel_loop3A_359 : vector<1x1x16xf32> to vector<16xf32>
      %parallel_loop3A_361 = arith.constant 1 : i32
      %parallel_loop3A_362 = arith.index_cast %parallel_loop3A_361 : i32 to index
      %parallel_loop3A_363 = arith.index_cast %parallel_loop3A_234 : i32 to index
      %parallel_loop3A_364 = arith.constant 96 : index
      %parallel_loop3A_365 = tpu.vector_load %arg10[%parallel_loop3A_362, %parallel_loop3A_363, %parallel_loop3A_364] {strides = array<i32>} : memref<2x40x128xf32, #tpu.memory_space<vmem>>, vector<1x1x16xf32>,
      %parallel_loop3A_366 = vector.shape_cast %parallel_loop3A_365 : vector<1x1x16xf32> to vector<16xf32>
      %parallel_loop3A_367 = arith.mulf %parallel_loop3A_360, %parallel_loop3A_366 : vector<16xf32>
      %parallel_loop3A_368 = arith.constant 1 : i32
      %parallel_loop3A_369 = arith.index_cast %parallel_loop3A_368 : i32 to index
      %parallel_loop3A_370 = arith.index_cast %parallel_loop3A_234 : i32 to index
      %parallel_loop3A_371 = arith.constant 96 : index
      %parallel_loop3A_372 = tpu.vector_load %arg12[%parallel_loop3A_369, %parallel_loop3A_370, %parallel_loop3A_371] {strides = array<i32>} : memref<2x40x144xf32, #tpu.memory_space<vmem>>, vector<1x1x16xf32>,
      %parallel_loop3A_373 = vector.shape_cast %parallel_loop3A_372 : vector<1x1x16xf32> to vector<16xf32>
      %parallel_loop3A_374 = vector.shape_cast %parallel_loop3A_367 : vector<16xf32> to vector<1x1x16xf32>
      tpu.vector_store %arg12[%parallel_loop3A_369, %parallel_loop3A_370, %parallel_loop3A_371], %parallel_loop3A_374 {strides = array<i32>} : memref<2x40x144xf32, #tpu.memory_space<vmem>>, vector<1x1x16xf32>,
      %parallel_loop3A_375 = arith.constant 1 : i32
      %parallel_loop3A_376 = arith.index_cast %parallel_loop3A_375 : i32 to index
      %parallel_loop3A_377 = arith.index_cast %parallel_loop3A_234 : i32 to index
      %parallel_loop3A_378 = arith.constant 112 : index
      %parallel_loop3A_379 = tpu.vector_load %arg11[%parallel_loop3A_376, %parallel_loop3A_377, %parallel_loop3A_378] {strides = array<i32>} : memref<2x40x128xf32, #tpu.memory_space<vmem>>, vector<1x1x16xf32>,
      %parallel_loop3A_380 = vector.shape_cast %parallel_loop3A_379 : vector<1x1x16xf32> to vector<16xf32>
      %parallel_loop3A_381 = arith.constant 1 : i32
      %parallel_loop3A_382 = arith.index_cast %parallel_loop3A_381 : i32 to index
      %parallel_loop3A_383 = arith.index_cast %parallel_loop3A_234 : i32 to index
      %parallel_loop3A_384 = arith.constant 112 : index
      %parallel_loop3A_385 = tpu.vector_load %arg10[%parallel_loop3A_382, %parallel_loop3A_383, %parallel_loop3A_384] {strides = array<i32>} : memref<2x40x128xf32, #tpu.memory_space<vmem>>, vector<1x1x16xf32>,
      %parallel_loop3A_386 = vector.shape_cast %parallel_loop3A_385 : vector<1x1x16xf32> to vector<16xf32>
      %parallel_loop3A_387 = arith.mulf %parallel_loop3A_380, %parallel_loop3A_386 : vector<16xf32>
      %parallel_loop3A_388 = arith.constant 1 : i32
      %parallel_loop3A_389 = arith.index_cast %parallel_loop3A_388 : i32 to index
      %parallel_loop3A_390 = arith.index_cast %parallel_loop3A_234 : i32 to index
      %parallel_loop3A_391 = arith.constant 112 : index
      %parallel_loop3A_392 = tpu.vector_load %arg12[%parallel_loop3A_389, %parallel_loop3A_390, %parallel_loop3A_391] {strides = array<i32>} : memref<2x40x144xf32, #tpu.memory_space<vmem>>, vector<1x1x16xf32>,
      %parallel_loop3A_393 = vector.shape_cast %parallel_loop3A_392 : vector<1x1x16xf32> to vector<16xf32>
      %parallel_loop3A_394 = vector.shape_cast %parallel_loop3A_387 : vector<16xf32> to vector<1x1x16xf32>
      tpu.vector_store %arg12[%parallel_loop3A_389, %parallel_loop3A_390, %parallel_loop3A_391], %parallel_loop3A_394 {strides = array<i32>} : memref<2x40x144xf32, #tpu.memory_space<vmem>>, vector<1x1x16xf32>,
    } {sc.loop_unroll_factor = 8 : i64, sc.parallel_access}
    %dma_wait3A_216 = arith.constant 1 : i32
    %dma_wait3A_217 = arith.constant 0 : i32
    %dma_wait3A_218 = tpu.memref_slice %arg9[%dma_wait3A_216, %dma_wait3A_217] : memref<2x40xi32, #tpu.memory_space<vmem>> -> memref<1x40xi32, #tpu.memory_space<vmem>>
    %dma_wait3A_219 = tpu.memref_squeeze %dma_wait3A_218 : memref<1x40xi32, #tpu.memory_space<vmem>> -> memref<40xi32, #tpu.memory_space<vmem>>
    %dma_wait3A_220 = arith.constant 0 : i32
    %dma_wait3A_221 = tpu.memref_slice %arg4[%dma_wait3A_220] : memref<320000xi32, #tpu.memory_space<hbm>> -> memref<40xi32, #tpu.memory_space<hbm>>
    %dma_wait3A_222 = arith.constant 0 : i32
    %dma_wait3A_223 = tpu.memref_slice %arg9[%dma_wait3A_216, %dma_wait3A_222] : memref<2x40xi32, #tpu.memory_space<vmem>> -> memref<1x40xi32, #tpu.memory_space<vmem>>
    %dma_wait3A_224 = tpu.memref_squeeze %dma_wait3A_223 : memref<1x40xi32, #tpu.memory_space<vmem>> -> memref<40xi32, #tpu.memory_space<vmem>>
    %dma_wait3A_225 = arith.constant 0 : i32
    %dma_wait3A_226 = tpu.memref_slice %arg4[%dma_wait3A_225] : memref<320000xi32, #tpu.memory_space<hbm>> -> memref<40xi32, #tpu.memory_space<hbm>>
    tpu.wait_dma2 semaphore(%arg17 : memref<!tpu.dma_semaphore, #tpu.memory_space<semaphore_mem>>) src(%dma_wait3A_226 : memref<40xi32, #tpu.memory_space<hbm>>) dst(%dma_wait3A_224 : memref<40xi32, #tpu.memory_space<vmem>>)
    %run_scoped3A_227 = arith.constant 1 : i32
    %run_scoped3A_228 = arith.constant 1 : i32
    "tpu.region"() ({
      %run_scoped3A_234 = tpu.sem_alloc : memref<!tpu.dma_semaphore, #tpu.memory_space<semaphore_mem>>
      %dma_start3A_235 = arith.constant 0 : i32
      %dma_start3A_236 = arith.constant 0 : i32
      %dma_start3A_237 = tpu.memref_slice %arg12[%run_scoped3A_227, %dma_start3A_235, %dma_start3A_236] : memref<2x40x144xf32, #tpu.memory_space<vmem>> -> memref<1x40x144xf32, #tpu.memory_space<vmem>>
      %dma_start3A_238 = tpu.memref_squeeze %dma_start3A_237 : memref<1x40x144xf32, #tpu.memory_space<vmem>> -> memref<40x144xf32, #tpu.memory_space<vmem>>
      %dma_start3A_239 = arith.constant 0 : i32
      %dma_start3A_240 = tpu.memref_slice %arg9[%run_scoped3A_228, %dma_start3A_239] : memref<2x40xi32, #tpu.memory_space<vmem>> -> memref<1x40xi32, #tpu.memory_space<vmem>>
      %dma_start3A_241 = tpu.memref_squeeze %dma_start3A_240 : memref<1x40xi32, #tpu.memory_space<vmem>> -> memref<40xi32, #tpu.memory_space<vmem>>
      %dma_start3A_242 = arith.constant 0 : i32
      %dma_start3A_243 = arith.constant 0 : i32
      %dma_start3A_244 = tpu.memref_slice %arg7[%dma_start3A_242, %dma_start3A_243] : memref<10000x144xf32, #tpu.memory_space<vmem_shared>> -> memref<10000x144xf32, #tpu.memory_space<vmem_shared>>
      tpu.enqueue_indirect_dma source(%dma_start3A_238 : memref<40x144xf32, #tpu.memory_space<vmem>>) target(%dma_start3A_244 : memref<10000x144xf32, #tpu.memory_space<vmem_shared>>) offsets(%dma_start3A_241 : memref<40xi32, #tpu.memory_space<vmem>>) semaphore(%run_scoped3A_234 : memref<!tpu.dma_semaphore, #tpu.memory_space<semaphore_mem>>) {add = true}
      %dma_wait3A_245 = arith.constant 0 : i32
      %dma_wait3A_246 = arith.constant 0 : i32
      %dma_wait3A_247 = tpu.memref_slice %arg12[%run_scoped3A_227, %dma_wait3A_245, %dma_wait3A_246] : memref<2x40x144xf32, #tpu.memory_space<vmem>> -> memref<1x40x144xf32, #tpu.memory_space<vmem>>
      %dma_wait3A_248 = tpu.memref_squeeze %dma_wait3A_247 : memref<1x40x144xf32, #tpu.memory_space<vmem>> -> memref<40x144xf32, #tpu.memory_space<vmem>>
      %dma_wait3A_249 = arith.constant 0 : i32
      %dma_wait3A_250 = tpu.memref_slice %arg9[%run_scoped3A_228, %dma_wait3A_249] : memref<2x40xi32, #tpu.memory_space<vmem>> -> memref<1x40xi32, #tpu.memory_space<vmem>>
      %dma_wait3A_251 = tpu.memref_squeeze %dma_wait3A_250 : memref<1x40xi32, #tpu.memory_space<vmem>> -> memref<40xi32, #tpu.memory_space<vmem>>
      %dma_wait3A_252 = arith.constant 0 : i32
      %dma_wait3A_253 = arith.constant 0 : i32
      %dma_wait3A_254 = tpu.memref_slice %arg7[%dma_wait3A_252, %dma_wait3A_253] : memref<10000x144xf32, #tpu.memory_space<vmem_shared>> -> memref<10000x144xf32, #tpu.memory_space<vmem_shared>>
      tpu.wait_indirect_dma semaphore(%run_scoped3A_234 : memref<!tpu.dma_semaphore, #tpu.memory_space<semaphore_mem>>) src(%dma_wait3A_248 : memref<40x144xf32, #tpu.memory_space<vmem>>) dst(%dma_wait3A_254 : memref<10000x144xf32, #tpu.memory_space<vmem_shared>>)
      tpu.yield
    }) : () -> ()
    %barrier3A_229 = arith.constant 0 : index
    tpu.barrier barrier_id(%barrier3A_229)
    %mul3A_230 = arith.constant 625 : i32
    %mul3A_231 = arith.muli %arg1, %mul3A_230 : i32
    %mul3A_232 = arith.constant 625 : i32
    %mul3A_233 = arith.muli %arg1, %mul3A_232 : i32
    "tpu.region"() ({
      %run_scoped3A_234 = tpu.sem_alloc : memref<!tpu.dma_semaphore, #tpu.memory_space<semaphore_mem>>
      %dma_start3A_235 = arith.constant 0 : i32
      %dma_start3A_236 = tpu.memref_slice %arg6[%arg0, %mul3A_233, %dma_start3A_235] : memref<2x10000x144xf32, #tpu.memory_space<hbm>> -> memref<1x625x144xf32, #tpu.memory_space<hbm>>
      %dma_start3A_237 = tpu.memref_squeeze %dma_start3A_236 : memref<1x625x144xf32, #tpu.memory_space<hbm>> -> memref<625x144xf32, #tpu.memory_space<hbm>>
      %dma_start3A_238 = arith.constant 0 : i32
      %dma_start3A_239 = tpu.memref_slice %arg7[%mul3A_231, %dma_start3A_238] : memref<10000x144xf32, #tpu.memory_space<vmem_shared>> -> memref<625x144xf32, #tpu.memory_space<vmem_shared>>
      tpu.enqueue_dma source(%dma_start3A_239 : memref<625x144xf32, #tpu.memory_space<vmem_shared>>) target(%dma_start3A_237 : memref<625x144xf32, #tpu.memory_space<hbm>>) target_semaphore(%run_scoped3A_234 : memref<!tpu.dma_semaphore, #tpu.memory_space<semaphore_mem>>)
      %dma_wait3A_240 = arith.constant 0 : i32
      %dma_wait3A_241 = tpu.memref_slice %arg6[%arg0, %mul3A_233, %dma_wait3A_240] : memref<2x10000x144xf32, #tpu.memory_space<hbm>> -> memref<1x625x144xf32, #tpu.memory_space<hbm>>
      %dma_wait3A_242 = tpu.memref_squeeze %dma_wait3A_241 : memref<1x625x144xf32, #tpu.memory_space<hbm>> -> memref<625x144xf32, #tpu.memory_space<hbm>>
      %dma_wait3A_243 = arith.constant 0 : i32
      %dma_wait3A_244 = tpu.memref_slice %arg7[%mul3A_231, %dma_wait3A_243] : memref<10000x144xf32, #tpu.memory_space<vmem_shared>> -> memref<625x144xf32, #tpu.memory_space<vmem_shared>>
      tpu.wait_dma2 semaphore(%run_scoped3A_234 : memref<!tpu.dma_semaphore, #tpu.memory_space<semaphore_mem>>) src(%dma_wait3A_244 : memref<625x144xf32, #tpu.memory_space<vmem_shared>>) dst(%dma_wait3A_242 : memref<625x144xf32, #tpu.memory_space<hbm>>)
      tpu.yield
    }) : () -> ()
    return
  }
}

module attributes {stable_mosaic.version = 14 : i64} {
  func.func @_weights_body(%arg0: i32, %arg1: memref<16x2560xf32, #tpu.memory_space<vmem>>, %arg2: memref<16x128xf32, #tpu.memory_space<vmem>>, %arg3: memref<1x128xf32, #tpu.memory_space<vmem>>, %arg4: memref<2560x128xf32, #tpu.memory_space<vmem>>) attributes {dimension_semantics = [#tpu.dimension_semantics<arbitrary>], iteration_bounds = array<i64: 125>, scalar_prefetch = 0 : i64, scratch_operands = 0 : i64, tpu.core_type = #tpu.core_type<tc>, window_params = [{transform_indices = @transform_0, window_bounds = array<i64: 16, 2560>}, {pipeline_mode = #tpu.pipeline_mode<synchronous>, transform_indices = @transform_1, window_bounds = array<i64: 16, 128>}, {pipeline_mode = #tpu.pipeline_mode<synchronous>, transform_indices = @transform_2, window_bounds = array<i64: 1, 128>}, {transform_indices = @transform_3, window_bounds = array<i64: 2560, 128>}]} {
    %get3A = arith.constant 0 : index
    %get3A_0 = arith.constant 0 : index
    %get3A_1 = vector.load %arg1[%get3A, %get3A_0] : memref<16x2560xf32, #tpu.memory_space<vmem>>, vector<16x2560xf32>
    %get3A_2 = arith.constant 0 : index
    %get3A_3 = arith.constant 0 : index
    %get3A_4 = vector.load %arg2[%get3A_2, %get3A_3] : memref<16x128xf32, #tpu.memory_space<vmem>>, vector<16x128xf32>
    %dot_general3A = arith.constant dense<0.000000e+00> : vector<2560x128xf32>
    %dot_general3A_5 = tpu.matmul %get3A_1, %get3A_4, %dot_general3A {dimension_numbers = #tpu.dot_dimension_numbers<[0], [0], [1], [1], [0, 1, 1, 1], [], []>, transpose_lhs_hint = false} : vector<16x2560xf32>, vector<16x128xf32>, vector<2560x128xf32> -> vector<2560x128xf32>
    %get3A_6 = arith.constant 0 : index
    %get3A_7 = arith.constant 0 : index
    %get3A_8 = vector.load %arg3[%get3A_6, %get3A_7] : memref<1x128xf32, #tpu.memory_space<vmem>>, vector<1x128xf32>
    %add3A = vector.broadcast %get3A_8 : vector<1x128xf32> to vector<2560x128xf32>
    %add3A_9 = arith.addf %dot_general3A_5, %add3A : vector<2560x128xf32>
    %swap3A = arith.constant 0 : index
    %swap3A_10 = arith.constant 0 : index
    %swap3A_11 = vector.load %arg4[%swap3A, %swap3A_10] : memref<2560x128xf32, #tpu.memory_space<vmem>>, vector<2560x128xf32>
    tpu.vector_store %arg4[%swap3A, %swap3A_10], %add3A_9 {strides = array<i32>} : memref<2560x128xf32, #tpu.memory_space<vmem>>, vector<2560x128xf32>,
    return
  }
  func.func @transform_0(%arg0: i32) -> (i32, i32) {
    %c0_i32 = arith.constant 0 : i32
    %c0_i32_0 = arith.constant 0 : i32
    return %c0_i32, %arg0 : i32, i32
  }
  func.func @transform_1(%arg0: i32) -> (i32, i32) {
    %c0_i32 = arith.constant 0 : i32
    %c0_i32_0 = arith.constant 0 : i32
    %c0_i32_1 = arith.constant 0 : i32
    return %c0_i32, %c0_i32_0 : i32, i32
  }
  func.func @transform_2(%arg0: i32) -> (i32, i32) {
    %c0_i32 = arith.constant 0 : i32
    %c0_i32_0 = arith.constant 0 : i32
    %c0_i32_1 = arith.constant 0 : i32
    return %c0_i32, %c0_i32_0 : i32, i32
  }
  func.func @transform_3(%arg0: i32) -> (i32, i32) {
    %c0_i32 = arith.constant 0 : i32
    %c0_i32_0 = arith.constant 0 : i32
    return %arg0, %c0_i32 : i32, i32
  }
}

module attributes {stable_mosaic.version = 14 : i64} {
  func.func @_combine_body(%arg0: i32, %arg1: memref<2x2000x144xf32, #tpu.memory_space<vmem>>, %arg2: memref<2000x128xf32, #tpu.memory_space<vmem>>) attributes {dimension_semantics = [#tpu.dimension_semantics<arbitrary>], iteration_bounds = array<i64: 5>, scalar_prefetch = 0 : i64, scratch_operands = 0 : i64, tpu.core_type = #tpu.core_type<tc>, window_params = [{transform_indices = @transform_0, window_bounds = array<i64: 2, 2000, 144>}, {transform_indices = @transform_1, window_bounds = array<i64: 2000, 128>}]} {
    %get3A = arith.constant 0 : index
    %get3A_0 = arith.constant 0 : index
    %get3A_1 = arith.constant 0 : index
    %get3A_2 = vector.load %arg1[%get3A, %get3A_0, %get3A_1] : memref<2x2000x144xf32, #tpu.memory_space<vmem>>, vector<1x2000x144xf32>
    %get3A_3 = vector.shape_cast %get3A_2 : vector<1x2000x144xf32> to vector<2000x144xf32>
    %get3A_4 = arith.constant 1 : index
    %get3A_5 = arith.constant 0 : index
    %get3A_6 = arith.constant 0 : index
    %get3A_7 = vector.load %arg1[%get3A_4, %get3A_5, %get3A_6] : memref<2x2000x144xf32, #tpu.memory_space<vmem>>, vector<1x2000x144xf32>
    %get3A_8 = vector.shape_cast %get3A_7 : vector<1x2000x144xf32> to vector<2000x144xf32>
    %add3A = arith.addf %get3A_3, %get3A_8 : vector<2000x144xf32>
    %slice3A = vector.extract_strided_slice %add3A {offsets = [0, 128], sizes = [2000, 1], strides = [1, 1]} : vector<2000x144xf32> to vector<2000x1xf32>
    %slice3A_9 = vector.extract_strided_slice %add3A {offsets = [0, 0], sizes = [2000, 128], strides = [1, 1]} : vector<2000x144xf32> to vector<2000x128xf32>
    %max3A = arith.constant 1.000000e+00 : f32
    %max3A_10 = vector.broadcast %max3A : f32 to vector<2000x1xf32>
    %max3A_11 = arith.maximumf %slice3A, %max3A_10 : vector<2000x1xf32>
    %div3A = vector.broadcast %max3A_11 : vector<2000x1xf32> to vector<2000x128xf32>
    %div3A_12 = arith.divf %slice3A_9, %div3A : vector<2000x128xf32>
    %swap3A = arith.constant 0 : index
    %swap3A_13 = arith.constant 0 : index
    %swap3A_14 = vector.load %arg2[%swap3A, %swap3A_13] : memref<2000x128xf32, #tpu.memory_space<vmem>>, vector<2000x128xf32>
    tpu.vector_store %arg2[%swap3A, %swap3A_13], %div3A_12 {strides = array<i32>} : memref<2000x128xf32, #tpu.memory_space<vmem>>, vector<2000x128xf32>,
    return
  }
  func.func @transform_0(%arg0: i32) -> (i32, i32, i32) {
    %c0_i32 = arith.constant 0 : i32
    %c0_i32_0 = arith.constant 0 : i32
    %c0_i32_1 = arith.constant 0 : i32
    return %c0_i32, %arg0, %c0_i32_0 : i32, i32, i32
  }
  func.func @transform_1(%arg0: i32) -> (i32, i32) {
    %c0_i32 = arith.constant 0 : i32
    %c0_i32_0 = arith.constant 0 : i32
    return %arg0, %c0_i32 : i32, i32
  }
}

</mosaic_0001>

<sc_bundles>
// kernel: kernel.5.cloned.1.call-start
scs
__scs_entry_jumppad:
0x0: {  	(pc) =	sbr.rel $0x88, $3  }
0x1: {  	(tag) =	ssettag $0x0;
	lr =	simm.s32 $0x1  }
0x2: {  	[smem:$0x3F9B] =	sst lr;
	_ =	strace $0xD0000000  }
0x3: {  	_ = 	snop  }
0x4: {  	_ = 	snop  }
0x5: {  	_ = 	snop  }
0x6: {  	_ = 	snop  }
0x7: {  	_ = 	snop  }
__scs_overlays_trampoline_lowered:
0x8: {  	[smem:$0x3FAA] =	sst s0  }
0x9: {  	[smem:$0x3FAB] =	sst s1  }
0xa: {  	[smem:$0x3FAC] =	sst s2  }
0xb: {  	[smem:$0x3FAD] =	sst s3  }
0xc: {  	[smem:$0x3FAE] =	sst s4  }
0xd: {  	[smem:$0x3FAF] =	sst s5  }
0xe: {  	[smem:$0x3FB0] =	sst s6  }
0xf: {  	[smem:$0x3FB1] =	sst s7  }
0x10: {  	[smem:$0x3FB2] =	sst s8  }
0x11: {  	[smem:$0x3FB3] =	sst s9;
	s0 =	simm.s32 @!p0 $0x0  }
0x12: {  	s1 =	sld [smem:$0x3F99];
	s0 =	simm.s32 @p0 $0x1  }
0x13: {  	[smem:$0x3FB4] =	sst s0;
	s0 =	simm.s32 @!p1 $0x0  }
0x14: {  	s2 =	sld [smem:$0x3F98];
	s0 =	simm.s32 @p1 $0x1  }
0x15: {  	[smem:$0x3FB5] =	sst s0;
	s0 =	simm.s32 @!p2 $0x0  }
0x16: {  	s3 =	sld [smem:$0x3FDB];
	s0 =	simm.s32 @p2 $0x1  }
0x17: {  	s4 =	simm.s32 $0x1BF5;
	[smem:$0x3FB7] =	sst s0  }
0x18: {  	s0 =	sld [smem:$0x3F9A];
	_ =	swait.ge [sflag:s4], $0x0  }
0x19: {  	s7 =	sld [smem:$0x3F9B]  }
0x1a: {  	s8 =	sadd.s32 $0xFFFFE003, lr  }
0x1b: {  	s9 =	sadd.s32 $0xFFFFFEF7, lr;
	s5 =	simm.s32 $0xFFFFFFFF;
	p2 =	slt.u32 s8, $0xFFFFF086  }
0x1c: {  	p1 =	slt.u32 s9, $0xF7A;
	s5 =	simm.s32 @!p2 $0x0  }
0x1d: {  	s5 =	simm.s32 @p1 $0x1;
	p0 =	seq.s32 s7, s2  }
0x1e: {  	s7 =	smul.u32 @!p0 $0xF7A, s2;
	p2 =	seq.s32 @!p0 s5, $0x0  }
0x1f: {  	s9 =	smul.u32 $0xF7A, s1;
	s8 =	simm.s32 @!p0 $0x1BF5;
	p2 =	por !p2, p0  }
0x20: {  	[sflag:s8] =	ssyncset.s32 @!p0 $0xFFFFF086;
	s6 =	sadd.s32 @!p0 s3, s7;
	s7 =	simm.s32 @!p0 $0x108  }
0x21: {  	s3 =	sadd.s32 s3, s9;
	s6 =	sadd.s32 @!p0 $0x88, s6;
	s7 =	simm.s32 @p2 $0x1082  }
0x22: {  	[simem:s7], [sflag:s8] =	dma.local @!p0 [hbm:s6], $0xF7A  }
0x23: {  	s9 =	sor.u32 $0xD0000000, s2;
	s6 =	simm.s32 $0x108;
	_ =	swait.ge @!p0 [sflag:s8], $0x0  }
0x24: {  	s3 =	sadd.s32 $0x88, s3;
	s6 =	simm.s32 @!p1 $0x1082;
	[sflag:s4] =	ssyncset.s32 $0xFFFFF086  }
0x25: {  	[simem:s6], [sflag:s4] =	dma.local [hbm:s3], $0xF7A  }
0x26: {  	[smem:$0x3F9B] =	sst s1;
	(tag) =	ssettag s2;
	_ =	strace s9  }
0x27: {  	s1 =	sld [smem:$0x3FAB]  }
0x28: {  	s2 =	sld [smem:$0x3FAC]  }
0x29: {  	s4 =	sld [smem:$0x3FAE]  }
0x2a: {  	p0 =	seq.s32 s5, $0x0;
	s5 =	sld [smem:$0x3FAF]  }
0x2b: {  	s6 =	sld [smem:$0x3FB0]  }
0x2c: {  	s7 =	sld [smem:$0x3FB1]  }
0x2d: {  	s3 =	simm.s32 $0x108;
	s8 =	sld [smem:$0x3FB2]  }
0x2e: {  	s3 =	simm.s32 @!p0 $0x1082;
	s9 =	sld [smem:$0x3FB3]  }
0x2f: {  	lr =	sadd.s32 s0, s3;
	s0 =	sld [smem:$0x3FAA]  }
0x30: {  	s3 =	sld [smem:$0x3FAD]  }
0x31: {  	[smem:$0x3FB6] =	sst s10  }
0x32: {  	s10 =	sld [smem:$0x3FB4];
	_ =	sdelay $0x3  }
0x33: {  	p0 =	seq.s32 s10, $0x1;
	s10 =	sld [smem:$0x3FB6];
	_ =	sdelay $0x3  }
0x34: {  	[smem:$0x3FB6] =	sst s10  }
0x35: {  	s10 =	sld [smem:$0x3FB5];
	_ =	sdelay $0x3  }
0x36: {  	p1 =	seq.s32 s10, $0x1;
	s10 =	sld [smem:$0x3FB6];
	_ =	sdelay $0x3  }
0x37: {  	[smem:$0x3FB6] =	sst s10  }
0x38: {  	s10 =	sld [smem:$0x3FB7]  }
0x39: {  	_ = 	snop;
	(pc) =	sbr.ind lr, $3  }
0x3a: {  	_ = 	snop  }
0x3b: {  	_ = 	snop  }
0x3c: {  	p2 =	seq.s32 s10, $0x1;
	s10 =	sld [smem:$0x3FB6]  }
0x3d: {  	_ =	shalt  }
0x3e: {  	_ =	shalt  }
0x3f: {  	_ =	shalt  }
0x40: {  	_ =	shalt  }
0x41: {  	_ =	shalt  }
0x42: {  	_ =	shalt  }
0x43: {  	_ =	shalt  }
0x44: {  	_ =	shalt  }
0x45: {  	_ =	shalt  }
0x46: {  	_ =	shalt  }
0x47: {  	_ =	shalt  }
0x48: {  	_ =	shalt  }
0x49: {  	_ =	shalt  }
0x4a: {  	_ =	shalt  }
0x4b: {  	_ =	shalt  }
0x4c: {  	_ =	shalt  }
0x4d: {  	_ =	shalt  }
0x4e: {  	_ =	shalt  }
0x4f: {  	_ =	shalt  }
0x50: {  	_ =	shalt  }
0x51: {  	_ =	shalt  }
0x52: {  	_ =	shalt  }
0x53: {  	_ =	shalt  }
0x54: {  	_ =	shalt  }
0x55: {  	_ =	shalt  }
0x56: {  	_ =	shalt  }
0x57: {  	_ =	shalt  }
0x58: {  	_ =	shalt  }
0x59: {  	_ =	shalt  }
0x5a: {  	_ =	shalt  }
0x5b: {  	_ =	shalt  }
0x5c: {  	_ =	shalt  }
0x5d: {  	_ =	shalt  }
0x5e: {  	_ =	shalt  }
0x5f: {  	_ =	shalt  }
0x60: {  	_ =	shalt  }
0x61: {  	_ =	shalt  }
0x62: {  	_ =	shalt  }
0x63: {  	_ =	shalt  }
0x64: {  	_ =	shalt  }
0x65: {  	_ =	shalt  }
0x66: {  	_ =	shalt  }
0x67: {  	_ =	shalt  }
0x68: {  	_ =	shalt  }
0x69: {  	_ =	shalt  }
0x6a: {  	_ =	shalt  }
0x6b: {  	_ =	shalt  }
0x6c: {  	_ =	shalt  }
0x6d: {  	_ =	shalt  }
0x6e: {  	_ =	shalt  }
0x6f: {  	_ =	shalt  }
0x70: {  	_ =	shalt  }
0x71: {  	_ =	shalt  }
0x72: {  	_ =	shalt  }
0x73: {  	_ =	shalt  }
0x74: {  	_ =	shalt  }
0x75: {  	_ =	shalt  }
0x76: {  	_ =	shalt  }
0x77: {  	_ =	shalt  }
0x78: {  	_ =	shalt  }
0x79: {  	_ =	shalt  }
0x7a: {  	_ =	shalt  }
0x7b: {  	_ =	shalt  }
0x7c: {  	_ =	shalt  }
0x7d: {  	_ =	shalt  }
0x7e: {  	_ =	shalt  }
0x7f: {  	_ =	shalt  }
0x80: {  	_ =	shalt  }
0x81: {  	_ =	shalt  }
0x82: {  	_ =	shalt  }
0x83: {  	_ =	shalt  }
0x84: {  	_ =	shalt  }
0x85: {  	_ =	shalt  }
0x86: {  	_ =	shalt  }
0x87: {  	_ =	shalt  }
.Lfunc_end0:
.L_simem_size_0:
called_computation_lowered:
.L_overlay_start_0:
0x88: {  	s2 =	sld [smem:$0x3FD9]  }
0x89: {  	s3 =	sld [smem:$0x3FFE];
	_ =	sdelay $0x1  }
0x8a: {  	s1 =	srdreg.scid  }
0x8b: {  	s0 =	sand.u32 $0x1, s1  }
0x8c: {  	s17 =	sshll.u32 s0, $0xA;
	s2 =	sadd.s32 s3, s2  }
0x8d: {  	s2 =	sadd.s32 s2, s17  }
0x8e: {  	[smem:$0x3FC2] =	sst s2  }
0x8f: {  	_ = 	snop  }
0x90: {  	s2 =	sld [smem:$0x3FC9]  }
0x91: {  	s18 =	sld [smem:$0x3FC8]  }
0x92: {  	s4 =	sld [smem:$0x3FC7];
	(tm) =	ssettm $0x1  }
0x93: {  	s5 =	sld [smem:$0x3FFB];
	_ =	sdelay $0x3  }
0x94: {  	_ =	strace s5  }
0x95: {  	s5 =	sld [smem:$0x3FFC];
	_ =	sdelay $0x3  }
0x96: {  	_ =	strace s5  }
0x97: {  	s5 =	sld [smem:$0x3FFD];
	_ =	sdelay $0x3  }
0x98: {  	_ =	strace s5  }
0x99: {  	_ =	strace $0x8FFFFFFF  }
0x9a: {  	s19 =	sld [smem:$0x3FDB];
	_ =	sdelay $0x1  }
0x9b: {  	s6 =	simm.s32 $_scs_section_size  }
0x9c: {  	s7 =	simm.s32 $_size__tile_overlayer_lowered;
	s8 =	simm.s32 $_tile_overlayer_lowered  }
0x9d: {  	s22 =	simm.s32 $0x1BFF;
	s21 =	sshll.u32 s8, $0x1;
	s5 =	sadd.s32 s6, s19  }
0x9e: {  	s9 =	simm.s32 $0x0;
	s20 =	sshll.u32 s7, $0x1;
	s7 =	sadd.s32 s21, s5  }
0x9f: {  	[timem:s9], [sflag:s22] =	dma.local [hbm:s7], s20  }
0xa0: {  	_ =	swait.ge [sflag:s22], s20  }
0xa1: {  	s6 =	ssub.s32 $0x0, s20;
	[sflag:s22] =	ssyncset.done $0x0  }
0xa2: {  	[sflag:s22] =	ssyncadd.s32 s6;
	_ =	sdelay $0x1  }
0xa3: {  	s23 =	simm.s32 $0x1B8B  }
0xa4: {  	_ =	swait.ge [sflag:s23], $0x1  }
0xa5: {  	[sflag:s23] =	ssyncset.done $0x0  }
0xa6: {  	s25 =	simm.s32 $0x1B8E;
	s24 =	sld [smem:$0x3FFE];
	[sflag:s23] =	ssyncadd.s32 $0xFFFFFFFF  }
0xa7: {  	s26 =	simm.s32 $execute0_lowered;
	[smem:$0x3FD2] =	sst s25  }
0xa8: {  	s7 =	sshll.u32 s26, $0x1;
	_ =	strace $0x80000046;
	[dreg:$0x1] =	wrdreg $0xFFFFFFFF  }
0xa9: {  	s28 =	simm.s32 $_size_execute0_lowered;
	s5 =	sadd.s32 s5, s7;
	[dreg:$0x0] =	wrdreg $0x0  }
0xaa: {  	s7 =	sshll.u32 s28, $0x1;
	[dreg:$0x2] =	wrdreg s5  }
0xab: {  	[dreg:$0x3] =	wrdreg s7  }
0xac: {  	[dreg:$0x4] =	wrdreg $0xC0  }
0xad: {  	_ =	task [dreg:s9], $0x5FFFF  }
0xae: {  	[dreg:$0x1] =	wrdreg $0xFFFFFFFF  }
0xaf: {  	[dreg:$0x0] =	wrdreg $0x60  }
0xb0: {  	[dreg:$0x2] =	wrdreg s2  }
0xb1: {  	[dreg:$0x3] =	wrdreg s18  }
0xb2: {  	[dreg:$0x4] =	wrdreg s4  }
0xb3: {  	[dreg:$0x5] =	wrdreg s24  }
0xb4: {  	[dreg:$0x6] =	wrdreg $0x0  }
0xb5: {  	[dreg:$0x7] =	wrdreg $0x9  }
0xb6: {  	_ =	task.clear_ibuf [dreg:s9], $0x8FFFF;
	_ =	strace $0x90000046  }
0xb7: {  	s29 =	simm.s32 $0x9;
	_ =	strace $0x80000048  }
0xb8: {  	_ =	swait.ge [sflag:s29], $0x1  }
0xb9: {  	[sflag:s29] =	ssyncadd.s32 $0xFFFFFFFF  }
0xba: {  	_ =	strace $0x90000048  }
0xbb: {  	_ =	sfence  }
0xbc: {  	s30 =	sld [smem:$0x0];
	_ =	sdelay $0x2  }
0xbd: {  	s31 =	sshll.u32 s1, $0xD;
	s1 =	sshrl.u32 s1, $0x2  }
0xbe: {  	s3 =	sand.u32 $0x4000, s31;
	s1 =	sadd.s32 s1, s30  }
0xbf: {  	s0 =	sor.u32 s3, s0;
	s1 =	sshll.u32 s1, $0x11  }
0xc0: {  	s0 =	sor.u32 s1, s0  }
0xc1: {  	s0 =	sadd.s32 $0x8F2B, s0  }
0xc2: {  	[sflag:s0] =	ssyncadd.remote.s32 $0x1  }
0xc3: {  	_ =	sfence.sel $0xFFFF  }
0xc4: {  	[dreg:$0x0] =	wrdreg $0xFFFFFFFF;
	(pc) =	sbr.abs _section_cstart, $3  }
0xc5: {  	[dreg:$0x1] =	wrdreg $0xFFFFFFFF  }
0xc6: {  	_ =	task.clear_ibuf [dreg:s9], $0x2FFFF;
	_ =	strace $0x9FFFFFFF  }
0xc7: {  	(tm) =	ssettm $0x7FFFFFFF  }
tec
execute0_lowered:
.L_overlay_start_1:
0x0: {  	(tag) =	ssettag $0x1  }
0x1: {  	s1 =	rddreg [dreg:$0x0]  }
0x2: {  	s2 =	rddreg [dreg:$0x1]  }
0x3: {  	s3 =	rddreg [dreg:$0x2]  }
0x4: {  	s0 =	rddreg [dreg:$0x3]  }
0x5: {  	s4 =	rddreg [dreg:$0x4];
	s5 =	srdreg.scid  }
0x6: {  	s6 =	simm.s32 $0x0;
	s13 =	stileid.u32;
	s19 =	simm.s32 $0x1DD30  }
0x7: {  	s20 =	simm.s32 $0x9;
	s29 =	simm.s32 $0x1;
	s30 =	simm.s32 $0x28  }
0x8: {  	s16 =	simm.s32 $0x4;
	s17 =	simm.s32 $0x1C6B0;
	s8 =	smul.u32 $0x15F90, s13  }
0x9: {  	s5 =	sand.u32 $0x1, s5;
	[smem:$0x7FF] =	sst s6;
	s26 =	smul.u32 $0x57E40, s13  }
0xa: {  	s7 =	smul.u32 $0x15F900, s5;
	s9 =	sshll.u32 s5, $0x4;
	s5 =	ssub.s32 $0x2, s5  }
0xb: {  	_ =	strace $0x80000047;
	s9 =	sor.u32 s13, s9;
	s11 =	sshrl.u32 s5, $0x1  }
0xc: {  	s28 =	sadd.s32 s8, s4;
	s31 =	sshrl.u32 s26, $0x2;
	s26 =	simm.s32 $0x16008  }
0xd: {  	s13 =	simm.s32 $0x6;
	s7 =	sadd.s32 s8, s7;
	s12 =	smul.u32 $0x2710, s9  }
0xe: {  	s5 =	ssub.s32 s5, s11;
	s9 =	smul.u32 $0x27100, s9;
	s18 =	sadd.s32 s31, s4  }
0xf: {  	s8 =	simm.s32 $0x7;
	s11 =	simm.s32 $0x0;
	s10 =	sshrl.u32 s7, $0x3  }
0x10: {  	s7 =	sadd.s32 $0xA00, s0;
	s5 =	smax.u32 s5, $0x1;
	s0 =	sadd.s32 s10, s0  }
0x11: {  	s21 =	sshrl.u32 s12, $0x3;
	s9 =	sadd.s32 s7, s9;
	[dreg:$0xd] =	wrdreg s5  }
0x12: {  	s22 =	sadd.s32 $0x28, s12;
	s14 =	sadd.s32 s2, s21;
	[dreg:$0x8] =	wrdreg s9  }
0x13: {  	s15 =	sadd.s32 $0x78, s12;
	s10 =	sadd.s32 s3, s21;
	[dreg:$0x6] =	wrdreg s14  }
0x14: {  	s23 =	sshrl.u32 s22, $0x3;
	s0 =	sadd.s32 $0x4E2A00, s0;
	[dreg:$0x7] =	wrdreg s10  }
0x15: {  	s25 =	sshll.u32 s22, $0x4;
	s24 =	sadd.s32 s2, s23;
	[dreg:$0xc] =	wrdreg s0  }
0x16: {  	s21 =	simm.s32 $0x15F90;
	s10 =	sadd.s32 s3, s23;
	[dreg:$0x9] =	wrdreg s24  }
0x17: {  	s22 =	simm.s32 $0x15FE0;
	s9 =	sadd.s32 s7, s25;
	[dreg:$0xa] =	wrdreg s10  }
0x18: {  	s14 =	sadd.s32 $0x50, s12;
	s0 =	sshrl.u32 s28, $0x3;
	[dreg:$0xb] =	wrdreg s9  }
0x19: {  	v0 =	vimm.f32 $0.0e+00;
	vm0 =	vcmask $0x300;
	s12 =	simm.s32 $0x8;
	s24 =	simm.s32 $0x15FB8;
	[dreg:$0xe] =	wrdreg s0  }
0x1a: {  	v1 =	vsel vm0, $0x3F800000, v0;
	s0 =	simm.s32 $0x2;
	s9 =	simm.s32 $0x5;
	s10 =	simm.s32 $0x3  }
.LBB2_1:
0x1b: {  	[dreg:$0xf] =	wrdreg s11;
	s5 =	simm.s32 $0x0;
	s11 =	simm.s32 $0x240  }
.LBB2_2:
0x1c: {  	p0 =	sne.s32 s11, $0x3600;
	[tilespmem:s5+$0x1DDB0] =	vst v0  }
0x1d: {  	[tilespmem:s5+$0x1DD30] =	vst v0  }
0x1e: {  	[tilespmem:s5+$0x1DD40] =	vst v0  }
0x1f: {  	[tilespmem:s5+$0x1DD50] =	vst v0  }
.Ltmp0:
0x20: {  	[tilespmem:s5+$0x1DD60] =	vst v0;
	(pc) =	sbr.rel @p0 .LBB2_2-.Ltmp0, $4  }
0x21: {  	[tilespmem:s5+$0x1DD70] =	vst v0  }
0x22: {  	[tilespmem:s5+$0x1DD80] =	vst v0  }
0x23: {  	[tilespmem:s5+$0x1DD90] =	vst v0  }
0x24: {  	[tilespmem:s5+$0x1DDA0] =	vst v0;
	s5 =	sshra.s32 s11, $0x2;
	s11 =	sadd.s32 $0x240, s11  }
0x25: {  	[tilespmem:s5+$0x1DDB0] =	vst v0  }
0x26: {  	[tilespmem:s5+$0x1DD30] =	vst v0  }
0x27: {  	[tilespmem:s5+$0x1DD40] =	vst v0  }
0x28: {  	[tilespmem:s5+$0x1DD50] =	vst v0  }
0x29: {  	[tilespmem:s5+$0x1DD60] =	vst v0  }
0x2a: {  	[tilespmem:s5+$0x1DD70] =	vst v0  }
0x2b: {  	[tilespmem:s5+$0x1DD80] =	vst v0  }
0x2c: {  	[tilespmem:s5+$0x1DD90] =	vst v0  }
0x2d: {  	[tilespmem:s5+$0x1DDA0] =	vst v0;
	s31 =	sadd.s32 $0x0, s18  }
0x2e: {  	[spmem:s31] =	stream.linear.scatter [tilespmem:s19], [sflag:$0x9], $0xE10, $0x38;
	[tilespmem:$0x1EB40] =	vst v63  }
0x2f: {  	s5 =	simm.s32 $0x3840;
	_ =	swait.ge [sflag:s20], $0xE10  }
.LBB2_4:
0x30: {  	s11 =	sshra.s32 s5, $0x2;
	[sflag:s20] =	ssyncset.done $0x0;
	p0 =	sne.s32 s5, $0x54600  }
.Ltmp1:
0x31: {  	s11 =	sadd.s32 s11, s18;
	[sflag:s20] =	ssyncadd.s32 $0xFFFFF1F0;
	(pc) =	sbr.rel @p0 .LBB2_4-.Ltmp1, $3  }
0x32: {  	[spmem:s11] =	stream.linear.scatter [tilespmem:s19], [sflag:$0x9], $0xE10, $0x38;
	[tilespmem:$0x1EB40] =	vst v63  }
0x33: {  	s5 =	sadd.s32 $0x3840, s5;
	_ =	sdelay $0x1  }
0x34: {  	_ =	swait.ge [sflag:s20], $0xE10  }
0x35: {  	[sflag:s20] =	ssyncset.done $0x0  }
0x36: {  	s5 =	simm.s32 $0x240;
	s11 =	simm.s32 $0x0;
	[sflag:s20] =	ssyncadd.s32 $0xFFFFF1F0  }
.LBB2_6:
0x37: {  	p0 =	sne.s32 s5, $0x57C0;
	[tilespmem:s11+$0x1B0B0] =	vst v1;
	s23 =	smov.u32 s5;
	s5 =	sadd.s32 $0x240, s5  }
.Ltmp2:
0x38: {  	[tilespmem:s11+$0x1C730] =	vst v1;
	(pc) =	sbr.rel @p0 .LBB2_6-.Ltmp2, $2  }
0x39: {  	_ =	sdelay $0x2  }
0x3a: {  	s11 =	sshra.s32 s23, $0x2  }
0x3b: {  	[tilespmem:s11+$0x1B0B0] =	vst v1  }
0x3c: {  	[tilespmem:s11+$0x1C730] =	vst v1  }
0x3d: {  	[bflag:$0x0] =	sbarrier.arrive $0xFFFF  }
0x3e: {  	s25 =	simm.s32 $0x0;
	s5 =	rddreg [dreg:$0x6]  }
0x3f: {  	[tilespmem:s21], [sflag:$0x1] =	stream.linear.gather [hbm4b:s5+s25], $0x28, $0x38;
	[tilespmem:$0x1EB40] =	vst v63  }
0x40: {  	s11 =	rddreg [dreg:$0x7]  }
0x41: {  	[tilespmem:s22], [sflag:$0x3] =	stream.linear.gather [hbm4b:s11+s25], $0x28, $0x38;
	[tilespmem:$0x1EB40] =	vst v63  }
0x42: {  	s28 =	simm.s32 $0x16030;
	s23 =	rddreg [dreg:$0x8]  }
0x43: {  	[tilespmem:s28], [sflag:$0x5] =	stream.linear.gather [hbm4b:s23+s25], $0x1400, $0x38;
	[tilespmem:$0x1EB40] =	vst v63  }
0x44: {  	s31 =	rddreg [dreg:$0x9]  }
0x45: {  	[tilespmem:s24], [sflag:$0x2] =	stream.linear.gather [hbm4b:s31+s25], $0x28, $0x38;
	[tilespmem:$0x1EB40] =	vst v63  }
0x46: {  	s11 =	rddreg [dreg:$0xa]  }
0x47: {  	[tilespmem:s26], [sflag:$0x4] =	stream.linear.gather [hbm4b:s11+s25], $0x28, $0x38;
	[tilespmem:$0x1EB40] =	vst v63  }
0x48: {  	s23 =	rddreg [dreg:$0xb];
	s28 =	simm.s32 $0x17430  }
0x49: {  	[tilespmem:s28], [sflag:$0x6] =	stream.linear.gather [hbm4b:s23+s25], $0x1400, $0x38;
	[tilespmem:$0x1EB40] =	vst v63  }
0x4a: {  	_ =	swait.ge [sflag:s29], $0x28  }
0x4b: {  	[sflag:s29] =	ssyncset.done $0x0  }
0x4c: {  	s31 =	simm.s32 $0x18830;
	[sflag:s29] =	ssyncadd.s32 $0xFFFFFFD8  }
0x4d: {  	[tilespmem:s31], [sflag:$0x7] =	stream.indirect.gather [hbm4b:s1+s30], $0x80, s21, s30, $0xb8;
	[tilespmem:$0x1EB40] =	vst v63  }
.LBB2_8:
0x4e: {  	_ =	swait.ge [sflag:s0], $0x28  }
0x4f: {  	[sflag:s0] =	ssyncset.done $0x0  }
0x50: {  	s5 =	simm.s32 $0x19C30;
	[sflag:s0] =	ssyncadd.s32 $0xFFFFFFD8  }
0x51: {  	[tilespmem:s5], [sflag:$0x8] =	stream.indirect.gather [hbm4b:s1+s30], $0x80, s24, s30, $0xb8;
	[tilespmem:$0x1EB40] =	vst v63  }
0x52: {  	_ =	swait.ge [sflag:s8], $0x1400  }
0x53: {  	[sflag:s8] =	ssyncset.done $0x0  }
0x54: {  	[sflag:s8] =	ssyncadd.s32 $0xFFFFEC00  }
0x55: {  	_ =	swait.ge [sflag:s9], $0x1400  }
0x56: {  	[sflag:s9] =	ssyncset.done $0x0  }
0x57: {  	s11 =	simm.s32 $0x18A30;
	[sflag:s9] =	ssyncadd.s32 $0xFFFFEC00  }
0x58: {  	s23 =	simm.s32 $0x16230;
	v2 =	vld [tilespmem:s11+$0x180]  }
0x59: {  	v3 =	vld [tilespmem:s23+$0x180]  }
0x5a: {  	v4 =	vld [tilespmem:s23+$0xFFFFFE00]  }
0x5b: {  	v5 =	vld [tilespmem:s11+$0xFFFFFE80]  }
0x5c: {  	v6 =	vld [tilespmem:s23+$0xFFFFFE80]  }
0x5d: {  	v7 =	vld [tilespmem:s11+$0xFFFFFF00]  }
0x5e: {  	v8 =	vld [tilespmem:s23+$0xFFFFFF00]  }
0x5f: {  	v9 =	vld [tilespmem:s23+$0xFFFFFF80]  }
0x60: {  	v11 =	vld [tilespmem:s11+$0x0]  }
0x61: {  	v12 =	vld [tilespmem:s23+$0x0];
	v2 =	vmul.f32 v3, v2  }
0x62: {  	s28 =	simm.s32 $0x1B270;
	v13 =	vld [tilespmem:s11+$0x80]  }
0x63: {  	v3 =	vld [tilespmem:s11+$0xFFFFFF80];
	[tilespmem:s28+$0x1B0] =	vst v2  }
0x64: {  	v2 =	vld [tilespmem:s11+$0x190]  }
0x65: {  	v10 =	vld [tilespmem:s23+$0x190]  }
0x66: {  	v5 =	vmul.f32 v6, v5;
	v6 =	vld [tilespmem:s11+$0xFFFFFE00]  }
0x67: {  	v14 =	vld [tilespmem:s23+$0x80]  }
0x68: {  	v15 =	vld [tilespmem:s11+$0x100];
	[tilespmem:s28+$0xFFFFFE50] =	vst v5;
	v5 =	vmul.f32 v8, v7  }
0x69: {  	v8 =	vld [tilespmem:s11+$0xFFFFFE90];
	v3 =	vmul.f32 v9, v3  }
0x6a: {  	[tilespmem:s28+$0xFFFFFEE0] =	vst v5;
	v5 =	vld [tilespmem:s23+$0xFFFFFE90];
	v2 =	vmul.f32 v10, v2  }
0x6b: {  	v4 =	vmul.f32 v4, v6;
	v6 =	vld [tilespmem:s11+$0xFFFFFF10];
	[tilespmem:s28+$0xFFFFFF70] =	vst v3  }
0x6c: {  	v3 =	vld [tilespmem:s23+$0xFFFFFF10];
	[tilespmem:s28+$0x1C0] =	vst v2  }
0x6d: {  	v2 =	vld [tilespmem:s11+$0x1A0]  }
0x6e: {  	v7 =	vld [tilespmem:s23+$0x1A0]  }
0x6f: {  	[tilespmem:s28+$0xFFFFFDC0] =	vst v4;
	v4 =	vld [tilespmem:s11+$0xFFFFFF90]  }
0x70: {  	v39 =	vld [tilespmem:s23+$0xFFFFFF90]  }
0x71: {  	v10 =	vld [tilespmem:s23+$0x100];
	v5 =	vmul.f32 v5, v8  }
0x72: {  	v9 =	vld [tilespmem:s23+$0xFFFFFE10];
	v3 =	vmul.f32 v3, v6  }
0x73: {  	[tilespmem:s28+$0xFFFFFE60] =	vst v5;
	v2 =	vmul.f32 v7, v2;
	v7 =	vld [tilespmem:s11+$0xFFFFFE10]  }
0x74: {  	v6 =	vld [tilespmem:s11+$0xFFFFFEA0];
	[tilespmem:s28+$0xFFFFFEF0] =	vst v3  }
0x75: {  	v3 =	vmul.f32 v39, v4;
	v4 =	vld [tilespmem:s23+$0xFFFFFEA0];
	[tilespmem:s28+$0x1D0] =	vst v2;
	v2 =	vmul.f32 v12, v11  }
0x76: {  	v11 =	vld [tilespmem:s11+$0x1B0]  }
0x77: {  	v38 =	vld [tilespmem:s23+$0x1B0];
	[tilespmem:s28+$0x0] =	vst v2;
	v2 =	vmul.f32 v14, v13  }
0x78: {  	v43 =	vld [tilespmem:s11+$0xFFFFFF20];
	[tilespmem:s28+$0xFFFFFF80] =	vst v3;
	v7 =	vmul.f32 v9, v7  }
0x79: {  	v3 =	vld [tilespmem:s23+$0xFFFFFF20];
	[tilespmem:s28+$0x90] =	vst v2;
	v2 =	vmul.f32 v10, v15  }
0x7a: {  	v41 =	vld [tilespmem:s11+$0x90];
	[tilespmem:s28+$0xFFFFFDD0] =	vst v7  }
0x7b: {  	[tilespmem:s28+$0x120] =	vst v2;
	v2 =	vld [tilespmem:s23+$0x90]  }
0x7c: {  	v11 =	vmul.f32 v38, v11;
	v8 =	vld [tilespmem:s11+$0xFFFFFE20]  }
0x7d: {  	v5 =	vld [tilespmem:s23+$0xFFFFFE20]  }
0x7e: {  	v42 =	vld [tilespmem:s11+$0x110];
	[tilespmem:s28+$0x1E0] =	vst v11  }
0x7f: {  	v11 =	vld [tilespmem:s11+$0x1C0]  }
0x80: {  	v7 =	vld [tilespmem:s23+$0x1C0]  }
0x81: {  	v4 =	vmul.f32 v4, v6;
	v9 =	vld [tilespmem:s23+$0x110]  }
0x82: {  	v40 =	vld [tilespmem:s11+$0x10]  }
0x83: {  	[tilespmem:s28+$0xFFFFFE70] =	vst v4;
	v10 =	vld [tilespmem:s23+$0x10];
	v2 =	vmul.f32 v2, v41  }
0x84: {  	v48 =	vld [tilespmem:s11+$0xFFFFFEB0];
	v5 =	vmul.f32 v5, v8  }
0x85: {  	[tilespmem:s28+$0xA0] =	vst v2;
	v7 =	vmul.f32 v7, v11;
	v11 =	vld [tilespmem:s11+$0xFFFFFFA0]  }
0x86: {  	v2 =	vmul.f32 v9, v42;
	[tilespmem:s28+$0xFFFFFDE0] =	vst v5;
	v46 =	vld [tilespmem:s11+$0xA0]  }
0x87: {  	v6 =	vld [tilespmem:s11+$0xFFFFFE30]  }
0x88: {  	v4 =	vld [tilespmem:s23+$0xFFFFFE30];
	[tilespmem:s28+$0x130] =	vst v2  }
0x89: {  	v2 =	vld [tilespmem:s23+$0xA0];
	[tilespmem:s28+$0x1F0] =	vst v7  }
0x8a: {  	v7 =	vmul.f32 v10, v40;
	v10 =	vld [tilespmem:s11+$0x1D0]  }
0x8b: {  	v44 =	vld [tilespmem:s23+$0x1D0]  }
0x8c: {  	[tilespmem:s28+$0x10] =	vst v7;
	v7 =	vld [tilespmem:s23+$0xFFFFFFA0]  }
0x8d: {  	v47 =	vld [tilespmem:s11+$0x120]  }
0x8e: {  	v8 =	vld [tilespmem:s23+$0x120]  }
0x8f: {  	v3 =	vmul.f32 v3, v43;
	v45 =	vld [tilespmem:s11+$0x20]  }
0x90: {  	v9 =	vld [tilespmem:s23+$0x20];
	v2 =	vmul.f32 v2, v46  }
0x91: {  	[tilespmem:s28+$0xFFFFFF00] =	vst v3;
	v10 =	vmul.f32 v44, v10;
	v3 =	vmul.f32 v7, v11;
	v7 =	vld [tilespmem:s23+$0xFFFFFEB0]  }
0x92: {  	[tilespmem:s28+$0xB0] =	vst v2;
	v11 =	vld [tilespmem:s11+$0xFFFFFF30]  }
0x93: {  	v51 =	vld [tilespmem:s11+$0xB0];
	[tilespmem:s28+$0x200] =	vst v10  }
0x94: {  	v2 =	vmul.f32 v8, v47;
	v10 =	vld [tilespmem:s11+$0x1E0]  }
0x95: {  	v5 =	vld [tilespmem:s23+$0x1E0]  }
0x96: {  	[tilespmem:s28+$0x140] =	vst v2;
	v2 =	vmul.f32 v4, v6;
	v4 =	vld [tilespmem:s23+$0xB0]  }
0x97: {  	[tilespmem:s28+$0xFFFFFF90] =	vst v3;
	v3 =	vld [tilespmem:s23+$0xFFFFFF30]  }
0x98: {  	v6 =	vld [tilespmem:s11+$0x130];
	[tilespmem:s28+$0xFFFFFDF0] =	vst v2  }
0x99: {  	v52 =	vld [tilespmem:s11+$0xFFFFFE40];
	v2 =	vmul.f32 v7, v48  }
0x9a: {  	v7 =	vld [tilespmem:s23+$0x130];
	v5 =	vmul.f32 v5, v10  }
0x9b: {  	v10 =	vld [tilespmem:s11+$0xFFFFFFB0];
	[tilespmem:s28+$0xFFFFFE80] =	vst v2  }
0x9c: {  	v2 =	vmul.f32 v3, v11;
	v3 =	vld [tilespmem:s23+$0xFFFFFE40];
	[tilespmem:s28+$0x210] =	vst v5;
	v5 =	vmul.f32 v9, v45  }
0x9d: {  	v11 =	vld [tilespmem:s11+$0xFFFFFEC0]  }
0x9e: {  	[tilespmem:s28+$0x20] =	vst v5;
	v5 =	vld [tilespmem:s23+$0xFFFFFFB0]  }
0x9f: {  	v50 =	vld [tilespmem:s11+$0x30]  }
0xa0: {  	v8 =	vld [tilespmem:s23+$0x30]  }
0xa1: {  	v9 =	vld [tilespmem:s11+$0x1F0]  }
0xa2: {  	v49 =	vld [tilespmem:s23+$0x1F0]  }
0xa3: {  	[tilespmem:s28+$0xFFFFFF10] =	vst v2;
	v2 =	vmul.f32 v5, v10;
	v5 =	vld [tilespmem:s23+$0xFFFFFEC0]  }
0xa4: {  	v10 =	vld [tilespmem:s11+$0xFFFFFF40]  }
0xa5: {  	[tilespmem:s28+$0xFFFFFFA0] =	vst v2;
	v2 =	vmul.f32 v8, v50;
	v8 =	vld [tilespmem:s23+$0xFFFFFF40]  }
0xa6: {  	v3 =	vmul.f32 v3, v52;
	v53 =	vld [tilespmem:s11+$0xFFFFFFC0]  }
0xa7: {  	[tilespmem:s28+$0x30] =	vst v2;
	v2 =	vmul.f32 v4, v51;
	v4 =	vld [tilespmem:s23+$0xFFFFFFC0]  }
0xa8: {  	[tilespmem:s28+$0xFFFFFE00] =	vst v3;
	v54 =	vld [tilespmem:s11+$0x40]  }
0xa9: {  	v3 =	vmul.f32 v5, v11;
	v11 =	vld [tilespmem:s11+$0xFFFFFE50]  }
0xaa: {  	[tilespmem:s28+$0xC0] =	vst v2;
	v2 =	vmul.f32 v7, v6;
	v6 =	vld [tilespmem:s23+$0x40]  }
0xab: {  	v7 =	vld [tilespmem:s11+$0xC0]  }
0xac: {  	[tilespmem:s28+$0xFFFFFE90] =	vst v3;
	v3 =	vmul.f32 v8, v10;
	v8 =	vld [tilespmem:s23+$0xFFFFFE50]  }
0xad: {  	[tilespmem:s28+$0x150] =	vst v2;
	v2 =	vld [tilespmem:s23+$0xC0]  }
0xae: {  	v10 =	vld [tilespmem:s11+$0xFFFFFED0]  }
0xaf: {  	v55 =	vld [tilespmem:s11+$0x140]  }
0xb0: {  	v5 =	vld [tilespmem:s23+$0x140]  }
0xb1: {  	[tilespmem:s28+$0xFFFFFF20] =	vst v3;
	v3 =	vmul.f32 v4, v53;
	v4 =	vld [tilespmem:s23+$0xFFFFFED0]  }
0xb2: {  	v56 =	vld [tilespmem:s11+$0xFFFFFF50]  }
0xb3: {  	[tilespmem:s28+$0xFFFFFFB0] =	vst v3;
	v3 =	vmul.f32 v6, v54;
	v6 =	vld [tilespmem:s23+$0xFFFFFF50]  }
0xb4: {  	v57 =	vld [tilespmem:s11+$0xFFFFFFD0];
	v8 =	vmul.f32 v8, v11  }
0xb5: {  	[tilespmem:s28+$0x40] =	vst v3;
	v2 =	vmul.f32 v2, v7;
	v3 =	vld [tilespmem:s23+$0xFFFFFFD0]  }
0xb6: {  	v7 =	vld [tilespmem:s11+$0x50];
	[tilespmem:s28+$0xFFFFFE10] =	vst v8  }
0xb7: {  	[tilespmem:s28+$0xD0] =	vst v2;
	v2 =	vmul.f32 v5, v55;
	v5 =	vld [tilespmem:s23+$0x50]  }
0xb8: {  	v4 =	vmul.f32 v4, v10;
	v10 =	vld [tilespmem:s11+$0xFFFFFE60]  }
0xb9: {  	v58 =	vld [tilespmem:s11+$0xD0]  }
0xba: {  	[tilespmem:s28+$0xFFFFFEA0] =	vst v4;
	v4 =	vmul.f32 v6, v56;
	v6 =	vld [tilespmem:s23+$0xFFFFFE60]  }
0xbb: {  	[tilespmem:s28+$0x160] =	vst v2;
	v2 =	vld [tilespmem:s23+$0xD0]  }
0xbc: {  	v59 =	vld [tilespmem:s11+$0xFFFFFEE0]  }
0xbd: {  	v11 =	vld [tilespmem:s11+$0x150]  }
0xbe: {  	v8 =	vld [tilespmem:s23+$0x150]  }
0xbf: {  	[tilespmem:s28+$0xFFFFFF30] =	vst v4;
	v3 =	vmul.f32 v3, v57;
	v4 =	vld [tilespmem:s23+$0xFFFFFEE0]  }
0xc0: {  	v60 =	vld [tilespmem:s11+$0xFFFFFF60]  }
0xc1: {  	[tilespmem:s28+$0xFFFFFFC0] =	vst v3;
	v3 =	vmul.f32 v5, v7;
	v5 =	vld [tilespmem:s23+$0xFFFFFF60]  }
0xc2: {  	v7 =	vld [tilespmem:s11+$0xFFFFFFE0];
	v6 =	vmul.f32 v6, v10  }
0xc3: {  	[tilespmem:s28+$0x50] =	vst v3;
	v2 =	vmul.f32 v2, v58;
	v3 =	vld [tilespmem:s23+$0xFFFFFFE0]  }
0xc4: {  	v61 =	vld [tilespmem:s11+$0x60];
	[tilespmem:s28+$0xFFFFFE20] =	vst v6  }
0xc5: {  	[tilespmem:s28+$0xE0] =	vst v2;
	v2 =	vmul.f32 v8, v11;
	v8 =	vld [tilespmem:s23+$0x60]  }
0xc6: {  	v4 =	vmul.f32 v4, v59;
	v62 =	vld [tilespmem:s11+$0xFFFFFE70]  }
0xc7: {  	v11 =	vld [tilespmem:s11+$0xE0]  }
0xc8: {  	[tilespmem:s28+$0xFFFFFEB0] =	vst v4;
	v4 =	vmul.f32 v5, v60;
	v5 =	vld [tilespmem:s23+$0xFFFFFE70]  }
0xc9: {  	[tilespmem:s28+$0x170] =	vst v2;
	v2 =	vld [tilespmem:s23+$0xE0]  }
0xca: {  	v63 =	vld [tilespmem:s11+$0xFFFFFEF0]  }
0xcb: {  	v10 =	vld [tilespmem:s11+$0x160]  }
0xcc: {  	v6 =	vld [tilespmem:s23+$0x160]  }
0xcd: {  	[tilespmem:s28+$0xFFFFFF40] =	vst v4;
	v3 =	vmul.f32 v3, v7;
	v7 =	vld [tilespmem:s23+$0xFFFFFEF0]  }
0xce: {  	v16 =	vld [tilespmem:s11+$0xFFFFFF70]  }
0xcf: {  	[tilespmem:s28+$0xFFFFFFD0] =	vst v3;
	v3 =	vmul.f32 v8, v61;
	v8 =	vld [tilespmem:s23+$0xFFFFFF70]  }
0xd0: {  	v4 =	vmul.f32 v49, v9;
	v9 =	vld [tilespmem:s11+$0xFFFFFFF0]  }
0xd1: {  	[tilespmem:s28+$0x60] =	vst v3;
	v3 =	vmul.f32 v2, v11;
	v11 =	vld [tilespmem:s23+$0xFFFFFFF0]  }
0xd2: {  	[tilespmem:s28+$0x220] =	vst v4;
	v5 =	vmul.f32 v5, v62;
	v2 =	vld [tilespmem:s11+$0x70]  }
0xd3: {  	v6 =	vmul.f32 v6, v10;
	v4 =	vld [tilespmem:s23+$0x70];
	[tilespmem:s28+$0xF0] =	vst v3  }
0xd4: {  	[tilespmem:s28+$0xFFFFFE30] =	vst v5;
	v3 =	vld [tilespmem:s11+$0xF0];
	v8 =	vmul.f32 v8, v16  }
0xd5: {  	v7 =	vmul.f32 v7, v63;
	[tilespmem:s28+$0x180] =	vst v6;
	v6 =	vld [tilespmem:s23+$0xF0]  }
0xd6: {  	v5 =	vld [tilespmem:s11+$0x170];
	[tilespmem:s28+$0xFFFFFF50] =	vst v8;
	v8 =	vmul.f32 v11, v9  }
0xd7: {  	s31 =	simm.s32 $0x0;
	s5 =	simm.s32 $0x18E30;
	[tilespmem:s28+$0xFFFFFEC0] =	vst v7;
	v7 =	vld [tilespmem:s23+$0x170]  }
.LBB2_9:
0xd8: {  	v9 =	vld [tilespmem:s5+$0x180];
	[tilespmem:s28+$0xFFFFFFE0] =	vst v8;
	v2 =	vmul.f32 v4, v2;
	s23 =	sadd.s32 $0x400, s23  }
0xd9: {  	v4 =	vld [tilespmem:s23+$0x180]  }
0xda: {  	v8 =	vld [tilespmem:s23+$0xFFFFFE00];
	[tilespmem:s28+$0x70] =	vst v2;
	v2 =	vmul.f32 v6, v3  }
0xdb: {  	v3 =	vld [tilespmem:s5+$0xFFFFFE80]  }
0xdc: {  	v6 =	vld [tilespmem:s23+$0xFFFFFE80];
	[tilespmem:s28+$0x100] =	vst v2;
	v2 =	vmul.f32 v7, v5  }
0xdd: {  	v5 =	vld [tilespmem:s5+$0xFFFFFF00]  }
0xde: {  	v7 =	vld [tilespmem:s23+$0xFFFFFF00];
	v4 =	vmul.f32 v4, v9;
	[tilespmem:s28+$0x190] =	vst v2  }
0xdf: {  	s28 =	sadd.s32 $0x480, s28;
	v2 =	vld [tilespmem:s5+$0xFFFFFF80]  }
0xe0: {  	s31 =	sadd.s32 $0x8, s31;
	v9 =	vld [tilespmem:s23+$0xFFFFFF80];
	[tilespmem:s28+$0x1B0] =	vst v4  }
0xe1: {  	p0 =	slt.u32 s31, $0x20;
	v3 =	vmul.f32 v6, v3;
	v4 =	vld [tilespmem:s5+$0x190]  }
0xe2: {  	v6 =	vld [tilespmem:s23+$0x190]  }
0xe3: {  	[tilespmem:s28+$0xFFFFFE50] =	vst v3;
	v3 =	vmul.f32 v7, v5;
	v5 =	vld [tilespmem:s5+$0x0]  }
0xe4: {  	v7 =	vld [tilespmem:s23+$0x0]  }
0xe5: {  	[tilespmem:s28+$0xFFFFFEE0] =	vst v3;
	v2 =	vmul.f32 v9, v2;
	v3 =	vld [tilespmem:s5+$0x80]  }
0xe6: {  	v9 =	vld [tilespmem:s23+$0x80]  }
0xe7: {  	[tilespmem:s28+$0xFFFFFF70] =	vst v2;
	v2 =	vld [tilespmem:s5+$0x100];
	v4 =	vmul.f32 v6, v4  }
0xe8: {  	v6 =	vld [tilespmem:s23+$0x100]  }
0xe9: {  	v10 =	vld [tilespmem:s5+$0xFFFFFE00];
	v5 =	vmul.f32 v7, v5;
	[tilespmem:s28+$0x1C0] =	vst v4  }
0xea: {  	v4 =	vld [tilespmem:s5+$0x1A0]  }
0xeb: {  	[tilespmem:s28+$0x0] =	vst v5;
	v3 =	vmul.f32 v9, v3;
	v5 =	vld [tilespmem:s23+$0x1A0]  }
0xec: {  	v7 =	vld [tilespmem:s5+$0xFFFFFE90]  }
0xed: {  	v9 =	vld [tilespmem:s23+$0xFFFFFE90];
	[tilespmem:s28+$0x90] =	vst v3;
	v2 =	vmul.f32 v6, v2  }
0xee: {  	v3 =	vmul.f32 v8, v10;
	v6 =	vld [tilespmem:s5+$0xFFFFFF10]  }
0xef: {  	v8 =	vld [tilespmem:s23+$0xFFFFFF10];
	[tilespmem:s28+$0x120] =	vst v2  }
0xf0: {  	[tilespmem:s28+$0xFFFFFDC0] =	vst v3;
	v2 =	vld [tilespmem:s5+$0xFFFFFF90];
	v3 =	vmul.f32 v5, v4  }
0xf1: {  	v4 =	vld [tilespmem:s5+$0xFFFFFE10]  }
0xf2: {  	v5 =	vld [tilespmem:s23+$0xFFFFFE10];
	v7 =	vmul.f32 v9, v7;
	[tilespmem:s28+$0x1D0] =	vst v3  }
0xf3: {  	v3 =	vld [tilespmem:s5+$0x1B0]  }
0xf4: {  	[tilespmem:s28+$0xFFFFFE60] =	vst v7;
	v6 =	vmul.f32 v8, v6;
	v7 =	vld [tilespmem:s23+$0x1B0]  }
0xf5: {  	v8 =	vld [tilespmem:s23+$0xFFFFFF90]  }
0xf6: {  	[tilespmem:s28+$0xFFFFFEF0] =	vst v6;
	v6 =	vld [tilespmem:s5+$0x10]  }
0xf7: {  	v4 =	vmul.f32 v5, v4;
	v5 =	vld [tilespmem:s23+$0x10]  }
0xf8: {  	v9 =	vld [tilespmem:s5+$0x90]  }
0xf9: {  	[tilespmem:s28+$0xFFFFFDD0] =	vst v4;
	v4 =	vld [tilespmem:s23+$0x90];
	v3 =	vmul.f32 v7, v3  }
0xfa: {  	v2 =	vmul.f32 v8, v2;
	v7 =	vld [tilespmem:s5+$0x110]  }
0xfb: {  	v8 =	vld [tilespmem:s23+$0x110];
	[tilespmem:s28+$0x1E0] =	vst v3  }
0xfc: {  	[tilespmem:s28+$0xFFFFFF80] =	vst v2;
	v2 =	vmul.f32 v5, v6;
	v3 =	vld [tilespmem:s5+$0x1C0]  }
0xfd: {  	v5 =	vld [tilespmem:s23+$0x1C0]  }
0xfe: {  	v6 =	vld [tilespmem:s5+$0xFFFFFE20];
	[tilespmem:s28+$0x10] =	vst v2;
	v2 =	vmul.f32 v4, v9  }
0xff: {  	v4 =	vld [tilespmem:s23+$0xFFFFFE20]  }
0x100: {  	v9 =	vld [tilespmem:s5+$0xFFFFFEA0];
	[tilespmem:s28+$0xA0] =	vst v2;
	v2 =	vmul.f32 v8, v7  }
0x101: {  	v7 =	vld [tilespmem:s23+$0xFFFFFEA0]  }
0x102: {  	v8 =	vld [tilespmem:s5+$0xFFFFFF20];
	[tilespmem:s28+$0x130] =	vst v2;
	v2 =	vmul.f32 v5, v3  }
0x103: {  	v3 =	vld [tilespmem:s23+$0xFFFFFF20]  }
0x104: {  	v4 =	vmul.f32 v4, v6;
	v5 =	vld [tilespmem:s5+$0xFFFFFFA0];
	[tilespmem:s28+$0x1F0] =	vst v2  }
0x105: {  	v2 =	vld [tilespmem:s5+$0x1D0]  }
0x106: {  	[tilespmem:s28+$0xFFFFFDE0] =	vst v4;
	v4 =	vmul.f32 v7, v9;
	v6 =	vld [tilespmem:s23+$0x1D0]  }
0x107: {  	v7 =	vld [tilespmem:s23+$0xFFFFFFA0]  }
0x108: {  	[tilespmem:s28+$0xFFFFFE70] =	vst v4;
	v3 =	vmul.f32 v3, v8;
	v4 =	vld [tilespmem:s5+$0x20]  }
0x109: {  	v8 =	vld [tilespmem:s23+$0x20]  }
0x10a: {  	[tilespmem:s28+$0xFFFFFF00] =	vst v3;
	v3 =	vld [tilespmem:s5+$0xA0]  }
0x10b: {  	v9 =	vld [tilespmem:s23+$0xA0];
	v2 =	vmul.f32 v6, v2  }
0x10c: {  	v5 =	vmul.f32 v7, v5;
	v6 =	vld [tilespmem:s5+$0x120]  }
0x10d: {  	v7 =	vld [tilespmem:s23+$0x120];
	[tilespmem:s28+$0x200] =	vst v2  }
0x10e: {  	[tilespmem:s28+$0xFFFFFF90] =	vst v5;
	v2 =	vmul.f32 v8, v4;
	v4 =	vld [tilespmem:s5+$0x1E0]  }
0x10f: {  	v5 =	vld [tilespmem:s23+$0x1E0]  }
0x110: {  	v8 =	vld [tilespmem:s5+$0xFFFFFE30];
	[tilespmem:s28+$0x20] =	vst v2;
	v2 =	vmul.f32 v9, v3  }
0x111: {  	v3 =	vld [tilespmem:s23+$0xFFFFFE30]  }
0x112: {  	v9 =	vld [tilespmem:s5+$0xFFFFFEB0];
	[tilespmem:s28+$0xB0] =	vst v2;
	v2 =	vmul.f32 v7, v6  }
0x113: {  	v6 =	vld [tilespmem:s23+$0xFFFFFEB0]  }
0x114: {  	v7 =	vld [tilespmem:s5+$0xFFFFFF30];
	[tilespmem:s28+$0x140] =	vst v2;
	v2 =	vmul.f32 v5, v4  }
0x115: {  	v4 =	vld [tilespmem:s23+$0xFFFFFF30]  }
0x116: {  	v3 =	vmul.f32 v3, v8;
	v5 =	vld [tilespmem:s5+$0xFFFFFFB0];
	[tilespmem:s28+$0x210] =	vst v2  }
0x117: {  	v2 =	vld [tilespmem:s5+$0x1F0]  }
0x118: {  	[tilespmem:s28+$0xFFFFFDF0] =	vst v3;
	v3 =	vmul.f32 v6, v9;
	v6 =	vld [tilespmem:s23+$0x1F0]  }
0x119: {  	v8 =	vld [tilespmem:s23+$0xFFFFFFB0]  }
0x11a: {  	[tilespmem:s28+$0xFFFFFE80] =	vst v3;
	v3 =	vmul.f32 v4, v7;
	v4 =	vld [tilespmem:s5+$0x30]  }
0x11b: {  	v7 =	vld [tilespmem:s23+$0x30]  }
0x11c: {  	[tilespmem:s28+$0xFFFFFF10] =	vst v3;
	v3 =	vld [tilespmem:s5+$0xB0]  }
0x11d: {  	v9 =	vld [tilespmem:s23+$0xB0];
	v2 =	vmul.f32 v6, v2  }
0x11e: {  	v5 =	vmul.f32 v8, v5;
	v6 =	vld [tilespmem:s5+$0x130]  }
0x11f: {  	v8 =	vld [tilespmem:s23+$0x130];
	[tilespmem:s28+$0x220] =	vst v2  }
0x120: {  	v2 =	vld [tilespmem:s5+$0xFFFFFE40];
	[tilespmem:s28+$0xFFFFFFA0] =	vst v5;
	v4 =	vmul.f32 v7, v4  }
0x121: {  	v5 =	vld [tilespmem:s23+$0xFFFFFE40]  }
0x122: {  	v7 =	vld [tilespmem:s5+$0xFFFFFEC0];
	[tilespmem:s28+$0x30] =	vst v4;
	v3 =	vmul.f32 v9, v3  }
0x123: {  	v4 =	vld [tilespmem:s23+$0xFFFFFEC0]  }
0x124: {  	v9 =	vld [tilespmem:s5+$0xFFFFFF40];
	[tilespmem:s28+$0xC0] =	vst v3;
	v3 =	vmul.f32 v8, v6  }
0x125: {  	v6 =	vld [tilespmem:s23+$0xFFFFFF40]  }
0x126: {  	v2 =	vmul.f32 v5, v2;
	v5 =	vld [tilespmem:s5+$0xFFFFFFC0];
	[tilespmem:s28+$0x150] =	vst v3  }
0x127: {  	v3 =	vld [tilespmem:s23+$0xFFFFFFC0]  }
0x128: {  	[tilespmem:s28+$0xFFFFFE00] =	vst v2;
	v2 =	vmul.f32 v4, v7;
	v4 =	vld [tilespmem:s5+$0x40]  }
0x129: {  	v7 =	vld [tilespmem:s23+$0x40]  }
0x12a: {  	[tilespmem:s28+$0xFFFFFE90] =	vst v2;
	v2 =	vmul.f32 v6, v9;
	v6 =	vld [tilespmem:s5+$0xC0]  }
0x12b: {  	v8 =	vld [tilespmem:s23+$0xC0]  }
0x12c: {  	[tilespmem:s28+$0xFFFFFF20] =	vst v2;
	v2 =	vmul.f32 v3, v5;
	v3 =	vld [tilespmem:s5+$0x140]  }
0x12d: {  	v5 =	vld [tilespmem:s23+$0x140]  }
0x12e: {  	v9 =	vld [tilespmem:s5+$0xFFFFFE50];
	[tilespmem:s28+$0xFFFFFFB0] =	vst v2;
	v2 =	vmul.f32 v7, v4  }
0x12f: {  	v4 =	vld [tilespmem:s23+$0xFFFFFE50]  }
0x130: {  	v7 =	vld [tilespmem:s5+$0xFFFFFED0];
	[tilespmem:s28+$0x40] =	vst v2;
	v2 =	vmul.f32 v8, v6  }
0x131: {  	v6 =	vld [tilespmem:s23+$0xFFFFFED0]  }
0x132: {  	v8 =	vld [tilespmem:s5+$0xFFFFFF50];
	[tilespmem:s28+$0xD0] =	vst v2;
	v2 =	vmul.f32 v5, v3  }
0x133: {  	v3 =	vld [tilespmem:s23+$0xFFFFFF50]  }
0x134: {  	v4 =	vmul.f32 v4, v9;
	v5 =	vld [tilespmem:s5+$0xFFFFFFD0];
	[tilespmem:s28+$0x160] =	vst v2  }
0x135: {  	v2 =	vld [tilespmem:s23+$0xFFFFFFD0]  }
0x136: {  	[tilespmem:s28+$0xFFFFFE10] =	vst v4;
	v4 =	vmul.f32 v6, v7;
	v6 =	vld [tilespmem:s5+$0x50]  }
0x137: {  	v7 =	vld [tilespmem:s23+$0x50]  }
0x138: {  	[tilespmem:s28+$0xFFFFFEA0] =	vst v4;
	v3 =	vmul.f32 v3, v8;
	v4 =	vld [tilespmem:s5+$0xD0]  }
0x139: {  	v8 =	vld [tilespmem:s23+$0xD0]  }
0x13a: {  	[tilespmem:s28+$0xFFFFFF30] =	vst v3;
	v2 =	vmul.f32 v2, v5;
	v3 =	vld [tilespmem:s5+$0x150]  }
0x13b: {  	v5 =	vld [tilespmem:s23+$0x150]  }
0x13c: {  	v9 =	vld [tilespmem:s5+$0xFFFFFE60];
	[tilespmem:s28+$0xFFFFFFC0] =	vst v2;
	v2 =	vmul.f32 v7, v6  }
0x13d: {  	v6 =	vld [tilespmem:s23+$0xFFFFFE60]  }
0x13e: {  	v7 =	vld [tilespmem:s5+$0xFFFFFEE0];
	[tilespmem:s28+$0x50] =	vst v2;
	v2 =	vmul.f32 v8, v4  }
0x13f: {  	v4 =	vld [tilespmem:s23+$0xFFFFFEE0]  }
0x140: {  	v8 =	vld [tilespmem:s5+$0xFFFFFF60];
	[tilespmem:s28+$0xE0] =	vst v2;
	v2 =	vmul.f32 v5, v3  }
0x141: {  	v3 =	vld [tilespmem:s23+$0xFFFFFF60]  }
0x142: {  	v5 =	vmul.f32 v6, v9;
	v6 =	vld [tilespmem:s5+$0xFFFFFFE0];
	[tilespmem:s28+$0x170] =	vst v2  }
0x143: {  	v2 =	vld [tilespmem:s23+$0xFFFFFFE0]  }
0x144: {  	[tilespmem:s28+$0xFFFFFE20] =	vst v5;
	v4 =	vmul.f32 v4, v7;
	v5 =	vld [tilespmem:s5+$0x60]  }
0x145: {  	v7 =	vld [tilespmem:s23+$0x60]  }
0x146: {  	[tilespmem:s28+$0xFFFFFEB0] =	vst v4;
	v3 =	vmul.f32 v3, v8;
	v4 =	vld [tilespmem:s5+$0xE0]  }
0x147: {  	v8 =	vld [tilespmem:s23+$0xE0]  }
0x148: {  	[tilespmem:s28+$0xFFFFFF40] =	vst v3;
	v2 =	vmul.f32 v2, v6;
	v3 =	vld [tilespmem:s5+$0x160]  }
0x149: {  	v6 =	vld [tilespmem:s23+$0x160]  }
0x14a: {  	v9 =	vld [tilespmem:s5+$0xFFFFFE70];
	[tilespmem:s28+$0xFFFFFFD0] =	vst v2;
	v2 =	vmul.f32 v7, v5  }
0x14b: {  	v5 =	vld [tilespmem:s23+$0xFFFFFE70]  }
0x14c: {  	v7 =	vld [tilespmem:s5+$0xFFFFFEF0];
	[tilespmem:s28+$0x60] =	vst v2;
	v2 =	vmul.f32 v8, v4  }
0x14d: {  	v4 =	vld [tilespmem:s23+$0xFFFFFEF0]  }
0x14e: {  	v8 =	vld [tilespmem:s5+$0xFFFFFF70];
	[tilespmem:s28+$0xF0] =	vst v2;
	v2 =	vmul.f32 v6, v3  }
0x14f: {  	v3 =	vld [tilespmem:s23+$0xFFFFFF70]  }
0x150: {  	v5 =	vmul.f32 v5, v9;
	v9 =	vld [tilespmem:s5+$0xFFFFFFF0];
	[tilespmem:s28+$0x180] =	vst v2  }
0x151: {  	v10 =	vld [tilespmem:s23+$0xFFFFFFF0]  }
0x152: {  	[tilespmem:s28+$0xFFFFFE30] =	vst v5;
	v5 =	vmul.f32 v4, v7;
	v2 =	vld [tilespmem:s5+$0x70]  }
.Ltmp3:
0x153: {  	v4 =	vld [tilespmem:s23+$0x70];
	(pc) =	sbr.rel @p0 .LBB2_9-.Ltmp3, $4  }
0x154: {  	[tilespmem:s28+$0xFFFFFEC0] =	vst v5;
	v5 =	vmul.f32 v3, v8;
	v3 =	vld [tilespmem:s5+$0xF0]  }
0x155: {  	v6 =	vld [tilespmem:s23+$0xF0]  }
0x156: {  	[tilespmem:s28+$0xFFFFFF50] =	vst v5;
	v8 =	vmul.f32 v10, v9;
	v5 =	vld [tilespmem:s5+$0x170]  }
0x157: {  	s5 =	sadd.s32 $0x400, s5;
	v7 =	vld [tilespmem:s23+$0x170]  }
0x158: {  	_ =	sdelay $0x1  }
0x159: {  	v2 =	vmul.f32 v4, v2  }
0x15a: {  	[tilespmem:s28+$0xFFFFFFE0] =	vst v8;
	v3 =	vmul.f32 v6, v3  }
0x15b: {  	[tilespmem:s28+$0x70] =	vst v2;
	v2 =	vmul.f32 v7, v5  }
0x15c: {  	[tilespmem:s28+$0x100] =	vst v3  }
0x15d: {  	[tilespmem:s28+$0x190] =	vst v2  }
0x15e: {  	_ =	swait.ge [sflag:s10], $0x28  }
0x15f: {  	[sflag:s10] =	ssyncset.done $0x0  }
0x160: {  	s23 =	smul.u32 $0x50, s25;
	s5 =	simm.s32 $0x1B030;
	[sflag:s10] =	ssyncadd.s32 $0xFFFFFFD8  }
0x161: {  	[spmem:s4] =	stream.indirect.scatter.add.f32 [tilespmem:s5], [sflag:$0x9], $0x90, s22, s30, $0xb8;
	[tilespmem:$0x1EB40] =	vst v63  }
0x162: {  	s5 =	sadd.s32 s23, s14;
	_ =	swait.ge [sflag:s20], $0x1680  }
0x163: {  	s11 =	sshrl.u32 s5, $0x3;
	[sflag:s20] =	ssyncset.done $0x0  }
0x164: {  	s5 =	sshll.u32 s5, $0x4;
	s28 =	sadd.s32 s2, s11;
	[sflag:s20] =	ssyncadd.s32 $0xFFFFE980  }
0x165: {  	[tilespmem:s21], [sflag:$0x1] =	stream.linear.gather [hbm4b:s28+s6], $0x28, $0x38;
	[tilespmem:$0x1EB40] =	vst v63  }
0x166: {  	s11 =	sadd.s32 s3, s11;
	s5 =	sand.u32 $0x1FFFFF00, s5  }
0x167: {  	[tilespmem:s22], [sflag:$0x3] =	stream.linear.gather [hbm4b:s11+s6], $0x28, $0x38;
	[tilespmem:$0x1EB40] =	vst v63  }
0x168: {  	s5 =	sadd.s32 s7, s5;
	s11 =	simm.s32 $0x16030  }
0x169: {  	[tilespmem:s11], [sflag:$0x5] =	stream.linear.gather [hbm4b:s5+s6], $0x1400, $0x38;
	[tilespmem:$0x1EB40] =	vst v63  }
0x16a: {  	_ =	swait.ge [sflag:s29], $0x28  }
0x16b: {  	[sflag:s29] =	ssyncset.done $0x0  }
0x16c: {  	s11 =	simm.s32 $0x18830;
	[sflag:s29] =	ssyncadd.s32 $0xFFFFFFD8  }
0x16d: {  	[tilespmem:s11], [sflag:$0x7] =	stream.indirect.gather [hbm4b:s1+s30], $0x80, s21, s30, $0xb8;
	[tilespmem:$0x1EB40] =	vst v63  }
0x16e: {  	_ =	swait.ge [sflag:s12], $0x1400  }
0x16f: {  	[sflag:s12] =	ssyncset.done $0x0  }
0x170: {  	[sflag:s12] =	ssyncadd.s32 $0xFFFFEC00  }
0x171: {  	_ =	swait.ge [sflag:s13], $0x1400  }
0x172: {  	[sflag:s13] =	ssyncset.done $0x0  }
0x173: {  	s11 =	simm.s32 $0x1A020;
	[sflag:s13] =	ssyncadd.s32 $0xFFFFEC00  }
0x174: {  	s28 =	simm.s32 $0x17820;
	v2 =	vld [tilespmem:s11+$0xFFFFFF90]  }
0x175: {  	v3 =	vld [tilespmem:s28+$0xFFFFFF90]  }
0x176: {  	v4 =	vld [tilespmem:s28+$0xFFFFFC10]  }
0x177: {  	v5 =	vld [tilespmem:s11+$0xFFFFFC90]  }
0x178: {  	v6 =	vld [tilespmem:s28+$0xFFFFFC90]  }
0x179: {  	v7 =	vld [tilespmem:s11+$0xFFFFFD10]  }
0x17a: {  	v8 =	vld [tilespmem:s28+$0xFFFFFD10]  }
0x17b: {  	v9 =	vld [tilespmem:s28+$0xFFFFFD90]  }
0x17c: {  	v11 =	vld [tilespmem:s11+$0xFFFFFE10]  }
0x17d: {  	v12 =	vld [tilespmem:s28+$0xFFFFFE10];
	v2 =	vmul.f32 v3, v2  }
0x17e: {  	s31 =	simm.s32 $0x1CB10;
	v13 =	vld [tilespmem:s11+$0xFFFFFE90]  }
0x17f: {  	v3 =	vld [tilespmem:s11+$0xFFFFFD90];
	[tilespmem:s31+$0xFFFFFF90] =	vst v2  }
0x180: {  	v2 =	vld [tilespmem:s11+$0xFFFFFFA0]  }
0x181: {  	v10 =	vld [tilespmem:s28+$0xFFFFFFA0]  }
0x182: {  	v5 =	vmul.f32 v6, v5;
	v6 =	vld [tilespmem:s11+$0xFFFFFC10]  }
0x183: {  	v14 =	vld [tilespmem:s28+$0xFFFFFE90]  }
0x184: {  	v15 =	vld [tilespmem:s11+$0xFFFFFF10];
	[tilespmem:s31+$0xFFFFFC30] =	vst v5;
	v5 =	vmul.f32 v8, v7  }
0x185: {  	v8 =	vld [tilespmem:s11+$0xFFFFFCA0];
	v3 =	vmul.f32 v9, v3  }
0x186: {  	[tilespmem:s31+$0xFFFFFCC0] =	vst v5;
	v5 =	vld [tilespmem:s28+$0xFFFFFCA0];
	v2 =	vmul.f32 v10, v2  }
0x187: {  	v4 =	vmul.f32 v4, v6;
	v6 =	vld [tilespmem:s11+$0xFFFFFD20];
	[tilespmem:s31+$0xFFFFFD50] =	vst v3  }
0x188: {  	v3 =	vld [tilespmem:s28+$0xFFFFFD20];
	[tilespmem:s31+$0xFFFFFFA0] =	vst v2  }
0x189: {  	v2 =	vld [tilespmem:s11+$0xFFFFFFB0]  }
0x18a: {  	v7 =	vld [tilespmem:s28+$0xFFFFFFB0]  }
0x18b: {  	[tilespmem:s31+$0xFFFFFBA0] =	vst v4;
	v4 =	vld [tilespmem:s11+$0xFFFFFDA0]  }
0x18c: {  	v39 =	vld [tilespmem:s28+$0xFFFFFDA0]  }
0x18d: {  	v10 =	vld [tilespmem:s28+$0xFFFFFF10];
	v5 =	vmul.f32 v5, v8  }
0x18e: {  	v9 =	vld [tilespmem:s28+$0xFFFFFC20];
	v3 =	vmul.f32 v3, v6  }
0x18f: {  	[tilespmem:s31+$0xFFFFFC40] =	vst v5;
	v2 =	vmul.f32 v7, v2;
	v7 =	vld [tilespmem:s11+$0xFFFFFC20]  }
0x190: {  	v6 =	vld [tilespmem:s11+$0xFFFFFCB0];
	[tilespmem:s31+$0xFFFFFCD0] =	vst v3  }
0x191: {  	v3 =	vmul.f32 v39, v4;
	v4 =	vld [tilespmem:s28+$0xFFFFFCB0];
	[tilespmem:s31+$0xFFFFFFB0] =	vst v2;
	v2 =	vmul.f32 v12, v11  }
0x192: {  	v11 =	vld [tilespmem:s11+$0xFFFFFFC0]  }
0x193: {  	v38 =	vld [tilespmem:s28+$0xFFFFFFC0];
	[tilespmem:s31+$0xFFFFFDE0] =	vst v2;
	v2 =	vmul.f32 v14, v13  }
0x194: {  	v43 =	vld [tilespmem:s11+$0xFFFFFD30];
	[tilespmem:s31+$0xFFFFFD60] =	vst v3;
	v7 =	vmul.f32 v9, v7  }
0x195: {  	v3 =	vld [tilespmem:s28+$0xFFFFFD30];
	[tilespmem:s31+$0xFFFFFE70] =	vst v2;
	v2 =	vmul.f32 v10, v15  }
0x196: {  	v41 =	vld [tilespmem:s11+$0xFFFFFEA0];
	[tilespmem:s31+$0xFFFFFBB0] =	vst v7  }
0x197: {  	[tilespmem:s31+$0xFFFFFF00] =	vst v2;
	v2 =	vld [tilespmem:s28+$0xFFFFFEA0]  }
0x198: {  	v11 =	vmul.f32 v38, v11;
	v8 =	vld [tilespmem:s11+$0xFFFFFC30]  }
0x199: {  	v5 =	vld [tilespmem:s28+$0xFFFFFC30]  }
0x19a: {  	v42 =	vld [tilespmem:s11+$0xFFFFFF20];
	[tilespmem:s31+$0xFFFFFFC0] =	vst v11  }
0x19b: {  	v11 =	vld [tilespmem:s11+$0xFFFFFFD0]  }
0x19c: {  	v7 =	vld [tilespmem:s28+$0xFFFFFFD0]  }
0x19d: {  	v4 =	vmul.f32 v4, v6;
	v9 =	vld [tilespmem:s28+$0xFFFFFF20]  }
0x19e: {  	v40 =	vld [tilespmem:s11+$0xFFFFFE20]  }
0x19f: {  	[tilespmem:s31+$0xFFFFFC50] =	vst v4;
	v10 =	vld [tilespmem:s28+$0xFFFFFE20];
	v2 =	vmul.f32 v2, v41  }
0x1a0: {  	v48 =	vld [tilespmem:s11+$0xFFFFFCC0];
	v5 =	vmul.f32 v5, v8  }
0x1a1: {  	[tilespmem:s31+$0xFFFFFE80] =	vst v2;
	v7 =	vmul.f32 v7, v11;
	v11 =	vld [tilespmem:s11+$0xFFFFFDB0]  }
0x1a2: {  	v2 =	vmul.f32 v9, v42;
	[tilespmem:s31+$0xFFFFFBC0] =	vst v5;
	v46 =	vld [tilespmem:s11+$0xFFFFFEB0]  }
0x1a3: {  	v6 =	vld [tilespmem:s11+$0xFFFFFC40]  }
0x1a4: {  	v4 =	vld [tilespmem:s28+$0xFFFFFC40];
	[tilespmem:s31+$0xFFFFFF10] =	vst v2  }
0x1a5: {  	v2 =	vld [tilespmem:s28+$0xFFFFFEB0];
	[tilespmem:s31+$0xFFFFFFD0] =	vst v7  }
0x1a6: {  	v7 =	vmul.f32 v10, v40;
	v10 =	vld [tilespmem:s11+$0xFFFFFFE0]  }
0x1a7: {  	v44 =	vld [tilespmem:s28+$0xFFFFFFE0]  }
0x1a8: {  	[tilespmem:s31+$0xFFFFFDF0] =	vst v7;
	v7 =	vld [tilespmem:s28+$0xFFFFFDB0]  }
0x1a9: {  	v47 =	vld [tilespmem:s11+$0xFFFFFF30]  }
0x1aa: {  	v8 =	vld [tilespmem:s28+$0xFFFFFF30]  }
0x1ab: {  	v3 =	vmul.f32 v3, v43;
	v45 =	vld [tilespmem:s11+$0xFFFFFE30]  }
0x1ac: {  	v9 =	vld [tilespmem:s28+$0xFFFFFE30];
	v2 =	vmul.f32 v2, v46  }
0x1ad: {  	[tilespmem:s31+$0xFFFFFCE0] =	vst v3;
	v10 =	vmul.f32 v44, v10;
	v3 =	vmul.f32 v7, v11;
	v7 =	vld [tilespmem:s28+$0xFFFFFCC0]  }
0x1ae: {  	[tilespmem:s31+$0xFFFFFE90] =	vst v2;
	v11 =	vld [tilespmem:s11+$0xFFFFFD40]  }
0x1af: {  	v51 =	vld [tilespmem:s11+$0xFFFFFEC0];
	[tilespmem:s31+$0xFFFFFFE0] =	vst v10  }
0x1b0: {  	v2 =	vmul.f32 v8, v47;
	v10 =	vld [tilespmem:s11+$0xFFFFFFF0]  }
0x1b1: {  	v5 =	vld [tilespmem:s28+$0xFFFFFFF0]  }
0x1b2: {  	[tilespmem:s31+$0xFFFFFF20] =	vst v2;
	v2 =	vmul.f32 v4, v6;
	v4 =	vld [tilespmem:s28+$0xFFFFFEC0]  }
0x1b3: {  	[tilespmem:s31+$0xFFFFFD70] =	vst v3;
	v3 =	vld [tilespmem:s28+$0xFFFFFD40]  }
0x1b4: {  	v6 =	vld [tilespmem:s11+$0xFFFFFF40];
	[tilespmem:s31+$0xFFFFFBD0] =	vst v2  }
0x1b5: {  	v52 =	vld [tilespmem:s11+$0xFFFFFC50];
	v2 =	vmul.f32 v7, v48  }
0x1b6: {  	v7 =	vld [tilespmem:s28+$0xFFFFFF40];
	v5 =	vmul.f32 v5, v10  }
0x1b7: {  	v10 =	vld [tilespmem:s11+$0xFFFFFDC0];
	[tilespmem:s31+$0xFFFFFC60] =	vst v2  }
0x1b8: {  	v2 =	vmul.f32 v3, v11;
	v3 =	vld [tilespmem:s28+$0xFFFFFC50];
	[tilespmem:s31+$0xFFFFFFF0] =	vst v5;
	v5 =	vmul.f32 v9, v45  }
0x1b9: {  	v11 =	vld [tilespmem:s11+$0xFFFFFCD0]  }
0x1ba: {  	[tilespmem:s31+$0xFFFFFE00] =	vst v5;
	v5 =	vld [tilespmem:s28+$0xFFFFFDC0]  }
0x1bb: {  	v50 =	vld [tilespmem:s11+$0xFFFFFE40]  }
0x1bc: {  	v8 =	vld [tilespmem:s28+$0xFFFFFE40]  }
0x1bd: {  	v9 =	vld [tilespmem:s11+$0x0]  }
0x1be: {  	v49 =	vld [tilespmem:s28+$0x0]  }
0x1bf: {  	[tilespmem:s31+$0xFFFFFCF0] =	vst v2;
	v2 =	vmul.f32 v5, v10;
	v5 =	vld [tilespmem:s28+$0xFFFFFCD0]  }
0x1c0: {  	v10 =	vld [tilespmem:s11+$0xFFFFFD50]  }
0x1c1: {  	[tilespmem:s31+$0xFFFFFD80] =	vst v2;
	v2 =	vmul.f32 v8, v50;
	v8 =	vld [tilespmem:s28+$0xFFFFFD50]  }
0x1c2: {  	v3 =	vmul.f32 v3, v52;
	v53 =	vld [tilespmem:s11+$0xFFFFFDD0]  }
0x1c3: {  	[tilespmem:s31+$0xFFFFFE10] =	vst v2;
	v2 =	vmul.f32 v4, v51;
	v4 =	vld [tilespmem:s28+$0xFFFFFDD0]  }
0x1c4: {  	[tilespmem:s31+$0xFFFFFBE0] =	vst v3;
	v54 =	vld [tilespmem:s11+$0xFFFFFE50]  }
0x1c5: {  	v3 =	vmul.f32 v5, v11;
	v11 =	vld [tilespmem:s11+$0xFFFFFC60]  }
0x1c6: {  	[tilespmem:s31+$0xFFFFFEA0] =	vst v2;
	v2 =	vmul.f32 v7, v6;
	v6 =	vld [tilespmem:s28+$0xFFFFFE50]  }
0x1c7: {  	v7 =	vld [tilespmem:s11+$0xFFFFFED0]  }
0x1c8: {  	[tilespmem:s31+$0xFFFFFC70] =	vst v3;
	v3 =	vmul.f32 v8, v10;
	v8 =	vld [tilespmem:s28+$0xFFFFFC60]  }
0x1c9: {  	[tilespmem:s31+$0xFFFFFF30] =	vst v2;
	v2 =	vld [tilespmem:s28+$0xFFFFFED0]  }
0x1ca: {  	v10 =	vld [tilespmem:s11+$0xFFFFFCE0]  }
0x1cb: {  	v55 =	vld [tilespmem:s11+$0xFFFFFF50]  }
0x1cc: {  	v5 =	vld [tilespmem:s28+$0xFFFFFF50]  }
0x1cd: {  	[tilespmem:s31+$0xFFFFFD00] =	vst v3;
	v3 =	vmul.f32 v4, v53;
	v4 =	vld [tilespmem:s28+$0xFFFFFCE0]  }
0x1ce: {  	v56 =	vld [tilespmem:s11+$0xFFFFFD60]  }
0x1cf: {  	[tilespmem:s31+$0xFFFFFD90] =	vst v3;
	v3 =	vmul.f32 v6, v54;
	v6 =	vld [tilespmem:s28+$0xFFFFFD60]  }
0x1d0: {  	v57 =	vld [tilespmem:s11+$0xFFFFFDE0];
	v8 =	vmul.f32 v8, v11  }
0x1d1: {  	[tilespmem:s31+$0xFFFFFE20] =	vst v3;
	v2 =	vmul.f32 v2, v7;
	v3 =	vld [tilespmem:s28+$0xFFFFFDE0]  }
0x1d2: {  	v7 =	vld [tilespmem:s11+$0xFFFFFE60];
	[tilespmem:s31+$0xFFFFFBF0] =	vst v8  }
0x1d3: {  	[tilespmem:s31+$0xFFFFFEB0] =	vst v2;
	v2 =	vmul.f32 v5, v55;
	v5 =	vld [tilespmem:s28+$0xFFFFFE60]  }
0x1d4: {  	v4 =	vmul.f32 v4, v10;
	v10 =	vld [tilespmem:s11+$0xFFFFFC70]  }
0x1d5: {  	v58 =	vld [tilespmem:s11+$0xFFFFFEE0]  }
0x1d6: {  	[tilespmem:s31+$0xFFFFFC80] =	vst v4;
	v4 =	vmul.f32 v6, v56;
	v6 =	vld [tilespmem:s28+$0xFFFFFC70]  }
0x1d7: {  	[tilespmem:s31+$0xFFFFFF40] =	vst v2;
	v2 =	vld [tilespmem:s28+$0xFFFFFEE0]  }
0x1d8: {  	v59 =	vld [tilespmem:s11+$0xFFFFFCF0]  }
0x1d9: {  	v11 =	vld [tilespmem:s11+$0xFFFFFF60]  }
0x1da: {  	v8 =	vld [tilespmem:s28+$0xFFFFFF60]  }
0x1db: {  	[tilespmem:s31+$0xFFFFFD10] =	vst v4;
	v3 =	vmul.f32 v3, v57;
	v4 =	vld [tilespmem:s28+$0xFFFFFCF0]  }
0x1dc: {  	v60 =	vld [tilespmem:s11+$0xFFFFFD70]  }
0x1dd: {  	[tilespmem:s31+$0xFFFFFDA0] =	vst v3;
	v3 =	vmul.f32 v5, v7;
	v5 =	vld [tilespmem:s28+$0xFFFFFD70]  }
0x1de: {  	v7 =	vld [tilespmem:s11+$0xFFFFFDF0];
	v6 =	vmul.f32 v6, v10  }
0x1df: {  	[tilespmem:s31+$0xFFFFFE30] =	vst v3;
	v2 =	vmul.f32 v2, v58;
	v3 =	vld [tilespmem:s28+$0xFFFFFDF0]  }
0x1e0: {  	v61 =	vld [tilespmem:s11+$0xFFFFFE70];
	[tilespmem:s31+$0xFFFFFC00] =	vst v6  }
0x1e1: {  	[tilespmem:s31+$0xFFFFFEC0] =	vst v2;
	v2 =	vmul.f32 v8, v11;
	v8 =	vld [tilespmem:s28+$0xFFFFFE70]  }
0x1e2: {  	v4 =	vmul.f32 v4, v59;
	v62 =	vld [tilespmem:s11+$0xFFFFFC80]  }
0x1e3: {  	v11 =	vld [tilespmem:s11+$0xFFFFFEF0]  }
0x1e4: {  	[tilespmem:s31+$0xFFFFFC90] =	vst v4;
	v4 =	vmul.f32 v5, v60;
	v5 =	vld [tilespmem:s28+$0xFFFFFC80]  }
0x1e5: {  	[tilespmem:s31+$0xFFFFFF50] =	vst v2;
	v2 =	vld [tilespmem:s28+$0xFFFFFEF0]  }
0x1e6: {  	v63 =	vld [tilespmem:s11+$0xFFFFFD00]  }
0x1e7: {  	v10 =	vld [tilespmem:s11+$0xFFFFFF70]  }
0x1e8: {  	v6 =	vld [tilespmem:s28+$0xFFFFFF70]  }
0x1e9: {  	[tilespmem:s31+$0xFFFFFD20] =	vst v4;
	v3 =	vmul.f32 v3, v7;
	v7 =	vld [tilespmem:s28+$0xFFFFFD00]  }
0x1ea: {  	v16 =	vld [tilespmem:s11+$0xFFFFFD80]  }
0x1eb: {  	[tilespmem:s31+$0xFFFFFDB0] =	vst v3;
	v3 =	vmul.f32 v8, v61;
	v8 =	vld [tilespmem:s28+$0xFFFFFD80]  }
0x1ec: {  	v4 =	vmul.f32 v49, v9;
	v9 =	vld [tilespmem:s11+$0xFFFFFE00]  }
0x1ed: {  	[tilespmem:s31+$0xFFFFFE40] =	vst v3;
	v3 =	vmul.f32 v2, v11;
	v11 =	vld [tilespmem:s28+$0xFFFFFE00]  }
0x1ee: {  	[tilespmem:s31+$0x0] =	vst v4;
	v5 =	vmul.f32 v5, v62;
	v2 =	vld [tilespmem:s11+$0xFFFFFE80]  }
0x1ef: {  	v6 =	vmul.f32 v6, v10;
	v4 =	vld [tilespmem:s28+$0xFFFFFE80];
	[tilespmem:s31+$0xFFFFFED0] =	vst v3  }
0x1f0: {  	[tilespmem:s31+$0xFFFFFC10] =	vst v5;
	v3 =	vld [tilespmem:s11+$0xFFFFFF00];
	v8 =	vmul.f32 v8, v16  }
0x1f1: {  	v7 =	vmul.f32 v7, v63;
	[tilespmem:s31+$0xFFFFFF60] =	vst v6;
	v6 =	vld [tilespmem:s28+$0xFFFFFF00]  }
0x1f2: {  	v5 =	vld [tilespmem:s11+$0xFFFFFF80];
	[tilespmem:s31+$0xFFFFFD30] =	vst v8;
	v8 =	vmul.f32 v11, v9  }
0x1f3: {  	s5 =	simm.s32 $0x0;
	[tilespmem:s31+$0xFFFFFCA0] =	vst v7;
	v7 =	vld [tilespmem:s28+$0xFFFFFF80];
	s11 =	simm.s32 $0x1A420  }
.LBB2_11:
0x1f4: {  	v9 =	vld [tilespmem:s11+$0xFFFFFF90];
	[tilespmem:s31+$0xFFFFFDC0] =	vst v8;
	v2 =	vmul.f32 v4, v2;
	s28 =	sadd.s32 $0x400, s28  }
0x1f5: {  	v4 =	vld [tilespmem:s28+$0xFFFFFF90]  }
0x1f6: {  	v8 =	vld [tilespmem:s28+$0xFFFFFC10];
	[tilespmem:s31+$0xFFFFFE50] =	vst v2;
	v2 =	vmul.f32 v6, v3  }
0x1f7: {  	v3 =	vld [tilespmem:s11+$0xFFFFFC90]  }
0x1f8: {  	v6 =	vld [tilespmem:s28+$0xFFFFFC90];
	[tilespmem:s31+$0xFFFFFEE0] =	vst v2;
	v2 =	vmul.f32 v7, v5  }
0x1f9: {  	v5 =	vld [tilespmem:s11+$0xFFFFFD10]  }
0x1fa: {  	v7 =	vld [tilespmem:s28+$0xFFFFFD10];
	v4 =	vmul.f32 v4, v9;
	[tilespmem:s31+$0xFFFFFF70] =	vst v2  }
0x1fb: {  	s31 =	sadd.s32 $0x480, s31;
	v2 =	vld [tilespmem:s11+$0xFFFFFD90]  }
0x1fc: {  	s5 =	sadd.s32 $0x8, s5;
	v9 =	vld [tilespmem:s28+$0xFFFFFD90];
	[tilespmem:s31+$0xFFFFFF90] =	vst v4  }
0x1fd: {  	p0 =	slt.u32 s5, $0x20;
	v3 =	vmul.f32 v6, v3;
	v4 =	vld [tilespmem:s11+$0xFFFFFFA0]  }
0x1fe: {  	v6 =	vld [tilespmem:s28+$0xFFFFFFA0]  }
0x1ff: {  	[tilespmem:s31+$0xFFFFFC30] =	vst v3;
	v3 =	vmul.f32 v7, v5;
	v5 =	vld [tilespmem:s11+$0xFFFFFE10]  }
0x200: {  	v7 =	vld [tilespmem:s28+$0xFFFFFE10]  }
0x201: {  	[tilespmem:s31+$0xFFFFFCC0] =	vst v3;
	v2 =	vmul.f32 v9, v2;
	v3 =	vld [tilespmem:s11+$0xFFFFFE90]  }
0x202: {  	v9 =	vld [tilespmem:s28+$0xFFFFFE90]  }
0x203: {  	[tilespmem:s31+$0xFFFFFD50] =	vst v2;
	v2 =	vld [tilespmem:s11+$0xFFFFFF10];
	v4 =	vmul.f32 v6, v4  }
0x204: {  	v6 =	vld [tilespmem:s28+$0xFFFFFF10]  }
0x205: {  	v10 =	vld [tilespmem:s11+$0xFFFFFC10];
	v5 =	vmul.f32 v7, v5;
	[tilespmem:s31+$0xFFFFFFA0] =	vst v4  }
0x206: {  	v4 =	vld [tilespmem:s11+$0xFFFFFFB0]  }
0x207: {  	[tilespmem:s31+$0xFFFFFDE0] =	vst v5;
	v3 =	vmul.f32 v9, v3;
	v5 =	vld [tilespmem:s28+$0xFFFFFFB0]  }
0x208: {  	v7 =	vld [tilespmem:s11+$0xFFFFFCA0]  }
0x209: {  	v9 =	vld [tilespmem:s28+$0xFFFFFCA0];
	[tilespmem:s31+$0xFFFFFE70] =	vst v3;
	v2 =	vmul.f32 v6, v2  }
0x20a: {  	v3 =	vmul.f32 v8, v10;
	v6 =	vld [tilespmem:s11+$0xFFFFFD20]  }
0x20b: {  	v8 =	vld [tilespmem:s28+$0xFFFFFD20];
	[tilespmem:s31+$0xFFFFFF00] =	vst v2  }
0x20c: {  	[tilespmem:s31+$0xFFFFFBA0] =	vst v3;
	v2 =	vld [tilespmem:s11+$0xFFFFFDA0];
	v3 =	vmul.f32 v5, v4  }
0x20d: {  	v4 =	vld [tilespmem:s11+$0xFFFFFC20]  }
0x20e: {  	v5 =	vld [tilespmem:s28+$0xFFFFFC20];
	v7 =	vmul.f32 v9, v7;
	[tilespmem:s31+$0xFFFFFFB0] =	vst v3  }
0x20f: {  	v3 =	vld [tilespmem:s11+$0xFFFFFFC0]  }
0x210: {  	[tilespmem:s31+$0xFFFFFC40] =	vst v7;
	v6 =	vmul.f32 v8, v6;
	v7 =	vld [tilespmem:s28+$0xFFFFFFC0]  }
0x211: {  	v8 =	vld [tilespmem:s28+$0xFFFFFDA0]  }
0x212: {  	[tilespmem:s31+$0xFFFFFCD0] =	vst v6;
	v6 =	vld [tilespmem:s11+$0xFFFFFE20]  }
0x213: {  	v4 =	vmul.f32 v5, v4;
	v5 =	vld [tilespmem:s28+$0xFFFFFE20]  }
0x214: {  	v9 =	vld [tilespmem:s11+$0xFFFFFEA0]  }
0x215: {  	[tilespmem:s31+$0xFFFFFBB0] =	vst v4;
	v4 =	vld [tilespmem:s28+$0xFFFFFEA0];
	v3 =	vmul.f32 v7, v3  }
0x216: {  	v2 =	vmul.f32 v8, v2;
	v7 =	vld [tilespmem:s11+$0xFFFFFF20]  }
0x217: {  	v8 =	vld [tilespmem:s28+$0xFFFFFF20];
	[tilespmem:s31+$0xFFFFFFC0] =	vst v3  }
0x218: {  	[tilespmem:s31+$0xFFFFFD60] =	vst v2;
	v2 =	vmul.f32 v5, v6;
	v3 =	vld [tilespmem:s11+$0xFFFFFFD0]  }
0x219: {  	v5 =	vld [tilespmem:s28+$0xFFFFFFD0]  }
0x21a: {  	v6 =	vld [tilespmem:s11+$0xFFFFFC30];
	[tilespmem:s31+$0xFFFFFDF0] =	vst v2;
	v2 =	vmul.f32 v4, v9  }
0x21b: {  	v4 =	vld [tilespmem:s28+$0xFFFFFC30]  }
0x21c: {  	v9 =	vld [tilespmem:s11+$0xFFFFFCB0];
	[tilespmem:s31+$0xFFFFFE80] =	vst v2;
	v2 =	vmul.f32 v8, v7  }
0x21d: {  	v7 =	vld [tilespmem:s28+$0xFFFFFCB0]  }
0x21e: {  	v8 =	vld [tilespmem:s11+$0xFFFFFD30];
	[tilespmem:s31+$0xFFFFFF10] =	vst v2;
	v2 =	vmul.f32 v5, v3  }
0x21f: {  	v3 =	vld [tilespmem:s28+$0xFFFFFD30]  }
0x220: {  	v4 =	vmul.f32 v4, v6;
	v5 =	vld [tilespmem:s11+$0xFFFFFDB0];
	[tilespmem:s31+$0xFFFFFFD0] =	vst v2  }
0x221: {  	v2 =	vld [tilespmem:s11+$0xFFFFFFE0]  }
0x222: {  	[tilespmem:s31+$0xFFFFFBC0] =	vst v4;
	v4 =	vmul.f32 v7, v9;
	v6 =	vld [tilespmem:s28+$0xFFFFFFE0]  }
0x223: {  	v7 =	vld [tilespmem:s28+$0xFFFFFDB0]  }
0x224: {  	[tilespmem:s31+$0xFFFFFC50] =	vst v4;
	v3 =	vmul.f32 v3, v8;
	v4 =	vld [tilespmem:s11+$0xFFFFFE30]  }
0x225: {  	v8 =	vld [tilespmem:s28+$0xFFFFFE30]  }
0x226: {  	[tilespmem:s31+$0xFFFFFCE0] =	vst v3;
	v3 =	vld [tilespmem:s11+$0xFFFFFEB0]  }
0x227: {  	v9 =	vld [tilespmem:s28+$0xFFFFFEB0];
	v2 =	vmul.f32 v6, v2  }
0x228: {  	v5 =	vmul.f32 v7, v5;
	v6 =	vld [tilespmem:s11+$0xFFFFFF30]  }
0x229: {  	v7 =	vld [tilespmem:s28+$0xFFFFFF30];
	[tilespmem:s31+$0xFFFFFFE0] =	vst v2  }
0x22a: {  	[tilespmem:s31+$0xFFFFFD70] =	vst v5;
	v2 =	vmul.f32 v8, v4;
	v4 =	vld [tilespmem:s11+$0xFFFFFFF0]  }
0x22b: {  	v5 =	vld [tilespmem:s28+$0xFFFFFFF0]  }
0x22c: {  	v8 =	vld [tilespmem:s11+$0xFFFFFC40];
	[tilespmem:s31+$0xFFFFFE00] =	vst v2;
	v2 =	vmul.f32 v9, v3  }
0x22d: {  	v3 =	vld [tilespmem:s28+$0xFFFFFC40]  }
0x22e: {  	v9 =	vld [tilespmem:s11+$0xFFFFFCC0];
	[tilespmem:s31+$0xFFFFFE90] =	vst v2;
	v2 =	vmul.f32 v7, v6  }
0x22f: {  	v6 =	vld [tilespmem:s28+$0xFFFFFCC0]  }
0x230: {  	v7 =	vld [tilespmem:s11+$0xFFFFFD40];
	[tilespmem:s31+$0xFFFFFF20] =	vst v2;
	v2 =	vmul.f32 v5, v4  }
0x231: {  	v4 =	vld [tilespmem:s28+$0xFFFFFD40]  }
0x232: {  	v3 =	vmul.f32 v3, v8;
	v5 =	vld [tilespmem:s11+$0xFFFFFDC0];
	[tilespmem:s31+$0xFFFFFFF0] =	vst v2  }
0x233: {  	v2 =	vld [tilespmem:s11+$0x0]  }
0x234: {  	[tilespmem:s31+$0xFFFFFBD0] =	vst v3;
	v3 =	vmul.f32 v6, v9;
	v6 =	vld [tilespmem:s28+$0x0]  }
0x235: {  	v8 =	vld [tilespmem:s28+$0xFFFFFDC0]  }
0x236: {  	[tilespmem:s31+$0xFFFFFC60] =	vst v3;
	v3 =	vmul.f32 v4, v7;
	v4 =	vld [tilespmem:s11+$0xFFFFFE40]  }
0x237: {  	v7 =	vld [tilespmem:s28+$0xFFFFFE40]  }
0x238: {  	[tilespmem:s31+$0xFFFFFCF0] =	vst v3;
	v3 =	vld [tilespmem:s11+$0xFFFFFEC0]  }
0x239: {  	v9 =	vld [tilespmem:s28+$0xFFFFFEC0];
	v2 =	vmul.f32 v6, v2  }
0x23a: {  	v5 =	vmul.f32 v8, v5;
	v6 =	vld [tilespmem:s11+$0xFFFFFF40]  }
0x23b: {  	v8 =	vld [tilespmem:s28+$0xFFFFFF40];
	[tilespmem:s31+$0x0] =	vst v2  }
0x23c: {  	v2 =	vld [tilespmem:s11+$0xFFFFFC50];
	[tilespmem:s31+$0xFFFFFD80] =	vst v5;
	v4 =	vmul.f32 v7, v4  }
0x23d: {  	v5 =	vld [tilespmem:s28+$0xFFFFFC50]  }
0x23e: {  	v7 =	vld [tilespmem:s11+$0xFFFFFCD0];
	[tilespmem:s31+$0xFFFFFE10] =	vst v4;
	v3 =	vmul.f32 v9, v3  }
0x23f: {  	v4 =	vld [tilespmem:s28+$0xFFFFFCD0]  }
0x240: {  	v9 =	vld [tilespmem:s11+$0xFFFFFD50];
	[tilespmem:s31+$0xFFFFFEA0] =	vst v3;
	v3 =	vmul.f32 v8, v6  }
0x241: {  	v6 =	vld [tilespmem:s28+$0xFFFFFD50]  }
0x242: {  	v2 =	vmul.f32 v5, v2;
	v5 =	vld [tilespmem:s11+$0xFFFFFDD0];
	[tilespmem:s31+$0xFFFFFF30] =	vst v3  }
0x243: {  	v3 =	vld [tilespmem:s28+$0xFFFFFDD0]  }
0x244: {  	[tilespmem:s31+$0xFFFFFBE0] =	vst v2;
	v2 =	vmul.f32 v4, v7;
	v4 =	vld [tilespmem:s11+$0xFFFFFE50]  }
0x245: {  	v7 =	vld [tilespmem:s28+$0xFFFFFE50]  }
0x246: {  	[tilespmem:s31+$0xFFFFFC70] =	vst v2;
	v2 =	vmul.f32 v6, v9;
	v6 =	vld [tilespmem:s11+$0xFFFFFED0]  }
0x247: {  	v8 =	vld [tilespmem:s28+$0xFFFFFED0]  }
0x248: {  	[tilespmem:s31+$0xFFFFFD00] =	vst v2;
	v2 =	vmul.f32 v3, v5;
	v3 =	vld [tilespmem:s11+$0xFFFFFF50]  }
0x249: {  	v5 =	vld [tilespmem:s28+$0xFFFFFF50]  }
0x24a: {  	v9 =	vld [tilespmem:s11+$0xFFFFFC60];
	[tilespmem:s31+$0xFFFFFD90] =	vst v2;
	v2 =	vmul.f32 v7, v4  }
0x24b: {  	v4 =	vld [tilespmem:s28+$0xFFFFFC60]  }
0x24c: {  	v7 =	vld [tilespmem:s11+$0xFFFFFCE0];
	[tilespmem:s31+$0xFFFFFE20] =	vst v2;
	v2 =	vmul.f32 v8, v6  }
0x24d: {  	v6 =	vld [tilespmem:s28+$0xFFFFFCE0]  }
0x24e: {  	v8 =	vld [tilespmem:s11+$0xFFFFFD60];
	[tilespmem:s31+$0xFFFFFEB0] =	vst v2;
	v2 =	vmul.f32 v5, v3  }
0x24f: {  	v3 =	vld [tilespmem:s28+$0xFFFFFD60]  }
0x250: {  	v4 =	vmul.f32 v4, v9;
	v5 =	vld [tilespmem:s11+$0xFFFFFDE0];
	[tilespmem:s31+$0xFFFFFF40] =	vst v2  }
0x251: {  	v2 =	vld [tilespmem:s28+$0xFFFFFDE0]  }
0x252: {  	[tilespmem:s31+$0xFFFFFBF0] =	vst v4;
	v4 =	vmul.f32 v6, v7;
	v6 =	vld [tilespmem:s11+$0xFFFFFE60]  }
0x253: {  	v7 =	vld [tilespmem:s28+$0xFFFFFE60]  }
0x254: {  	[tilespmem:s31+$0xFFFFFC80] =	vst v4;
	v3 =	vmul.f32 v3, v8;
	v4 =	vld [tilespmem:s11+$0xFFFFFEE0]  }
0x255: {  	v8 =	vld [tilespmem:s28+$0xFFFFFEE0]  }
0x256: {  	[tilespmem:s31+$0xFFFFFD10] =	vst v3;
	v2 =	vmul.f32 v2, v5;
	v3 =	vld [tilespmem:s11+$0xFFFFFF60]  }
0x257: {  	v5 =	vld [tilespmem:s28+$0xFFFFFF60]  }
0x258: {  	v9 =	vld [tilespmem:s11+$0xFFFFFC70];
	[tilespmem:s31+$0xFFFFFDA0] =	vst v2;
	v2 =	vmul.f32 v7, v6  }
0x259: {  	v6 =	vld [tilespmem:s28+$0xFFFFFC70]  }
0x25a: {  	v7 =	vld [tilespmem:s11+$0xFFFFFCF0];
	[tilespmem:s31+$0xFFFFFE30] =	vst v2;
	v2 =	vmul.f32 v8, v4  }
0x25b: {  	v4 =	vld [tilespmem:s28+$0xFFFFFCF0]  }
0x25c: {  	v8 =	vld [tilespmem:s11+$0xFFFFFD70];
	[tilespmem:s31+$0xFFFFFEC0] =	vst v2;
	v2 =	vmul.f32 v5, v3  }
0x25d: {  	v3 =	vld [tilespmem:s28+$0xFFFFFD70]  }
0x25e: {  	v5 =	vmul.f32 v6, v9;
	v6 =	vld [tilespmem:s11+$0xFFFFFDF0];
	[tilespmem:s31+$0xFFFFFF50] =	vst v2  }
0x25f: {  	v2 =	vld [tilespmem:s28+$0xFFFFFDF0]  }
0x260: {  	[tilespmem:s31+$0xFFFFFC00] =	vst v5;
	v4 =	vmul.f32 v4, v7;
	v5 =	vld [tilespmem:s11+$0xFFFFFE70]  }
0x261: {  	v7 =	vld [tilespmem:s28+$0xFFFFFE70]  }
0x262: {  	[tilespmem:s31+$0xFFFFFC90] =	vst v4;
	v3 =	vmul.f32 v3, v8;
	v4 =	vld [tilespmem:s11+$0xFFFFFEF0]  }
0x263: {  	v8 =	vld [tilespmem:s28+$0xFFFFFEF0]  }
0x264: {  	[tilespmem:s31+$0xFFFFFD20] =	vst v3;
	v2 =	vmul.f32 v2, v6;
	v3 =	vld [tilespmem:s11+$0xFFFFFF70]  }
0x265: {  	v6 =	vld [tilespmem:s28+$0xFFFFFF70]  }
0x266: {  	v9 =	vld [tilespmem:s11+$0xFFFFFC80];
	[tilespmem:s31+$0xFFFFFDB0] =	vst v2;
	v2 =	vmul.f32 v7, v5  }
0x267: {  	v5 =	vld [tilespmem:s28+$0xFFFFFC80]  }
0x268: {  	v7 =	vld [tilespmem:s11+$0xFFFFFD00];
	[tilespmem:s31+$0xFFFFFE40] =	vst v2;
	v2 =	vmul.f32 v8, v4  }
0x269: {  	v4 =	vld [tilespmem:s28+$0xFFFFFD00]  }
0x26a: {  	v8 =	vld [tilespmem:s11+$0xFFFFFD80];
	[tilespmem:s31+$0xFFFFFED0] =	vst v2;
	v2 =	vmul.f32 v6, v3  }
0x26b: {  	v3 =	vld [tilespmem:s28+$0xFFFFFD80]  }
0x26c: {  	v5 =	vmul.f32 v5, v9;
	v9 =	vld [tilespmem:s11+$0xFFFFFE00];
	[tilespmem:s31+$0xFFFFFF60] =	vst v2  }
0x26d: {  	v10 =	vld [tilespmem:s28+$0xFFFFFE00]  }
0x26e: {  	[tilespmem:s31+$0xFFFFFC10] =	vst v5;
	v5 =	vmul.f32 v4, v7;
	v2 =	vld [tilespmem:s11+$0xFFFFFE80]  }
.Ltmp4:
0x26f: {  	v4 =	vld [tilespmem:s28+$0xFFFFFE80];
	(pc) =	sbr.rel @p0 .LBB2_11-.Ltmp4, $4  }
0x270: {  	[tilespmem:s31+$0xFFFFFCA0] =	vst v5;
	v5 =	vmul.f32 v3, v8;
	v3 =	vld [tilespmem:s11+$0xFFFFFF00]  }
0x271: {  	v6 =	vld [tilespmem:s28+$0xFFFFFF00]  }
0x272: {  	[tilespmem:s31+$0xFFFFFD30] =	vst v5;
	v8 =	vmul.f32 v10, v9;
	v5 =	vld [tilespmem:s11+$0xFFFFFF80]  }
0x273: {  	s11 =	sadd.s32 $0x400, s11;
	v7 =	vld [tilespmem:s28+$0xFFFFFF80]  }
0x274: {  	_ =	sdelay $0x1  }
0x275: {  	v2 =	vmul.f32 v4, v2  }
0x276: {  	[tilespmem:s31+$0xFFFFFDC0] =	vst v8;
	v3 =	vmul.f32 v6, v3  }
0x277: {  	[tilespmem:s31+$0xFFFFFE50] =	vst v2;
	v2 =	vmul.f32 v7, v5  }
0x278: {  	[tilespmem:s31+$0xFFFFFEE0] =	vst v3  }
0x279: {  	[tilespmem:s31+$0xFFFFFF70] =	vst v2  }
0x27a: {  	_ =	swait.ge [sflag:s16], $0x28  }
0x27b: {  	[sflag:s16] =	ssyncset.done $0x0  }
0x27c: {  	[sflag:s16] =	ssyncadd.s32 $0xFFFFFFD8  }
0x27d: {  	[spmem:s4] =	stream.indirect.scatter.add.f32 [tilespmem:s17], [sflag:$0x9], $0x90, s26, s30, $0xb8;
	[tilespmem:$0x1EB40] =	vst v63  }
0x27e: {  	s5 =	sadd.s32 s23, s15;
	_ =	swait.ge [sflag:s20], $0x1680  }
0x27f: {  	s25 =	sadd.s32 $0x1, s25;
	s11 =	sshrl.u32 s5, $0x3;
	[sflag:s20] =	ssyncset.done $0x0  }
0x280: {  	p0 =	sne.s32 s25, $0x7C;
	s28 =	sadd.s32 s2, s11;
	[sflag:s20] =	ssyncadd.s32 $0xFFFFE980  }
0x281: {  	[tilespmem:s24], [sflag:$0x2] =	stream.linear.gather [hbm4b:s28+s6], $0x28, $0x38;
	[tilespmem:$0x1EB40] =	vst v63  }
.Ltmp5:
0x282: {  	s5 =	sshll.u32 s5, $0x4;
	(pc) =	sbr.rel @p0 .LBB2_8-.Ltmp5, $4  }
0x283: {  	s11 =	sadd.s32 s3, s11;
	s5 =	sand.u32 $0x1FFFFF80, s5  }
0x284: {  	[tilespmem:s26], [sflag:$0x4] =	stream.linear.gather [hbm4b:s11+s6], $0x28, $0x38;
	[tilespmem:$0x1EB40] =	vst v63  }
0x285: {  	s5 =	sadd.s32 s7, s5;
	s31 =	simm.s32 $0x17430  }
0x286: {  	[tilespmem:s31], [sflag:$0x6] =	stream.linear.gather [hbm4b:s5+s6], $0x1400, $0x38;
	[tilespmem:$0x1EB40] =	vst v63  }
0x287: {  	_ =	swait.ge [sflag:s0], $0x28  }
0x288: {  	[sflag:s0] =	ssyncset.done $0x0  }
0x289: {  	s5 =	simm.s32 $0x19C30;
	[sflag:s0] =	ssyncadd.s32 $0xFFFFFFD8  }
0x28a: {  	[tilespmem:s5], [sflag:$0x8] =	stream.indirect.gather [hbm4b:s1+s30], $0x80, s24, s30, $0xb8;
	[tilespmem:$0x1EB40] =	vst v63  }
0x28b: {  	_ =	swait.ge [sflag:s8], $0x1400  }
0x28c: {  	[sflag:s8] =	ssyncset.done $0x0  }
0x28d: {  	[sflag:s8] =	ssyncadd.s32 $0xFFFFEC00  }
0x28e: {  	_ =	swait.ge [sflag:s9], $0x1400  }
0x28f: {  	[sflag:s9] =	ssyncset.done $0x0  }
0x290: {  	s31 =	simm.s32 $0x18A30;
	[sflag:s9] =	ssyncadd.s32 $0xFFFFEC00  }
0x291: {  	s23 =	simm.s32 $0x16230;
	v2 =	vld [tilespmem:s31+$0x180]  }
0x292: {  	v3 =	vld [tilespmem:s23+$0x180]  }
0x293: {  	v4 =	vld [tilespmem:s23+$0xFFFFFE00]  }
0x294: {  	v5 =	vld [tilespmem:s31+$0xFFFFFE80]  }
0x295: {  	v6 =	vld [tilespmem:s23+$0xFFFFFE80]  }
0x296: {  	v7 =	vld [tilespmem:s31+$0xFFFFFF00]  }
0x297: {  	v8 =	vld [tilespmem:s23+$0xFFFFFF00]  }
0x298: {  	v9 =	vld [tilespmem:s23+$0xFFFFFF80]  }
0x299: {  	v11 =	vld [tilespmem:s31+$0x0]  }
0x29a: {  	v12 =	vld [tilespmem:s23+$0x0];
	v2 =	vmul.f32 v3, v2  }
0x29b: {  	s25 =	simm.s32 $0x1B270;
	v13 =	vld [tilespmem:s31+$0x80]  }
0x29c: {  	v3 =	vld [tilespmem:s31+$0xFFFFFF80];
	[tilespmem:s25+$0x1B0] =	vst v2  }
0x29d: {  	v2 =	vld [tilespmem:s31+$0x190]  }
0x29e: {  	v10 =	vld [tilespmem:s23+$0x190]  }
0x29f: {  	v5 =	vmul.f32 v6, v5;
	v6 =	vld [tilespmem:s31+$0xFFFFFE00]  }
0x2a0: {  	v14 =	vld [tilespmem:s23+$0x80]  }
0x2a1: {  	v15 =	vld [tilespmem:s31+$0x100];
	[tilespmem:s25+$0xFFFFFE50] =	vst v5;
	v5 =	vmul.f32 v8, v7  }
0x2a2: {  	v8 =	vld [tilespmem:s31+$0xFFFFFE90];
	v3 =	vmul.f32 v9, v3  }
0x2a3: {  	[tilespmem:s25+$0xFFFFFEE0] =	vst v5;
	v5 =	vld [tilespmem:s23+$0xFFFFFE90];
	v2 =	vmul.f32 v10, v2  }
0x2a4: {  	v4 =	vmul.f32 v4, v6;
	v6 =	vld [tilespmem:s31+$0xFFFFFF10];
	[tilespmem:s25+$0xFFFFFF70] =	vst v3  }
0x2a5: {  	v3 =	vld [tilespmem:s23+$0xFFFFFF10];
	[tilespmem:s25+$0x1C0] =	vst v2  }
0x2a6: {  	v2 =	vld [tilespmem:s31+$0x1A0]  }
0x2a7: {  	v7 =	vld [tilespmem:s23+$0x1A0]  }
0x2a8: {  	[tilespmem:s25+$0xFFFFFDC0] =	vst v4;
	v4 =	vld [tilespmem:s31+$0xFFFFFF90]  }
0x2a9: {  	v39 =	vld [tilespmem:s23+$0xFFFFFF90]  }
0x2aa: {  	v10 =	vld [tilespmem:s23+$0x100];
	v5 =	vmul.f32 v5, v8  }
0x2ab: {  	v9 =	vld [tilespmem:s23+$0xFFFFFE10];
	v3 =	vmul.f32 v3, v6  }
0x2ac: {  	[tilespmem:s25+$0xFFFFFE60] =	vst v5;
	v2 =	vmul.f32 v7, v2;
	v7 =	vld [tilespmem:s31+$0xFFFFFE10]  }
0x2ad: {  	v6 =	vld [tilespmem:s31+$0xFFFFFEA0];
	[tilespmem:s25+$0xFFFFFEF0] =	vst v3  }
0x2ae: {  	v3 =	vmul.f32 v39, v4;
	v4 =	vld [tilespmem:s23+$0xFFFFFEA0];
	[tilespmem:s25+$0x1D0] =	vst v2;
	v2 =	vmul.f32 v12, v11  }
0x2af: {  	v11 =	vld [tilespmem:s31+$0x1B0]  }
0x2b0: {  	v38 =	vld [tilespmem:s23+$0x1B0];
	[tilespmem:s25+$0x0] =	vst v2;
	v2 =	vmul.f32 v14, v13  }
0x2b1: {  	v43 =	vld [tilespmem:s31+$0xFFFFFF20];
	[tilespmem:s25+$0xFFFFFF80] =	vst v3;
	v7 =	vmul.f32 v9, v7  }
0x2b2: {  	v3 =	vld [tilespmem:s23+$0xFFFFFF20];
	[tilespmem:s25+$0x90] =	vst v2;
	v2 =	vmul.f32 v10, v15  }
0x2b3: {  	v41 =	vld [tilespmem:s31+$0x90];
	[tilespmem:s25+$0xFFFFFDD0] =	vst v7  }
0x2b4: {  	[tilespmem:s25+$0x120] =	vst v2;
	v2 =	vld [tilespmem:s23+$0x90]  }
0x2b5: {  	v11 =	vmul.f32 v38, v11;
	v8 =	vld [tilespmem:s31+$0xFFFFFE20]  }
0x2b6: {  	v5 =	vld [tilespmem:s23+$0xFFFFFE20]  }
0x2b7: {  	v42 =	vld [tilespmem:s31+$0x110];
	[tilespmem:s25+$0x1E0] =	vst v11  }
0x2b8: {  	v11 =	vld [tilespmem:s31+$0x1C0]  }
0x2b9: {  	v7 =	vld [tilespmem:s23+$0x1C0]  }
0x2ba: {  	v4 =	vmul.f32 v4, v6;
	v9 =	vld [tilespmem:s23+$0x110]  }
0x2bb: {  	v40 =	vld [tilespmem:s31+$0x10]  }
0x2bc: {  	[tilespmem:s25+$0xFFFFFE70] =	vst v4;
	v10 =	vld [tilespmem:s23+$0x10];
	v2 =	vmul.f32 v2, v41  }
0x2bd: {  	v48 =	vld [tilespmem:s31+$0xFFFFFEB0];
	v5 =	vmul.f32 v5, v8  }
0x2be: {  	[tilespmem:s25+$0xA0] =	vst v2;
	v7 =	vmul.f32 v7, v11;
	v11 =	vld [tilespmem:s31+$0xFFFFFFA0]  }
0x2bf: {  	v2 =	vmul.f32 v9, v42;
	[tilespmem:s25+$0xFFFFFDE0] =	vst v5;
	v46 =	vld [tilespmem:s31+$0xA0]  }
0x2c0: {  	v6 =	vld [tilespmem:s31+$0xFFFFFE30]  }
0x2c1: {  	v4 =	vld [tilespmem:s23+$0xFFFFFE30];
	[tilespmem:s25+$0x130] =	vst v2  }
0x2c2: {  	v2 =	vld [tilespmem:s23+$0xA0];
	[tilespmem:s25+$0x1F0] =	vst v7  }
0x2c3: {  	v7 =	vmul.f32 v10, v40;
	v10 =	vld [tilespmem:s31+$0x1D0]  }
0x2c4: {  	v44 =	vld [tilespmem:s23+$0x1D0]  }
0x2c5: {  	[tilespmem:s25+$0x10] =	vst v7;
	v7 =	vld [tilespmem:s23+$0xFFFFFFA0]  }
0x2c6: {  	v47 =	vld [tilespmem:s31+$0x120]  }
0x2c7: {  	v8 =	vld [tilespmem:s23+$0x120]  }
0x2c8: {  	v3 =	vmul.f32 v3, v43;
	v45 =	vld [tilespmem:s31+$0x20]  }
0x2c9: {  	v9 =	vld [tilespmem:s23+$0x20];
	v2 =	vmul.f32 v2, v46  }
0x2ca: {  	[tilespmem:s25+$0xFFFFFF00] =	vst v3;
	v10 =	vmul.f32 v44, v10;
	v3 =	vmul.f32 v7, v11;
	v7 =	vld [tilespmem:s23+$0xFFFFFEB0]  }
0x2cb: {  	[tilespmem:s25+$0xB0] =	vst v2;
	v11 =	vld [tilespmem:s31+$0xFFFFFF30]  }
0x2cc: {  	v51 =	vld [tilespmem:s31+$0xB0];
	[tilespmem:s25+$0x200] =	vst v10  }
0x2cd: {  	v2 =	vmul.f32 v8, v47;
	v10 =	vld [tilespmem:s31+$0x1E0]  }
0x2ce: {  	v5 =	vld [tilespmem:s23+$0x1E0]  }
0x2cf: {  	[tilespmem:s25+$0x140] =	vst v2;
	v2 =	vmul.f32 v4, v6;
	v4 =	vld [tilespmem:s23+$0xB0]  }
0x2d0: {  	[tilespmem:s25+$0xFFFFFF90] =	vst v3;
	v3 =	vld [tilespmem:s23+$0xFFFFFF30]  }
0x2d1: {  	v6 =	vld [tilespmem:s31+$0x130];
	[tilespmem:s25+$0xFFFFFDF0] =	vst v2  }
0x2d2: {  	v52 =	vld [tilespmem:s31+$0xFFFFFE40];
	v2 =	vmul.f32 v7, v48  }
0x2d3: {  	v7 =	vld [tilespmem:s23+$0x130];
	v5 =	vmul.f32 v5, v10  }
0x2d4: {  	v10 =	vld [tilespmem:s31+$0xFFFFFFB0];
	[tilespmem:s25+$0xFFFFFE80] =	vst v2  }
0x2d5: {  	v2 =	vmul.f32 v3, v11;
	v3 =	vld [tilespmem:s23+$0xFFFFFE40];
	[tilespmem:s25+$0x210] =	vst v5;
	v5 =	vmul.f32 v9, v45  }
0x2d6: {  	v11 =	vld [tilespmem:s31+$0xFFFFFEC0]  }
0x2d7: {  	[tilespmem:s25+$0x20] =	vst v5;
	v5 =	vld [tilespmem:s23+$0xFFFFFFB0]  }
0x2d8: {  	v50 =	vld [tilespmem:s31+$0x30]  }
0x2d9: {  	v8 =	vld [tilespmem:s23+$0x30]  }
0x2da: {  	v9 =	vld [tilespmem:s31+$0x1F0]  }
0x2db: {  	v49 =	vld [tilespmem:s23+$0x1F0]  }
0x2dc: {  	[tilespmem:s25+$0xFFFFFF10] =	vst v2;
	v2 =	vmul.f32 v5, v10;
	v5 =	vld [tilespmem:s23+$0xFFFFFEC0]  }
0x2dd: {  	v10 =	vld [tilespmem:s31+$0xFFFFFF40]  }
0x2de: {  	[tilespmem:s25+$0xFFFFFFA0] =	vst v2;
	v2 =	vmul.f32 v8, v50;
	v8 =	vld [tilespmem:s23+$0xFFFFFF40]  }
0x2df: {  	v3 =	vmul.f32 v3, v52;
	v53 =	vld [tilespmem:s31+$0xFFFFFFC0]  }
0x2e0: {  	[tilespmem:s25+$0x30] =	vst v2;
	v2 =	vmul.f32 v4, v51;
	v4 =	vld [tilespmem:s23+$0xFFFFFFC0]  }
0x2e1: {  	[tilespmem:s25+$0xFFFFFE00] =	vst v3;
	v54 =	vld [tilespmem:s31+$0x40]  }
0x2e2: {  	v3 =	vmul.f32 v5, v11;
	v11 =	vld [tilespmem:s31+$0xFFFFFE50]  }
0x2e3: {  	[tilespmem:s25+$0xC0] =	vst v2;
	v2 =	vmul.f32 v7, v6;
	v6 =	vld [tilespmem:s23+$0x40]  }
0x2e4: {  	v7 =	vld [tilespmem:s31+$0xC0]  }
0x2e5: {  	[tilespmem:s25+$0xFFFFFE90] =	vst v3;
	v3 =	vmul.f32 v8, v10;
	v8 =	vld [tilespmem:s23+$0xFFFFFE50]  }
0x2e6: {  	[tilespmem:s25+$0x150] =	vst v2;
	v2 =	vld [tilespmem:s23+$0xC0]  }
0x2e7: {  	v10 =	vld [tilespmem:s31+$0xFFFFFED0]  }
0x2e8: {  	v55 =	vld [tilespmem:s31+$0x140]  }
0x2e9: {  	v5 =	vld [tilespmem:s23+$0x140]  }
0x2ea: {  	[tilespmem:s25+$0xFFFFFF20] =	vst v3;
	v3 =	vmul.f32 v4, v53;
	v4 =	vld [tilespmem:s23+$0xFFFFFED0]  }
0x2eb: {  	v56 =	vld [tilespmem:s31+$0xFFFFFF50]  }
0x2ec: {  	[tilespmem:s25+$0xFFFFFFB0] =	vst v3;
	v3 =	vmul.f32 v6, v54;
	v6 =	vld [tilespmem:s23+$0xFFFFFF50]  }
0x2ed: {  	v57 =	vld [tilespmem:s31+$0xFFFFFFD0];
	v8 =	vmul.f32 v8, v11  }
0x2ee: {  	[tilespmem:s25+$0x40] =	vst v3;
	v2 =	vmul.f32 v2, v7;
	v3 =	vld [tilespmem:s23+$0xFFFFFFD0]  }
0x2ef: {  	v7 =	vld [tilespmem:s31+$0x50];
	[tilespmem:s25+$0xFFFFFE10] =	vst v8  }
0x2f0: {  	[tilespmem:s25+$0xD0] =	vst v2;
	v2 =	vmul.f32 v5, v55;
	v5 =	vld [tilespmem:s23+$0x50]  }
0x2f1: {  	v4 =	vmul.f32 v4, v10;
	v10 =	vld [tilespmem:s31+$0xFFFFFE60]  }
0x2f2: {  	v58 =	vld [tilespmem:s31+$0xD0]  }
0x2f3: {  	[tilespmem:s25+$0xFFFFFEA0] =	vst v4;
	v4 =	vmul.f32 v6, v56;
	v6 =	vld [tilespmem:s23+$0xFFFFFE60]  }
0x2f4: {  	[tilespmem:s25+$0x160] =	vst v2;
	v2 =	vld [tilespmem:s23+$0xD0]  }
0x2f5: {  	v59 =	vld [tilespmem:s31+$0xFFFFFEE0]  }
0x2f6: {  	v11 =	vld [tilespmem:s31+$0x150]  }
0x2f7: {  	v8 =	vld [tilespmem:s23+$0x150]  }
0x2f8: {  	[tilespmem:s25+$0xFFFFFF30] =	vst v4;
	v3 =	vmul.f32 v3, v57;
	v4 =	vld [tilespmem:s23+$0xFFFFFEE0]  }
0x2f9: {  	v60 =	vld [tilespmem:s31+$0xFFFFFF60]  }
0x2fa: {  	[tilespmem:s25+$0xFFFFFFC0] =	vst v3;
	v3 =	vmul.f32 v5, v7;
	v5 =	vld [tilespmem:s23+$0xFFFFFF60]  }
0x2fb: {  	v7 =	vld [tilespmem:s31+$0xFFFFFFE0];
	v6 =	vmul.f32 v6, v10  }
0x2fc: {  	[tilespmem:s25+$0x50] =	vst v3;
	v2 =	vmul.f32 v2, v58;
	v3 =	vld [tilespmem:s23+$0xFFFFFFE0]  }
0x2fd: {  	v61 =	vld [tilespmem:s31+$0x60];
	[tilespmem:s25+$0xFFFFFE20] =	vst v6  }
0x2fe: {  	[tilespmem:s25+$0xE0] =	vst v2;
	v2 =	vmul.f32 v8, v11;
	v8 =	vld [tilespmem:s23+$0x60]  }
0x2ff: {  	v4 =	vmul.f32 v4, v59;
	v62 =	vld [tilespmem:s31+$0xFFFFFE70]  }
0x300: {  	v11 =	vld [tilespmem:s31+$0xE0]  }
0x301: {  	[tilespmem:s25+$0xFFFFFEB0] =	vst v4;
	v4 =	vmul.f32 v5, v60;
	v5 =	vld [tilespmem:s23+$0xFFFFFE70]  }
0x302: {  	[tilespmem:s25+$0x170] =	vst v2;
	v2 =	vld [tilespmem:s23+$0xE0]  }
0x303: {  	v63 =	vld [tilespmem:s31+$0xFFFFFEF0]  }
0x304: {  	v10 =	vld [tilespmem:s31+$0x160]  }
0x305: {  	v6 =	vld [tilespmem:s23+$0x160]  }
0x306: {  	[tilespmem:s25+$0xFFFFFF40] =	vst v4;
	v3 =	vmul.f32 v3, v7;
	v7 =	vld [tilespmem:s23+$0xFFFFFEF0]  }
0x307: {  	v16 =	vld [tilespmem:s31+$0xFFFFFF70]  }
0x308: {  	[tilespmem:s25+$0xFFFFFFD0] =	vst v3;
	v3 =	vmul.f32 v8, v61;
	v8 =	vld [tilespmem:s23+$0xFFFFFF70]  }
0x309: {  	v4 =	vmul.f32 v49, v9;
	v9 =	vld [tilespmem:s31+$0xFFFFFFF0]  }
0x30a: {  	[tilespmem:s25+$0x60] =	vst v3;
	v3 =	vmul.f32 v2, v11;
	v11 =	vld [tilespmem:s23+$0xFFFFFFF0]  }
0x30b: {  	[tilespmem:s25+$0x220] =	vst v4;
	v5 =	vmul.f32 v5, v62;
	v2 =	vld [tilespmem:s31+$0x70]  }
0x30c: {  	v6 =	vmul.f32 v6, v10;
	v4 =	vld [tilespmem:s23+$0x70];
	[tilespmem:s25+$0xF0] =	vst v3  }
0x30d: {  	[tilespmem:s25+$0xFFFFFE30] =	vst v5;
	v3 =	vld [tilespmem:s31+$0xF0];
	v8 =	vmul.f32 v8, v16  }
0x30e: {  	v7 =	vmul.f32 v7, v63;
	[tilespmem:s25+$0x180] =	vst v6;
	v6 =	vld [tilespmem:s23+$0xF0]  }
0x30f: {  	v5 =	vld [tilespmem:s31+$0x170];
	[tilespmem:s25+$0xFFFFFF50] =	vst v8;
	v8 =	vmul.f32 v11, v9  }
0x310: {  	s11 =	simm.s32 $0x18E30;
	s5 =	simm.s32 $0x0;
	[tilespmem:s25+$0xFFFFFEC0] =	vst v7;
	v7 =	vld [tilespmem:s23+$0x170]  }
.LBB2_14:
0x311: {  	v9 =	vld [tilespmem:s11+$0x180];
	[tilespmem:s25+$0xFFFFFFE0] =	vst v8;
	v2 =	vmul.f32 v4, v2;
	s23 =	sadd.s32 $0x400, s23  }
0x312: {  	v4 =	vld [tilespmem:s23+$0x180]  }
0x313: {  	v8 =	vld [tilespmem:s23+$0xFFFFFE00];
	[tilespmem:s25+$0x70] =	vst v2;
	v2 =	vmul.f32 v6, v3  }
0x314: {  	v3 =	vld [tilespmem:s11+$0xFFFFFE80]  }
0x315: {  	v6 =	vld [tilespmem:s23+$0xFFFFFE80];
	[tilespmem:s25+$0x100] =	vst v2;
	v2 =	vmul.f32 v7, v5  }
0x316: {  	v5 =	vld [tilespmem:s11+$0xFFFFFF00]  }
0x317: {  	v7 =	vld [tilespmem:s23+$0xFFFFFF00];
	v4 =	vmul.f32 v4, v9;
	[tilespmem:s25+$0x190] =	vst v2  }
0x318: {  	s25 =	sadd.s32 $0x480, s25;
	v2 =	vld [tilespmem:s11+$0xFFFFFF80]  }
0x319: {  	s5 =	sadd.s32 $0x8, s5;
	v9 =	vld [tilespmem:s23+$0xFFFFFF80];
	[tilespmem:s25+$0x1B0] =	vst v4  }
0x31a: {  	p0 =	slt.u32 s5, $0x20;
	v3 =	vmul.f32 v6, v3;
	v4 =	vld [tilespmem:s11+$0x190]  }
0x31b: {  	v6 =	vld [tilespmem:s23+$0x190]  }
0x31c: {  	[tilespmem:s25+$0xFFFFFE50] =	vst v3;
	v3 =	vmul.f32 v7, v5;
	v5 =	vld [tilespmem:s11+$0x0]  }
0x31d: {  	v7 =	vld [tilespmem:s23+$0x0]  }
0x31e: {  	[tilespmem:s25+$0xFFFFFEE0] =	vst v3;
	v2 =	vmul.f32 v9, v2;
	v3 =	vld [tilespmem:s11+$0x80]  }
0x31f: {  	v9 =	vld [tilespmem:s23+$0x80]  }
0x320: {  	[tilespmem:s25+$0xFFFFFF70] =	vst v2;
	v2 =	vld [tilespmem:s11+$0x100];
	v4 =	vmul.f32 v6, v4  }
0x321: {  	v6 =	vld [tilespmem:s23+$0x100]  }
0x322: {  	v10 =	vld [tilespmem:s11+$0xFFFFFE00];
	v5 =	vmul.f32 v7, v5;
	[tilespmem:s25+$0x1C0] =	vst v4  }
0x323: {  	v4 =	vld [tilespmem:s11+$0x1A0]  }
0x324: {  	[tilespmem:s25+$0x0] =	vst v5;
	v3 =	vmul.f32 v9, v3;
	v5 =	vld [tilespmem:s23+$0x1A0]  }
0x325: {  	v7 =	vld [tilespmem:s11+$0xFFFFFE90]  }
0x326: {  	v9 =	vld [tilespmem:s23+$0xFFFFFE90];
	[tilespmem:s25+$0x90] =	vst v3;
	v2 =	vmul.f32 v6, v2  }
0x327: {  	v3 =	vmul.f32 v8, v10;
	v6 =	vld [tilespmem:s11+$0xFFFFFF10]  }
0x328: {  	v8 =	vld [tilespmem:s23+$0xFFFFFF10];
	[tilespmem:s25+$0x120] =	vst v2  }
0x329: {  	[tilespmem:s25+$0xFFFFFDC0] =	vst v3;
	v2 =	vld [tilespmem:s11+$0xFFFFFF90];
	v3 =	vmul.f32 v5, v4  }
0x32a: {  	v4 =	vld [tilespmem:s11+$0xFFFFFE10]  }
0x32b: {  	v5 =	vld [tilespmem:s23+$0xFFFFFE10];
	v7 =	vmul.f32 v9, v7;
	[tilespmem:s25+$0x1D0] =	vst v3  }
0x32c: {  	v3 =	vld [tilespmem:s11+$0x1B0]  }
0x32d: {  	[tilespmem:s25+$0xFFFFFE60] =	vst v7;
	v6 =	vmul.f32 v8, v6;
	v7 =	vld [tilespmem:s23+$0x1B0]  }
0x32e: {  	v8 =	vld [tilespmem:s23+$0xFFFFFF90]  }
0x32f: {  	[tilespmem:s25+$0xFFFFFEF0] =	vst v6;
	v6 =	vld [tilespmem:s11+$0x10]  }
0x330: {  	v4 =	vmul.f32 v5, v4;
	v5 =	vld [tilespmem:s23+$0x10]  }
0x331: {  	v9 =	vld [tilespmem:s11+$0x90]  }
0x332: {  	[tilespmem:s25+$0xFFFFFDD0] =	vst v4;
	v4 =	vld [tilespmem:s23+$0x90];
	v3 =	vmul.f32 v7, v3  }
0x333: {  	v2 =	vmul.f32 v8, v2;
	v7 =	vld [tilespmem:s11+$0x110]  }
0x334: {  	v8 =	vld [tilespmem:s23+$0x110];
	[tilespmem:s25+$0x1E0] =	vst v3  }
0x335: {  	[tilespmem:s25+$0xFFFFFF80] =	vst v2;
	v2 =	vmul.f32 v5, v6;
	v3 =	vld [tilespmem:s11+$0x1C0]  }
0x336: {  	v5 =	vld [tilespmem:s23+$0x1C0]  }
0x337: {  	v6 =	vld [tilespmem:s11+$0xFFFFFE20];
	[tilespmem:s25+$0x10] =	vst v2;
	v2 =	vmul.f32 v4, v9  }
0x338: {  	v4 =	vld [tilespmem:s23+$0xFFFFFE20]  }
0x339: {  	v9 =	vld [tilespmem:s11+$0xFFFFFEA0];
	[tilespmem:s25+$0xA0] =	vst v2;
	v2 =	vmul.f32 v8, v7  }
0x33a: {  	v7 =	vld [tilespmem:s23+$0xFFFFFEA0]  }
0x33b: {  	v8 =	vld [tilespmem:s11+$0xFFFFFF20];
	[tilespmem:s25+$0x130] =	vst v2;
	v2 =	vmul.f32 v5, v3  }
0x33c: {  	v3 =	vld [tilespmem:s23+$0xFFFFFF20]  }
0x33d: {  	v4 =	vmul.f32 v4, v6;
	v5 =	vld [tilespmem:s11+$0xFFFFFFA0];
	[tilespmem:s25+$0x1F0] =	vst v2  }
0x33e: {  	v2 =	vld [tilespmem:s11+$0x1D0]  }
0x33f: {  	[tilespmem:s25+$0xFFFFFDE0] =	vst v4;
	v4 =	vmul.f32 v7, v9;
	v6 =	vld [tilespmem:s23+$0x1D0]  }
0x340: {  	v7 =	vld [tilespmem:s23+$0xFFFFFFA0]  }
0x341: {  	[tilespmem:s25+$0xFFFFFE70] =	vst v4;
	v3 =	vmul.f32 v3, v8;
	v4 =	vld [tilespmem:s11+$0x20]  }
0x342: {  	v8 =	vld [tilespmem:s23+$0x20]  }
0x343: {  	[tilespmem:s25+$0xFFFFFF00] =	vst v3;
	v3 =	vld [tilespmem:s11+$0xA0]  }
0x344: {  	v9 =	vld [tilespmem:s23+$0xA0];
	v2 =	vmul.f32 v6, v2  }
0x345: {  	v5 =	vmul.f32 v7, v5;
	v6 =	vld [tilespmem:s11+$0x120]  }
0x346: {  	v7 =	vld [tilespmem:s23+$0x120];
	[tilespmem:s25+$0x200] =	vst v2  }
0x347: {  	[tilespmem:s25+$0xFFFFFF90] =	vst v5;
	v2 =	vmul.f32 v8, v4;
	v4 =	vld [tilespmem:s11+$0x1E0]  }
0x348: {  	v5 =	vld [tilespmem:s23+$0x1E0]  }
0x349: {  	v8 =	vld [tilespmem:s11+$0xFFFFFE30];
	[tilespmem:s25+$0x20] =	vst v2;
	v2 =	vmul.f32 v9, v3  }
0x34a: {  	v3 =	vld [tilespmem:s23+$0xFFFFFE30]  }
0x34b: {  	v9 =	vld [tilespmem:s11+$0xFFFFFEB0];
	[tilespmem:s25+$0xB0] =	vst v2;
	v2 =	vmul.f32 v7, v6  }
0x34c: {  	v6 =	vld [tilespmem:s23+$0xFFFFFEB0]  }
0x34d: {  	v7 =	vld [tilespmem:s11+$0xFFFFFF30];
	[tilespmem:s25+$0x140] =	vst v2;
	v2 =	vmul.f32 v5, v4  }
0x34e: {  	v4 =	vld [tilespmem:s23+$0xFFFFFF30]  }
0x34f: {  	v3 =	vmul.f32 v3, v8;
	v5 =	vld [tilespmem:s11+$0xFFFFFFB0];
	[tilespmem:s25+$0x210] =	vst v2  }
0x350: {  	v2 =	vld [tilespmem:s11+$0x1F0]  }
0x351: {  	[tilespmem:s25+$0xFFFFFDF0] =	vst v3;
	v3 =	vmul.f32 v6, v9;
	v6 =	vld [tilespmem:s23+$0x1F0]  }
0x352: {  	v8 =	vld [tilespmem:s23+$0xFFFFFFB0]  }
0x353: {  	[tilespmem:s25+$0xFFFFFE80] =	vst v3;
	v3 =	vmul.f32 v4, v7;
	v4 =	vld [tilespmem:s11+$0x30]  }
0x354: {  	v7 =	vld [tilespmem:s23+$0x30]  }
0x355: {  	[tilespmem:s25+$0xFFFFFF10] =	vst v3;
	v3 =	vld [tilespmem:s11+$0xB0]  }
0x356: {  	v9 =	vld [tilespmem:s23+$0xB0];
	v2 =	vmul.f32 v6, v2  }
0x357: {  	v5 =	vmul.f32 v8, v5;
	v6 =	vld [tilespmem:s11+$0x130]  }
0x358: {  	v8 =	vld [tilespmem:s23+$0x130];
	[tilespmem:s25+$0x220] =	vst v2  }
0x359: {  	v2 =	vld [tilespmem:s11+$0xFFFFFE40];
	[tilespmem:s25+$0xFFFFFFA0] =	vst v5;
	v4 =	vmul.f32 v7, v4  }
0x35a: {  	v5 =	vld [tilespmem:s23+$0xFFFFFE40]  }
0x35b: {  	v7 =	vld [tilespmem:s11+$0xFFFFFEC0];
	[tilespmem:s25+$0x30] =	vst v4;
	v3 =	vmul.f32 v9, v3  }
0x35c: {  	v4 =	vld [tilespmem:s23+$0xFFFFFEC0]  }
0x35d: {  	v9 =	vld [tilespmem:s11+$0xFFFFFF40];
	[tilespmem:s25+$0xC0] =	vst v3;
	v3 =	vmul.f32 v8, v6  }
0x35e: {  	v6 =	vld [tilespmem:s23+$0xFFFFFF40]  }
0x35f: {  	v2 =	vmul.f32 v5, v2;
	v5 =	vld [tilespmem:s11+$0xFFFFFFC0];
	[tilespmem:s25+$0x150] =	vst v3  }
0x360: {  	v3 =	vld [tilespmem:s23+$0xFFFFFFC0]  }
0x361: {  	[tilespmem:s25+$0xFFFFFE00] =	vst v2;
	v2 =	vmul.f32 v4, v7;
	v4 =	vld [tilespmem:s11+$0x40]  }
0x362: {  	v7 =	vld [tilespmem:s23+$0x40]  }
0x363: {  	[tilespmem:s25+$0xFFFFFE90] =	vst v2;
	v2 =	vmul.f32 v6, v9;
	v6 =	vld [tilespmem:s11+$0xC0]  }
0x364: {  	v8 =	vld [tilespmem:s23+$0xC0]  }
0x365: {  	[tilespmem:s25+$0xFFFFFF20] =	vst v2;
	v2 =	vmul.f32 v3, v5;
	v3 =	vld [tilespmem:s11+$0x140]  }
0x366: {  	v5 =	vld [tilespmem:s23+$0x140]  }
0x367: {  	v9 =	vld [tilespmem:s11+$0xFFFFFE50];
	[tilespmem:s25+$0xFFFFFFB0] =	vst v2;
	v2 =	vmul.f32 v7, v4  }
0x368: {  	v4 =	vld [tilespmem:s23+$0xFFFFFE50]  }
0x369: {  	v7 =	vld [tilespmem:s11+$0xFFFFFED0];
	[tilespmem:s25+$0x40] =	vst v2;
	v2 =	vmul.f32 v8, v6  }
0x36a: {  	v6 =	vld [tilespmem:s23+$0xFFFFFED0]  }
0x36b: {  	v8 =	vld [tilespmem:s11+$0xFFFFFF50];
	[tilespmem:s25+$0xD0] =	vst v2;
	v2 =	vmul.f32 v5, v3  }
0x36c: {  	v3 =	vld [tilespmem:s23+$0xFFFFFF50]  }
0x36d: {  	v4 =	vmul.f32 v4, v9;
	v5 =	vld [tilespmem:s11+$0xFFFFFFD0];
	[tilespmem:s25+$0x160] =	vst v2  }
0x36e: {  	v2 =	vld [tilespmem:s23+$0xFFFFFFD0]  }
0x36f: {  	[tilespmem:s25+$0xFFFFFE10] =	vst v4;
	v4 =	vmul.f32 v6, v7;
	v6 =	vld [tilespmem:s11+$0x50]  }
0x370: {  	v7 =	vld [tilespmem:s23+$0x50]  }
0x371: {  	[tilespmem:s25+$0xFFFFFEA0] =	vst v4;
	v3 =	vmul.f32 v3, v8;
	v4 =	vld [tilespmem:s11+$0xD0]  }
0x372: {  	v8 =	vld [tilespmem:s23+$0xD0]  }
0x373: {  	[tilespmem:s25+$0xFFFFFF30] =	vst v3;
	v2 =	vmul.f32 v2, v5;
	v3 =	vld [tilespmem:s11+$0x150]  }
0x374: {  	v5 =	vld [tilespmem:s23+$0x150]  }
0x375: {  	v9 =	vld [tilespmem:s11+$0xFFFFFE60];
	[tilespmem:s25+$0xFFFFFFC0] =	vst v2;
	v2 =	vmul.f32 v7, v6  }
0x376: {  	v6 =	vld [tilespmem:s23+$0xFFFFFE60]  }
0x377: {  	v7 =	vld [tilespmem:s11+$0xFFFFFEE0];
	[tilespmem:s25+$0x50] =	vst v2;
	v2 =	vmul.f32 v8, v4  }
0x378: {  	v4 =	vld [tilespmem:s23+$0xFFFFFEE0]  }
0x379: {  	v8 =	vld [tilespmem:s11+$0xFFFFFF60];
	[tilespmem:s25+$0xE0] =	vst v2;
	v2 =	vmul.f32 v5, v3  }
0x37a: {  	v3 =	vld [tilespmem:s23+$0xFFFFFF60]  }
0x37b: {  	v5 =	vmul.f32 v6, v9;
	v6 =	vld [tilespmem:s11+$0xFFFFFFE0];
	[tilespmem:s25+$0x170] =	vst v2  }
0x37c: {  	v2 =	vld [tilespmem:s23+$0xFFFFFFE0]  }
0x37d: {  	[tilespmem:s25+$0xFFFFFE20] =	vst v5;
	v4 =	vmul.f32 v4, v7;
	v5 =	vld [tilespmem:s11+$0x60]  }
0x37e: {  	v7 =	vld [tilespmem:s23+$0x60]  }
0x37f: {  	[tilespmem:s25+$0xFFFFFEB0] =	vst v4;
	v3 =	vmul.f32 v3, v8;
	v4 =	vld [tilespmem:s11+$0xE0]  }
0x380: {  	v8 =	vld [tilespmem:s23+$0xE0]  }
0x381: {  	[tilespmem:s25+$0xFFFFFF40] =	vst v3;
	v2 =	vmul.f32 v2, v6;
	v3 =	vld [tilespmem:s11+$0x160]  }
0x382: {  	v6 =	vld [tilespmem:s23+$0x160]  }
0x383: {  	v9 =	vld [tilespmem:s11+$0xFFFFFE70];
	[tilespmem:s25+$0xFFFFFFD0] =	vst v2;
	v2 =	vmul.f32 v7, v5  }
0x384: {  	v5 =	vld [tilespmem:s23+$0xFFFFFE70]  }
0x385: {  	v7 =	vld [tilespmem:s11+$0xFFFFFEF0];
	[tilespmem:s25+$0x60] =	vst v2;
	v2 =	vmul.f32 v8, v4  }
0x386: {  	v4 =	vld [tilespmem:s23+$0xFFFFFEF0]  }
0x387: {  	v8 =	vld [tilespmem:s11+$0xFFFFFF70];
	[tilespmem:s25+$0xF0] =	vst v2;
	v2 =	vmul.f32 v6, v3  }
0x388: {  	v3 =	vld [tilespmem:s23+$0xFFFFFF70]  }
0x389: {  	v5 =	vmul.f32 v5, v9;
	v9 =	vld [tilespmem:s11+$0xFFFFFFF0];
	[tilespmem:s25+$0x180] =	vst v2  }
0x38a: {  	v10 =	vld [tilespmem:s23+$0xFFFFFFF0]  }
0x38b: {  	[tilespmem:s25+$0xFFFFFE30] =	vst v5;
	v5 =	vmul.f32 v4, v7;
	v2 =	vld [tilespmem:s11+$0x70]  }
.Ltmp6:
0x38c: {  	v4 =	vld [tilespmem:s23+$0x70];
	(pc) =	sbr.rel @p0 .LBB2_14-.Ltmp6, $4  }
0x38d: {  	[tilespmem:s25+$0xFFFFFEC0] =	vst v5;
	v5 =	vmul.f32 v3, v8;
	v3 =	vld [tilespmem:s11+$0xF0]  }
0x38e: {  	v6 =	vld [tilespmem:s23+$0xF0]  }
0x38f: {  	[tilespmem:s25+$0xFFFFFF50] =	vst v5;
	v8 =	vmul.f32 v10, v9;
	v5 =	vld [tilespmem:s11+$0x170]  }
0x390: {  	s11 =	sadd.s32 $0x400, s11;
	v7 =	vld [tilespmem:s23+$0x170]  }
0x391: {  	_ =	sdelay $0x1  }
0x392: {  	v2 =	vmul.f32 v4, v2  }
0x393: {  	[tilespmem:s25+$0xFFFFFFE0] =	vst v8;
	v3 =	vmul.f32 v6, v3  }
0x394: {  	[tilespmem:s25+$0x70] =	vst v2;
	v2 =	vmul.f32 v7, v5  }
0x395: {  	[tilespmem:s25+$0x100] =	vst v3  }
0x396: {  	[tilespmem:s25+$0x190] =	vst v2  }
0x397: {  	_ =	swait.ge [sflag:s10], $0x28  }
0x398: {  	[sflag:s10] =	ssyncset.done $0x0  }
0x399: {  	s5 =	simm.s32 $0x1B030;
	[sflag:s10] =	ssyncadd.s32 $0xFFFFFFD8  }
0x39a: {  	[spmem:s4] =	stream.indirect.scatter.add.f32 [tilespmem:s5], [sflag:$0x9], $0x90, s22, s30, $0xb8;
	[tilespmem:$0x1EB40] =	vst v63  }
0x39b: {  	_ =	swait.ge [sflag:s20], $0x1680  }
0x39c: {  	[sflag:s20] =	ssyncset.done $0x0  }
0x39d: {  	[sflag:s20] =	ssyncadd.s32 $0xFFFFE980  }
0x39e: {  	_ =	swait.ge [sflag:s12], $0x1400  }
0x39f: {  	[sflag:s12] =	ssyncset.done $0x0  }
0x3a0: {  	[sflag:s12] =	ssyncadd.s32 $0xFFFFEC00  }
0x3a1: {  	_ =	swait.ge [sflag:s13], $0x1400  }
0x3a2: {  	[sflag:s13] =	ssyncset.done $0x0  }
0x3a3: {  	s31 =	simm.s32 $0x1A020;
	[sflag:s13] =	ssyncadd.s32 $0xFFFFEC00  }
0x3a4: {  	s23 =	simm.s32 $0x17820;
	v2 =	vld [tilespmem:s31+$0xFFFFFF90]  }
0x3a5: {  	v3 =	vld [tilespmem:s23+$0xFFFFFF90]  }
0x3a6: {  	v4 =	vld [tilespmem:s23+$0xFFFFFC10]  }
0x3a7: {  	v5 =	vld [tilespmem:s31+$0xFFFFFC90]  }
0x3a8: {  	v6 =	vld [tilespmem:s23+$0xFFFFFC90]  }
0x3a9: {  	v7 =	vld [tilespmem:s31+$0xFFFFFD10]  }
0x3aa: {  	v8 =	vld [tilespmem:s23+$0xFFFFFD10]  }
0x3ab: {  	v9 =	vld [tilespmem:s23+$0xFFFFFD90]  }
0x3ac: {  	v11 =	vld [tilespmem:s31+$0xFFFFFE10]  }
0x3ad: {  	v12 =	vld [tilespmem:s23+$0xFFFFFE10];
	v2 =	vmul.f32 v3, v2  }
0x3ae: {  	s25 =	simm.s32 $0x1CB10;
	v13 =	vld [tilespmem:s31+$0xFFFFFE90]  }
0x3af: {  	v3 =	vld [tilespmem:s31+$0xFFFFFD90];
	[tilespmem:s25+$0xFFFFFF90] =	vst v2  }
0x3b0: {  	v2 =	vld [tilespmem:s31+$0xFFFFFFA0]  }
0x3b1: {  	v10 =	vld [tilespmem:s23+$0xFFFFFFA0]  }
0x3b2: {  	v5 =	vmul.f32 v6, v5;
	v6 =	vld [tilespmem:s31+$0xFFFFFC10]  }
0x3b3: {  	v14 =	vld [tilespmem:s23+$0xFFFFFE90]  }
0x3b4: {  	v15 =	vld [tilespmem:s31+$0xFFFFFF10];
	[tilespmem:s25+$0xFFFFFC30] =	vst v5;
	v5 =	vmul.f32 v8, v7  }
0x3b5: {  	v8 =	vld [tilespmem:s31+$0xFFFFFCA0];
	v3 =	vmul.f32 v9, v3  }
0x3b6: {  	[tilespmem:s25+$0xFFFFFCC0] =	vst v5;
	v5 =	vld [tilespmem:s23+$0xFFFFFCA0];
	v2 =	vmul.f32 v10, v2  }
0x3b7: {  	v4 =	vmul.f32 v4, v6;
	v6 =	vld [tilespmem:s31+$0xFFFFFD20];
	[tilespmem:s25+$0xFFFFFD50] =	vst v3  }
0x3b8: {  	v3 =	vld [tilespmem:s23+$0xFFFFFD20];
	[tilespmem:s25+$0xFFFFFFA0] =	vst v2  }
0x3b9: {  	v2 =	vld [tilespmem:s31+$0xFFFFFFB0]  }
0x3ba: {  	v7 =	vld [tilespmem:s23+$0xFFFFFFB0]  }
0x3bb: {  	[tilespmem:s25+$0xFFFFFBA0] =	vst v4;
	v4 =	vld [tilespmem:s31+$0xFFFFFDA0]  }
0x3bc: {  	v39 =	vld [tilespmem:s23+$0xFFFFFDA0]  }
0x3bd: {  	v10 =	vld [tilespmem:s23+$0xFFFFFF10];
	v5 =	vmul.f32 v5, v8  }
0x3be: {  	v9 =	vld [tilespmem:s23+$0xFFFFFC20];
	v3 =	vmul.f32 v3, v6  }
0x3bf: {  	[tilespmem:s25+$0xFFFFFC40] =	vst v5;
	v2 =	vmul.f32 v7, v2;
	v7 =	vld [tilespmem:s31+$0xFFFFFC20]  }
0x3c0: {  	v6 =	vld [tilespmem:s31+$0xFFFFFCB0];
	[tilespmem:s25+$0xFFFFFCD0] =	vst v3  }
0x3c1: {  	v3 =	vmul.f32 v39, v4;
	v4 =	vld [tilespmem:s23+$0xFFFFFCB0];
	[tilespmem:s25+$0xFFFFFFB0] =	vst v2;
	v2 =	vmul.f32 v12, v11  }
0x3c2: {  	v11 =	vld [tilespmem:s31+$0xFFFFFFC0]  }
0x3c3: {  	v38 =	vld [tilespmem:s23+$0xFFFFFFC0];
	[tilespmem:s25+$0xFFFFFDE0] =	vst v2;
	v2 =	vmul.f32 v14, v13  }
0x3c4: {  	v43 =	vld [tilespmem:s31+$0xFFFFFD30];
	[tilespmem:s25+$0xFFFFFD60] =	vst v3;
	v7 =	vmul.f32 v9, v7  }
0x3c5: {  	v3 =	vld [tilespmem:s23+$0xFFFFFD30];
	[tilespmem:s25+$0xFFFFFE70] =	vst v2;
	v2 =	vmul.f32 v10, v15  }
0x3c6: {  	v41 =	vld [tilespmem:s31+$0xFFFFFEA0];
	[tilespmem:s25+$0xFFFFFBB0] =	vst v7  }
0x3c7: {  	[tilespmem:s25+$0xFFFFFF00] =	vst v2;
	v2 =	vld [tilespmem:s23+$0xFFFFFEA0]  }
0x3c8: {  	v11 =	vmul.f32 v38, v11;
	v8 =	vld [tilespmem:s31+$0xFFFFFC30]  }
0x3c9: {  	v5 =	vld [tilespmem:s23+$0xFFFFFC30]  }
0x3ca: {  	v42 =	vld [tilespmem:s31+$0xFFFFFF20];
	[tilespmem:s25+$0xFFFFFFC0] =	vst v11  }
0x3cb: {  	v11 =	vld [tilespmem:s31+$0xFFFFFFD0]  }
0x3cc: {  	v7 =	vld [tilespmem:s23+$0xFFFFFFD0]  }
0x3cd: {  	v4 =	vmul.f32 v4, v6;
	v9 =	vld [tilespmem:s23+$0xFFFFFF20]  }
0x3ce: {  	v40 =	vld [tilespmem:s31+$0xFFFFFE20]  }
0x3cf: {  	[tilespmem:s25+$0xFFFFFC50] =	vst v4;
	v10 =	vld [tilespmem:s23+$0xFFFFFE20];
	v2 =	vmul.f32 v2, v41  }
0x3d0: {  	v48 =	vld [tilespmem:s31+$0xFFFFFCC0];
	v5 =	vmul.f32 v5, v8  }
0x3d1: {  	[tilespmem:s25+$0xFFFFFE80] =	vst v2;
	v7 =	vmul.f32 v7, v11;
	v11 =	vld [tilespmem:s31+$0xFFFFFDB0]  }
0x3d2: {  	v2 =	vmul.f32 v9, v42;
	[tilespmem:s25+$0xFFFFFBC0] =	vst v5;
	v46 =	vld [tilespmem:s31+$0xFFFFFEB0]  }
0x3d3: {  	v6 =	vld [tilespmem:s31+$0xFFFFFC40]  }
0x3d4: {  	v4 =	vld [tilespmem:s23+$0xFFFFFC40];
	[tilespmem:s25+$0xFFFFFF10] =	vst v2  }
0x3d5: {  	v2 =	vld [tilespmem:s23+$0xFFFFFEB0];
	[tilespmem:s25+$0xFFFFFFD0] =	vst v7  }
0x3d6: {  	v7 =	vmul.f32 v10, v40;
	v10 =	vld [tilespmem:s31+$0xFFFFFFE0]  }
0x3d7: {  	v44 =	vld [tilespmem:s23+$0xFFFFFFE0]  }
0x3d8: {  	[tilespmem:s25+$0xFFFFFDF0] =	vst v7;
	v7 =	vld [tilespmem:s23+$0xFFFFFDB0]  }
0x3d9: {  	v47 =	vld [tilespmem:s31+$0xFFFFFF30]  }
0x3da: {  	v8 =	vld [tilespmem:s23+$0xFFFFFF30]  }
0x3db: {  	v3 =	vmul.f32 v3, v43;
	v45 =	vld [tilespmem:s31+$0xFFFFFE30]  }
0x3dc: {  	v9 =	vld [tilespmem:s23+$0xFFFFFE30];
	v2 =	vmul.f32 v2, v46  }
0x3dd: {  	[tilespmem:s25+$0xFFFFFCE0] =	vst v3;
	v10 =	vmul.f32 v44, v10;
	v3 =	vmul.f32 v7, v11;
	v7 =	vld [tilespmem:s23+$0xFFFFFCC0]  }
0x3de: {  	[tilespmem:s25+$0xFFFFFE90] =	vst v2;
	v11 =	vld [tilespmem:s31+$0xFFFFFD40]  }
0x3df: {  	v51 =	vld [tilespmem:s31+$0xFFFFFEC0];
	[tilespmem:s25+$0xFFFFFFE0] =	vst v10  }
0x3e0: {  	v2 =	vmul.f32 v8, v47;
	v10 =	vld [tilespmem:s31+$0xFFFFFFF0]  }
0x3e1: {  	v5 =	vld [tilespmem:s23+$0xFFFFFFF0]  }
0x3e2: {  	[tilespmem:s25+$0xFFFFFF20] =	vst v2;
	v2 =	vmul.f32 v4, v6;
	v4 =	vld [tilespmem:s23+$0xFFFFFEC0]  }
0x3e3: {  	[tilespmem:s25+$0xFFFFFD70] =	vst v3;
	v3 =	vld [tilespmem:s23+$0xFFFFFD40]  }
0x3e4: {  	v6 =	vld [tilespmem:s31+$0xFFFFFF40];
	[tilespmem:s25+$0xFFFFFBD0] =	vst v2  }
0x3e5: {  	v52 =	vld [tilespmem:s31+$0xFFFFFC50];
	v2 =	vmul.f32 v7, v48  }
0x3e6: {  	v7 =	vld [tilespmem:s23+$0xFFFFFF40];
	v5 =	vmul.f32 v5, v10  }
0x3e7: {  	v10 =	vld [tilespmem:s31+$0xFFFFFDC0];
	[tilespmem:s25+$0xFFFFFC60] =	vst v2  }
0x3e8: {  	v2 =	vmul.f32 v3, v11;
	v3 =	vld [tilespmem:s23+$0xFFFFFC50];
	[tilespmem:s25+$0xFFFFFFF0] =	vst v5;
	v5 =	vmul.f32 v9, v45  }
0x3e9: {  	v11 =	vld [tilespmem:s31+$0xFFFFFCD0]  }
0x3ea: {  	[tilespmem:s25+$0xFFFFFE00] =	vst v5;
	v5 =	vld [tilespmem:s23+$0xFFFFFDC0]  }
0x3eb: {  	v50 =	vld [tilespmem:s31+$0xFFFFFE40]  }
0x3ec: {  	v8 =	vld [tilespmem:s23+$0xFFFFFE40]  }
0x3ed: {  	v9 =	vld [tilespmem:s31+$0x0]  }
0x3ee: {  	v49 =	vld [tilespmem:s23+$0x0]  }
0x3ef: {  	[tilespmem:s25+$0xFFFFFCF0] =	vst v2;
	v2 =	vmul.f32 v5, v10;
	v5 =	vld [tilespmem:s23+$0xFFFFFCD0]  }
0x3f0: {  	v10 =	vld [tilespmem:s31+$0xFFFFFD50]  }
0x3f1: {  	[tilespmem:s25+$0xFFFFFD80] =	vst v2;
	v2 =	vmul.f32 v8, v50;
	v8 =	vld [tilespmem:s23+$0xFFFFFD50]  }
0x3f2: {  	v3 =	vmul.f32 v3, v52;
	v53 =	vld [tilespmem:s31+$0xFFFFFDD0]  }
0x3f3: {  	[tilespmem:s25+$0xFFFFFE10] =	vst v2;
	v2 =	vmul.f32 v4, v51;
	v4 =	vld [tilespmem:s23+$0xFFFFFDD0]  }
0x3f4: {  	[tilespmem:s25+$0xFFFFFBE0] =	vst v3;
	v54 =	vld [tilespmem:s31+$0xFFFFFE50]  }
0x3f5: {  	v3 =	vmul.f32 v5, v11;
	v11 =	vld [tilespmem:s31+$0xFFFFFC60]  }
0x3f6: {  	[tilespmem:s25+$0xFFFFFEA0] =	vst v2;
	v2 =	vmul.f32 v7, v6;
	v6 =	vld [tilespmem:s23+$0xFFFFFE50]  }
0x3f7: {  	v7 =	vld [tilespmem:s31+$0xFFFFFED0]  }
0x3f8: {  	[tilespmem:s25+$0xFFFFFC70] =	vst v3;
	v3 =	vmul.f32 v8, v10;
	v8 =	vld [tilespmem:s23+$0xFFFFFC60]  }
0x3f9: {  	[tilespmem:s25+$0xFFFFFF30] =	vst v2;
	v2 =	vld [tilespmem:s23+$0xFFFFFED0]  }
0x3fa: {  	v10 =	vld [tilespmem:s31+$0xFFFFFCE0]  }
0x3fb: {  	v55 =	vld [tilespmem:s31+$0xFFFFFF50]  }
0x3fc: {  	v5 =	vld [tilespmem:s23+$0xFFFFFF50]  }
0x3fd: {  	[tilespmem:s25+$0xFFFFFD00] =	vst v3;
	v3 =	vmul.f32 v4, v53;
	v4 =	vld [tilespmem:s23+$0xFFFFFCE0]  }
0x3fe: {  	v56 =	vld [tilespmem:s31+$0xFFFFFD60]  }
0x3ff: {  	[tilespmem:s25+$0xFFFFFD90] =	vst v3;
	v3 =	vmul.f32 v6, v54;
	v6 =	vld [tilespmem:s23+$0xFFFFFD60]  }
0x400: {  	v57 =	vld [tilespmem:s31+$0xFFFFFDE0];
	v8 =	vmul.f32 v8, v11  }
0x401: {  	[tilespmem:s25+$0xFFFFFE20] =	vst v3;
	v2 =	vmul.f32 v2, v7;
	v3 =	vld [tilespmem:s23+$0xFFFFFDE0]  }
0x402: {  	v7 =	vld [tilespmem:s31+$0xFFFFFE60];
	[tilespmem:s25+$0xFFFFFBF0] =	vst v8  }
0x403: {  	[tilespmem:s25+$0xFFFFFEB0] =	vst v2;
	v2 =	vmul.f32 v5, v55;
	v5 =	vld [tilespmem:s23+$0xFFFFFE60]  }
0x404: {  	v4 =	vmul.f32 v4, v10;
	v10 =	vld [tilespmem:s31+$0xFFFFFC70]  }
0x405: {  	v58 =	vld [tilespmem:s31+$0xFFFFFEE0]  }
0x406: {  	[tilespmem:s25+$0xFFFFFC80] =	vst v4;
	v4 =	vmul.f32 v6, v56;
	v6 =	vld [tilespmem:s23+$0xFFFFFC70]  }
0x407: {  	[tilespmem:s25+$0xFFFFFF40] =	vst v2;
	v2 =	vld [tilespmem:s23+$0xFFFFFEE0]  }
0x408: {  	v59 =	vld [tilespmem:s31+$0xFFFFFCF0]  }
0x409: {  	v11 =	vld [tilespmem:s31+$0xFFFFFF60]  }
0x40a: {  	v8 =	vld [tilespmem:s23+$0xFFFFFF60]  }
0x40b: {  	[tilespmem:s25+$0xFFFFFD10] =	vst v4;
	v3 =	vmul.f32 v3, v57;
	v4 =	vld [tilespmem:s23+$0xFFFFFCF0]  }
0x40c: {  	v60 =	vld [tilespmem:s31+$0xFFFFFD70]  }
0x40d: {  	[tilespmem:s25+$0xFFFFFDA0] =	vst v3;
	v3 =	vmul.f32 v5, v7;
	v5 =	vld [tilespmem:s23+$0xFFFFFD70]  }
0x40e: {  	v7 =	vld [tilespmem:s31+$0xFFFFFDF0];
	v6 =	vmul.f32 v6, v10  }
0x40f: {  	[tilespmem:s25+$0xFFFFFE30] =	vst v3;
	v2 =	vmul.f32 v2, v58;
	v3 =	vld [tilespmem:s23+$0xFFFFFDF0]  }
0x410: {  	v61 =	vld [tilespmem:s31+$0xFFFFFE70];
	[tilespmem:s25+$0xFFFFFC00] =	vst v6  }
0x411: {  	[tilespmem:s25+$0xFFFFFEC0] =	vst v2;
	v2 =	vmul.f32 v8, v11;
	v8 =	vld [tilespmem:s23+$0xFFFFFE70]  }
0x412: {  	v4 =	vmul.f32 v4, v59;
	v62 =	vld [tilespmem:s31+$0xFFFFFC80]  }
0x413: {  	v11 =	vld [tilespmem:s31+$0xFFFFFEF0]  }
0x414: {  	[tilespmem:s25+$0xFFFFFC90] =	vst v4;
	v4 =	vmul.f32 v5, v60;
	v5 =	vld [tilespmem:s23+$0xFFFFFC80]  }
0x415: {  	[tilespmem:s25+$0xFFFFFF50] =	vst v2;
	v2 =	vld [tilespmem:s23+$0xFFFFFEF0]  }
0x416: {  	v63 =	vld [tilespmem:s31+$0xFFFFFD00]  }
0x417: {  	v10 =	vld [tilespmem:s31+$0xFFFFFF70]  }
0x418: {  	v6 =	vld [tilespmem:s23+$0xFFFFFF70]  }
0x419: {  	[tilespmem:s25+$0xFFFFFD20] =	vst v4;
	v3 =	vmul.f32 v3, v7;
	v7 =	vld [tilespmem:s23+$0xFFFFFD00]  }
0x41a: {  	v16 =	vld [tilespmem:s31+$0xFFFFFD80]  }
0x41b: {  	[tilespmem:s25+$0xFFFFFDB0] =	vst v3;
	v3 =	vmul.f32 v8, v61;
	v8 =	vld [tilespmem:s23+$0xFFFFFD80]  }
0x41c: {  	v4 =	vmul.f32 v49, v9;
	v9 =	vld [tilespmem:s31+$0xFFFFFE00]  }
0x41d: {  	[tilespmem:s25+$0xFFFFFE40] =	vst v3;
	v3 =	vmul.f32 v2, v11;
	v11 =	vld [tilespmem:s23+$0xFFFFFE00]  }
0x41e: {  	[tilespmem:s25+$0x0] =	vst v4;
	v5 =	vmul.f32 v5, v62;
	v2 =	vld [tilespmem:s31+$0xFFFFFE80]  }
0x41f: {  	v6 =	vmul.f32 v6, v10;
	v4 =	vld [tilespmem:s23+$0xFFFFFE80];
	[tilespmem:s25+$0xFFFFFED0] =	vst v3  }
0x420: {  	[tilespmem:s25+$0xFFFFFC10] =	vst v5;
	v3 =	vld [tilespmem:s31+$0xFFFFFF00];
	v8 =	vmul.f32 v8, v16  }
0x421: {  	v7 =	vmul.f32 v7, v63;
	[tilespmem:s25+$0xFFFFFF60] =	vst v6;
	v6 =	vld [tilespmem:s23+$0xFFFFFF00]  }
0x422: {  	v5 =	vld [tilespmem:s31+$0xFFFFFF80];
	[tilespmem:s25+$0xFFFFFD30] =	vst v8;
	v8 =	vmul.f32 v11, v9  }
0x423: {  	s11 =	simm.s32 $0x1A420;
	s5 =	simm.s32 $0x0;
	[tilespmem:s25+$0xFFFFFCA0] =	vst v7;
	v7 =	vld [tilespmem:s23+$0xFFFFFF80]  }
.LBB2_16:
0x424: {  	v9 =	vld [tilespmem:s11+$0xFFFFFF90];
	[tilespmem:s25+$0xFFFFFDC0] =	vst v8;
	v2 =	vmul.f32 v4, v2;
	s23 =	sadd.s32 $0x400, s23  }
0x425: {  	v4 =	vld [tilespmem:s23+$0xFFFFFF90]  }
0x426: {  	v8 =	vld [tilespmem:s23+$0xFFFFFC10];
	[tilespmem:s25+$0xFFFFFE50] =	vst v2;
	v2 =	vmul.f32 v6, v3  }
0x427: {  	v3 =	vld [tilespmem:s11+$0xFFFFFC90]  }
0x428: {  	v6 =	vld [tilespmem:s23+$0xFFFFFC90];
	[tilespmem:s25+$0xFFFFFEE0] =	vst v2;
	v2 =	vmul.f32 v7, v5  }
0x429: {  	v5 =	vld [tilespmem:s11+$0xFFFFFD10]  }
0x42a: {  	v7 =	vld [tilespmem:s23+$0xFFFFFD10];
	v4 =	vmul.f32 v4, v9;
	[tilespmem:s25+$0xFFFFFF70] =	vst v2  }
0x42b: {  	s25 =	sadd.s32 $0x480, s25;
	v2 =	vld [tilespmem:s11+$0xFFFFFD90]  }
0x42c: {  	s5 =	sadd.s32 $0x8, s5;
	v9 =	vld [tilespmem:s23+$0xFFFFFD90];
	[tilespmem:s25+$0xFFFFFF90] =	vst v4  }
0x42d: {  	p0 =	slt.u32 s5, $0x20;
	v3 =	vmul.f32 v6, v3;
	v4 =	vld [tilespmem:s11+$0xFFFFFFA0]  }
0x42e: {  	v6 =	vld [tilespmem:s23+$0xFFFFFFA0]  }
0x42f: {  	[tilespmem:s25+$0xFFFFFC30] =	vst v3;
	v3 =	vmul.f32 v7, v5;
	v5 =	vld [tilespmem:s11+$0xFFFFFE10]  }
0x430: {  	v7 =	vld [tilespmem:s23+$0xFFFFFE10]  }
0x431: {  	[tilespmem:s25+$0xFFFFFCC0] =	vst v3;
	v2 =	vmul.f32 v9, v2;
	v3 =	vld [tilespmem:s11+$0xFFFFFE90]  }
0x432: {  	v9 =	vld [tilespmem:s23+$0xFFFFFE90]  }
0x433: {  	[tilespmem:s25+$0xFFFFFD50] =	vst v2;
	v2 =	vld [tilespmem:s11+$0xFFFFFF10];
	v4 =	vmul.f32 v6, v4  }
0x434: {  	v6 =	vld [tilespmem:s23+$0xFFFFFF10]  }
0x435: {  	v10 =	vld [tilespmem:s11+$0xFFFFFC10];
	v5 =	vmul.f32 v7, v5;
	[tilespmem:s25+$0xFFFFFFA0] =	vst v4  }
0x436: {  	v4 =	vld [tilespmem:s11+$0xFFFFFFB0]  }
0x437: {  	[tilespmem:s25+$0xFFFFFDE0] =	vst v5;
	v3 =	vmul.f32 v9, v3;
	v5 =	vld [tilespmem:s23+$0xFFFFFFB0]  }
0x438: {  	v7 =	vld [tilespmem:s11+$0xFFFFFCA0]  }
0x439: {  	v9 =	vld [tilespmem:s23+$0xFFFFFCA0];
	[tilespmem:s25+$0xFFFFFE70] =	vst v3;
	v2 =	vmul.f32 v6, v2  }
0x43a: {  	v3 =	vmul.f32 v8, v10;
	v6 =	vld [tilespmem:s11+$0xFFFFFD20]  }
0x43b: {  	v8 =	vld [tilespmem:s23+$0xFFFFFD20];
	[tilespmem:s25+$0xFFFFFF00] =	vst v2  }
0x43c: {  	[tilespmem:s25+$0xFFFFFBA0] =	vst v3;
	v2 =	vld [tilespmem:s11+$0xFFFFFDA0];
	v3 =	vmul.f32 v5, v4  }
0x43d: {  	v4 =	vld [tilespmem:s11+$0xFFFFFC20]  }
0x43e: {  	v5 =	vld [tilespmem:s23+$0xFFFFFC20];
	v7 =	vmul.f32 v9, v7;
	[tilespmem:s25+$0xFFFFFFB0] =	vst v3  }
0x43f: {  	v3 =	vld [tilespmem:s11+$0xFFFFFFC0]  }
0x440: {  	[tilespmem:s25+$0xFFFFFC40] =	vst v7;
	v6 =	vmul.f32 v8, v6;
	v7 =	vld [tilespmem:s23+$0xFFFFFFC0]  }
0x441: {  	v8 =	vld [tilespmem:s23+$0xFFFFFDA0]  }
0x442: {  	[tilespmem:s25+$0xFFFFFCD0] =	vst v6;
	v6 =	vld [tilespmem:s11+$0xFFFFFE20]  }
0x443: {  	v4 =	vmul.f32 v5, v4;
	v5 =	vld [tilespmem:s23+$0xFFFFFE20]  }
0x444: {  	v9 =	vld [tilespmem:s11+$0xFFFFFEA0]  }
0x445: {  	[tilespmem:s25+$0xFFFFFBB0] =	vst v4;
	v4 =	vld [tilespmem:s23+$0xFFFFFEA0];
	v3 =	vmul.f32 v7, v3  }
0x446: {  	v2 =	vmul.f32 v8, v2;
	v7 =	vld [tilespmem:s11+$0xFFFFFF20]  }
0x447: {  	v8 =	vld [tilespmem:s23+$0xFFFFFF20];
	[tilespmem:s25+$0xFFFFFFC0] =	vst v3  }
0x448: {  	[tilespmem:s25+$0xFFFFFD60] =	vst v2;
	v2 =	vmul.f32 v5, v6;
	v3 =	vld [tilespmem:s11+$0xFFFFFFD0]  }
0x449: {  	v5 =	vld [tilespmem:s23+$0xFFFFFFD0]  }
0x44a: {  	v6 =	vld [tilespmem:s11+$0xFFFFFC30];
	[tilespmem:s25+$0xFFFFFDF0] =	vst v2;
	v2 =	vmul.f32 v4, v9  }
0x44b: {  	v4 =	vld [tilespmem:s23+$0xFFFFFC30]  }
0x44c: {  	v9 =	vld [tilespmem:s11+$0xFFFFFCB0];
	[tilespmem:s25+$0xFFFFFE80] =	vst v2;
	v2 =	vmul.f32 v8, v7  }
0x44d: {  	v7 =	vld [tilespmem:s23+$0xFFFFFCB0]  }
0x44e: {  	v8 =	vld [tilespmem:s11+$0xFFFFFD30];
	[tilespmem:s25+$0xFFFFFF10] =	vst v2;
	v2 =	vmul.f32 v5, v3  }
0x44f: {  	v3 =	vld [tilespmem:s23+$0xFFFFFD30]  }
0x450: {  	v4 =	vmul.f32 v4, v6;
	v5 =	vld [tilespmem:s11+$0xFFFFFDB0];
	[tilespmem:s25+$0xFFFFFFD0] =	vst v2  }
0x451: {  	v2 =	vld [tilespmem:s11+$0xFFFFFFE0]  }
0x452: {  	[tilespmem:s25+$0xFFFFFBC0] =	vst v4;
	v4 =	vmul.f32 v7, v9;
	v6 =	vld [tilespmem:s23+$0xFFFFFFE0]  }
0x453: {  	v7 =	vld [tilespmem:s23+$0xFFFFFDB0]  }
0x454: {  	[tilespmem:s25+$0xFFFFFC50] =	vst v4;
	v3 =	vmul.f32 v3, v8;
	v4 =	vld [tilespmem:s11+$0xFFFFFE30]  }
0x455: {  	v8 =	vld [tilespmem:s23+$0xFFFFFE30]  }
0x456: {  	[tilespmem:s25+$0xFFFFFCE0] =	vst v3;
	v3 =	vld [tilespmem:s11+$0xFFFFFEB0]  }
0x457: {  	v9 =	vld [tilespmem:s23+$0xFFFFFEB0];
	v2 =	vmul.f32 v6, v2  }
0x458: {  	v5 =	vmul.f32 v7, v5;
	v6 =	vld [tilespmem:s11+$0xFFFFFF30]  }
0x459: {  	v7 =	vld [tilespmem:s23+$0xFFFFFF30];
	[tilespmem:s25+$0xFFFFFFE0] =	vst v2  }
0x45a: {  	[tilespmem:s25+$0xFFFFFD70] =	vst v5;
	v2 =	vmul.f32 v8, v4;
	v4 =	vld [tilespmem:s11+$0xFFFFFFF0]  }
0x45b: {  	v5 =	vld [tilespmem:s23+$0xFFFFFFF0]  }
0x45c: {  	v8 =	vld [tilespmem:s11+$0xFFFFFC40];
	[tilespmem:s25+$0xFFFFFE00] =	vst v2;
	v2 =	vmul.f32 v9, v3  }
0x45d: {  	v3 =	vld [tilespmem:s23+$0xFFFFFC40]  }
0x45e: {  	v9 =	vld [tilespmem:s11+$0xFFFFFCC0];
	[tilespmem:s25+$0xFFFFFE90] =	vst v2;
	v2 =	vmul.f32 v7, v6  }
0x45f: {  	v6 =	vld [tilespmem:s23+$0xFFFFFCC0]  }
0x460: {  	v7 =	vld [tilespmem:s11+$0xFFFFFD40];
	[tilespmem:s25+$0xFFFFFF20] =	vst v2;
	v2 =	vmul.f32 v5, v4  }
0x461: {  	v4 =	vld [tilespmem:s23+$0xFFFFFD40]  }
0x462: {  	v3 =	vmul.f32 v3, v8;
	v5 =	vld [tilespmem:s11+$0xFFFFFDC0];
	[tilespmem:s25+$0xFFFFFFF0] =	vst v2  }
0x463: {  	v2 =	vld [tilespmem:s11+$0x0]  }
0x464: {  	[tilespmem:s25+$0xFFFFFBD0] =	vst v3;
	v3 =	vmul.f32 v6, v9;
	v6 =	vld [tilespmem:s23+$0x0]  }
0x465: {  	v8 =	vld [tilespmem:s23+$0xFFFFFDC0]  }
0x466: {  	[tilespmem:s25+$0xFFFFFC60] =	vst v3;
	v3 =	vmul.f32 v4, v7;
	v4 =	vld [tilespmem:s11+$0xFFFFFE40]  }
0x467: {  	v7 =	vld [tilespmem:s23+$0xFFFFFE40]  }
0x468: {  	[tilespmem:s25+$0xFFFFFCF0] =	vst v3;
	v3 =	vld [tilespmem:s11+$0xFFFFFEC0]  }
0x469: {  	v9 =	vld [tilespmem:s23+$0xFFFFFEC0];
	v2 =	vmul.f32 v6, v2  }
0x46a: {  	v5 =	vmul.f32 v8, v5;
	v6 =	vld [tilespmem:s11+$0xFFFFFF40]  }
0x46b: {  	v8 =	vld [tilespmem:s23+$0xFFFFFF40];
	[tilespmem:s25+$0x0] =	vst v2  }
0x46c: {  	v2 =	vld [tilespmem:s11+$0xFFFFFC50];
	[tilespmem:s25+$0xFFFFFD80] =	vst v5;
	v4 =	vmul.f32 v7, v4  }
0x46d: {  	v5 =	vld [tilespmem:s23+$0xFFFFFC50]  }
0x46e: {  	v7 =	vld [tilespmem:s11+$0xFFFFFCD0];
	[tilespmem:s25+$0xFFFFFE10] =	vst v4;
	v3 =	vmul.f32 v9, v3  }
0x46f: {  	v4 =	vld [tilespmem:s23+$0xFFFFFCD0]  }
0x470: {  	v9 =	vld [tilespmem:s11+$0xFFFFFD50];
	[tilespmem:s25+$0xFFFFFEA0] =	vst v3;
	v3 =	vmul.f32 v8, v6  }
0x471: {  	v6 =	vld [tilespmem:s23+$0xFFFFFD50]  }
0x472: {  	v2 =	vmul.f32 v5, v2;
	v5 =	vld [tilespmem:s11+$0xFFFFFDD0];
	[tilespmem:s25+$0xFFFFFF30] =	vst v3  }
0x473: {  	v3 =	vld [tilespmem:s23+$0xFFFFFDD0]  }
0x474: {  	[tilespmem:s25+$0xFFFFFBE0] =	vst v2;
	v2 =	vmul.f32 v4, v7;
	v4 =	vld [tilespmem:s11+$0xFFFFFE50]  }
0x475: {  	v7 =	vld [tilespmem:s23+$0xFFFFFE50]  }
0x476: {  	[tilespmem:s25+$0xFFFFFC70] =	vst v2;
	v2 =	vmul.f32 v6, v9;
	v6 =	vld [tilespmem:s11+$0xFFFFFED0]  }
0x477: {  	v8 =	vld [tilespmem:s23+$0xFFFFFED0]  }
0x478: {  	[tilespmem:s25+$0xFFFFFD00] =	vst v2;
	v2 =	vmul.f32 v3, v5;
	v3 =	vld [tilespmem:s11+$0xFFFFFF50]  }
0x479: {  	v5 =	vld [tilespmem:s23+$0xFFFFFF50]  }
0x47a: {  	v9 =	vld [tilespmem:s11+$0xFFFFFC60];
	[tilespmem:s25+$0xFFFFFD90] =	vst v2;
	v2 =	vmul.f32 v7, v4  }
0x47b: {  	v4 =	vld [tilespmem:s23+$0xFFFFFC60]  }
0x47c: {  	v7 =	vld [tilespmem:s11+$0xFFFFFCE0];
	[tilespmem:s25+$0xFFFFFE20] =	vst v2;
	v2 =	vmul.f32 v8, v6  }
0x47d: {  	v6 =	vld [tilespmem:s23+$0xFFFFFCE0]  }
0x47e: {  	v8 =	vld [tilespmem:s11+$0xFFFFFD60];
	[tilespmem:s25+$0xFFFFFEB0] =	vst v2;
	v2 =	vmul.f32 v5, v3  }
0x47f: {  	v3 =	vld [tilespmem:s23+$0xFFFFFD60]  }
0x480: {  	v4 =	vmul.f32 v4, v9;
	v5 =	vld [tilespmem:s11+$0xFFFFFDE0];
	[tilespmem:s25+$0xFFFFFF40] =	vst v2  }
0x481: {  	v2 =	vld [tilespmem:s23+$0xFFFFFDE0]  }
0x482: {  	[tilespmem:s25+$0xFFFFFBF0] =	vst v4;
	v4 =	vmul.f32 v6, v7;
	v6 =	vld [tilespmem:s11+$0xFFFFFE60]  }
0x483: {  	v7 =	vld [tilespmem:s23+$0xFFFFFE60]  }
0x484: {  	[tilespmem:s25+$0xFFFFFC80] =	vst v4;
	v3 =	vmul.f32 v3, v8;
	v4 =	vld [tilespmem:s11+$0xFFFFFEE0]  }
0x485: {  	v8 =	vld [tilespmem:s23+$0xFFFFFEE0]  }
0x486: {  	[tilespmem:s25+$0xFFFFFD10] =	vst v3;
	v2 =	vmul.f32 v2, v5;
	v3 =	vld [tilespmem:s11+$0xFFFFFF60]  }
0x487: {  	v5 =	vld [tilespmem:s23+$0xFFFFFF60]  }
0x488: {  	v9 =	vld [tilespmem:s11+$0xFFFFFC70];
	[tilespmem:s25+$0xFFFFFDA0] =	vst v2;
	v2 =	vmul.f32 v7, v6  }
0x489: {  	v6 =	vld [tilespmem:s23+$0xFFFFFC70]  }
0x48a: {  	v7 =	vld [tilespmem:s11+$0xFFFFFCF0];
	[tilespmem:s25+$0xFFFFFE30] =	vst v2;
	v2 =	vmul.f32 v8, v4  }
0x48b: {  	v4 =	vld [tilespmem:s23+$0xFFFFFCF0]  }
0x48c: {  	v8 =	vld [tilespmem:s11+$0xFFFFFD70];
	[tilespmem:s25+$0xFFFFFEC0] =	vst v2;
	v2 =	vmul.f32 v5, v3  }
0x48d: {  	v3 =	vld [tilespmem:s23+$0xFFFFFD70]  }
0x48e: {  	v5 =	vmul.f32 v6, v9;
	v6 =	vld [tilespmem:s11+$0xFFFFFDF0];
	[tilespmem:s25+$0xFFFFFF50] =	vst v2  }
0x48f: {  	v2 =	vld [tilespmem:s23+$0xFFFFFDF0]  }
0x490: {  	[tilespmem:s25+$0xFFFFFC00] =	vst v5;
	v4 =	vmul.f32 v4, v7;
	v5 =	vld [tilespmem:s11+$0xFFFFFE70]  }
0x491: {  	v7 =	vld [tilespmem:s23+$0xFFFFFE70]  }
0x492: {  	[tilespmem:s25+$0xFFFFFC90] =	vst v4;
	v3 =	vmul.f32 v3, v8;
	v4 =	vld [tilespmem:s11+$0xFFFFFEF0]  }
0x493: {  	v8 =	vld [tilespmem:s23+$0xFFFFFEF0]  }
0x494: {  	[tilespmem:s25+$0xFFFFFD20] =	vst v3;
	v2 =	vmul.f32 v2, v6;
	v3 =	vld [tilespmem:s11+$0xFFFFFF70]  }
0x495: {  	v6 =	vld [tilespmem:s23+$0xFFFFFF70]  }
0x496: {  	v9 =	vld [tilespmem:s11+$0xFFFFFC80];
	[tilespmem:s25+$0xFFFFFDB0] =	vst v2;
	v2 =	vmul.f32 v7, v5  }
0x497: {  	v5 =	vld [tilespmem:s23+$0xFFFFFC80]  }
0x498: {  	v7 =	vld [tilespmem:s11+$0xFFFFFD00];
	[tilespmem:s25+$0xFFFFFE40] =	vst v2;
	v2 =	vmul.f32 v8, v4  }
0x499: {  	v4 =	vld [tilespmem:s23+$0xFFFFFD00]  }
0x49a: {  	v8 =	vld [tilespmem:s11+$0xFFFFFD80];
	[tilespmem:s25+$0xFFFFFED0] =	vst v2;
	v2 =	vmul.f32 v6, v3  }
0x49b: {  	v3 =	vld [tilespmem:s23+$0xFFFFFD80]  }
0x49c: {  	v5 =	vmul.f32 v5, v9;
	v9 =	vld [tilespmem:s11+$0xFFFFFE00];
	[tilespmem:s25+$0xFFFFFF60] =	vst v2  }
0x49d: {  	v10 =	vld [tilespmem:s23+$0xFFFFFE00]  }
0x49e: {  	[tilespmem:s25+$0xFFFFFC10] =	vst v5;
	v5 =	vmul.f32 v4, v7;
	v2 =	vld [tilespmem:s11+$0xFFFFFE80]  }
.Ltmp7:
0x49f: {  	v4 =	vld [tilespmem:s23+$0xFFFFFE80];
	(pc) =	sbr.rel @p0 .LBB2_16-.Ltmp7, $4  }
0x4a0: {  	[tilespmem:s25+$0xFFFFFCA0] =	vst v5;
	v5 =	vmul.f32 v3, v8;
	v3 =	vld [tilespmem:s11+$0xFFFFFF00]  }
0x4a1: {  	v6 =	vld [tilespmem:s23+$0xFFFFFF00]  }
0x4a2: {  	[tilespmem:s25+$0xFFFFFD30] =	vst v5;
	v8 =	vmul.f32 v10, v9;
	v5 =	vld [tilespmem:s11+$0xFFFFFF80]  }
0x4a3: {  	s11 =	sadd.s32 $0x400, s11;
	v7 =	vld [tilespmem:s23+$0xFFFFFF80]  }
0x4a4: {  	_ =	sdelay $0x1  }
0x4a5: {  	v2 =	vmul.f32 v4, v2  }
0x4a6: {  	[tilespmem:s25+$0xFFFFFDC0] =	vst v8;
	v3 =	vmul.f32 v6, v3  }
0x4a7: {  	[tilespmem:s25+$0xFFFFFE50] =	vst v2;
	v2 =	vmul.f32 v7, v5  }
0x4a8: {  	[tilespmem:s25+$0xFFFFFEE0] =	vst v3  }
0x4a9: {  	[tilespmem:s25+$0xFFFFFF70] =	vst v2  }
0x4aa: {  	_ =	swait.ge [sflag:s16], $0x28  }
0x4ab: {  	[sflag:s16] =	ssyncset.done $0x0  }
0x4ac: {  	[sflag:s16] =	ssyncadd.s32 $0xFFFFFFD8  }
0x4ad: {  	[spmem:s4] =	stream.indirect.scatter.add.f32 [tilespmem:s17], [sflag:$0x9], $0x90, s26, s30, $0xb8;
	[tilespmem:$0x1EB40] =	vst v63  }
0x4ae: {  	_ =	swait.ge [sflag:s20], $0x1680  }
0x4af: {  	[sflag:s20] =	ssyncset.done $0x0  }
0x4b0: {  	[sflag:s20] =	ssyncadd.s32 $0xFFFFE980  }
0x4b1: {  	s5 =	stileid.u32;
	[bflag:$0x0] =	sbarrier.arrive $0xFFFF  }
0x4b2: {  	s5 =	sshll.u32 s5, $0x6;
	s11 =	rddreg [dreg:$0xc]  }
0x4b3: {  	s5 =	sor.u32 $0x1C09, s5;
	s23 =	rddreg [dreg:$0xe]  }
0x4b4: {  	[hbm:s11], [sflag:s5] =	dma.local [spmem:s23], $0x2BF2  }
0x4b5: {  	_ =	swait.ge [sflag:s20], $0x2BF2  }
0x4b6: {  	s28 =	rddreg [dreg:$0xf]  }
0x4b7: {  	s31 =	rddreg [dreg:$0xd];
	s11 =	sadd.s32 $0x1, s28  }
0x4b8: {  	p0 =	sne.s32 s11, s31  }
.Ltmp8:
0x4b9: {  	_ = 	snop;
	(pc) =	sbr.rel @p0 .LBB2_1-.Ltmp8, $3  }
0x4ba: {  	_ =	sdelay $0x1  }
0x4bb: {  	[sflag:s20] =	ssyncset.done $0x0  }
0x4bc: {  	[sflag:s20] =	ssyncadd.s32 $0xFFFFD40E  }
0x4bd: {  	_ =	sfence.sel $0x180000  }
0x4be: {  	[bflag:$0x0] =	sbarrier.arrive $0xFFFF  }
0x4bf: {  	_ =	strace $0x90000047  }
0x4c0: {  	s0 =	stileid.u32;
	[bflag:$0x2] =	sbarrier.arrive $0xFFFF  }
0x4c1: {  	p0 =	sne.s32 s0, $0x0;
	s0 =	rddreg [dreg:$0x5]  }
0x4c2: {  	s0 =	sadd.s32 @!p0 $0x100000, s0  }
0x4c3: {  	[sflag:s0] =	ssyncadd.tile.s32 @!p0 $0x1;
	_ =	shalt  }
.Lfunc_end2:
_tile_overlayer_lowered:
.L_overlay_start_2:
0x4c4: {  	(tag) =	ssettag $0x2  }
0x4c5: {  	s0 =	rddreg [dreg:$0x0];
	s2 =	stileid.u32  }
0x4c6: {  	s1 =	rddreg [dreg:$0x1];
	p0 =	sne.s32 s2, $0x0  }
0x4c7: {  	s3 =	rddreg [dreg:$0x2];
	[bflag:$0x3] =	sbarrier.arrive $0xFFFF;
	s2 =	simm.s32 @!p0 $0x1C09  }
0x4c8: {  	[timem:s3], [sflag:s2] =	dma.local @!p0 [hbm:s0], s1  }
0x4c9: {  	s0 =	simm.s32 @!p0 $0x9  }
0x4ca: {  	_ =	swait.ge @!p0 [sflag:s0], s1  }
0x4cb: {  	s1 =	ssub.s32 @!p0 $0x0, s1;
	[sflag:s0] =	ssyncset.done @!p0 $0x0  }
0x4cc: {  	[sflag:s0] =	ssyncadd.s32 @!p0 s1  }
0x4cd: {  	[bflag:$0x3] =	sbarrier.arrive $0xFFFF  }
0x4ce: {  	_ =	shalt  }

</sc_bundles>
